<compile_context>
chip_gen: v7x
topology: tpu7x:2x2x1
jax: 0.10.2.dev20260603
libtpu: 0.0.44.dev20260713+nightly
codegen_flags: <defaults>
</compile_context>

<pallas_src>
import functools

import jax
import jax.numpy as jnp
from jax import lax
from jax.experimental import pallas as pl
from jax.experimental.pallas import tpu as pltpu
from jax.experimental.pallas import tpu_sc as plsc

N = 10000
E = 320000
NC = 2
NS = 16
NW = NC * NS
CH = 128
NBUF = 2
NCHUNK = 80
EPW = NCHUNK * CH
EPAD = EPW * NW
NQ = NCHUNK // NBUF
R = 10240
RPT = R // NS

_MESH = plsc.VectorSubcoreMesh(
    core_axis_name="c", subcore_axis_name="s", num_cores=NC, num_subcores=NS
)


def _make_scatter(D, ones_mode=False):
  row_bufs = [pltpu.VMEM((CH, D), jnp.float32) for _ in range(NBUF)]
  gsems = [pltpu.SemaphoreType.DMA for _ in range(NBUF)]
  ssems = [pltpu.SemaphoreType.DMA for _ in range(NBUF)]
  stage = [] if ones_mode else [
      pltpu.VMEM((NCHUNK, CH), jnp.int32),
      pltpu.VMEM_SHARED((R, D), jnp.float32),
  ]

  @functools.partial(
      pl.kernel,
      out_type=jax.ShapeDtypeStruct((NC, R, D), jnp.float32),
      mesh=_MESH,
      compiler_params=pltpu.CompilerParams(use_tc_tiling_on_sc=False),
      scratch_types=[
          pltpu.VMEM((NCHUNK, CH), jnp.int32),
          pltpu.VMEM_SHARED((R, D), jnp.float32),
      ] + stage + row_bufs + gsems + ssems,
  )
  def scatter(g_hbm, ei_hbm, zero_hbm, out_hbm, dst_v, acc_sh, *rest):
    if ones_mode:
      src_v = g_sh = None
    else:
      src_v, g_sh, rest = rest[0], rest[1], rest[2:]
    rows = rest[:NBUF]
    gsem = rest[NBUF:2 * NBUF]
    ssem = rest[2 * NBUF:]
    cid = lax.axis_index("c")
    sid = lax.axis_index("s")
    wid = cid * NS + sid
    pltpu.sync_copy(ei_hbm.at[1, wid], dst_v)
    if not ones_mode:
      pltpu.sync_copy(ei_hbm.at[0, wid], src_v)
      pltpu.sync_copy(g_hbm.at[pl.ds(sid * RPT, RPT)],
                      g_sh.at[pl.ds(sid * RPT, RPT)])
    pltpu.sync_copy(zero_hbm, acc_sh.at[pl.ds(sid * RPT, RPT)])

    if ones_mode:
      for r in range(CH):
        rows[0][r, :] = jnp.ones((D,), jnp.float32)
    plsc.subcore_barrier()

    if ones_mode:
      def step(q, carry):
        for b in range(NBUF):
          j = NBUF * q + b
          pltpu.async_copy(rows[0], acc_sh.at[dst_v.at[j]], ssem[b], add=True)
        for b in range(NBUF):
          j = NBUF * q + b
          pltpu.make_async_copy(rows[0], acc_sh.at[dst_v.at[j]],
                                ssem[b]).wait()
        return carry

      lax.fori_loop(0, NQ, step, 0)
    else:
      for b in range(NBUF):
        pltpu.async_copy(g_sh.at[src_v.at[b]], rows[b], gsem[b])

      def step(q, carry):
        for b in range(NBUF):
          j = NBUF * q + b
          pltpu.make_async_copy(g_sh.at[src_v.at[j]], rows[b],
                                gsem[b]).wait()
          pltpu.async_copy(rows[b], acc_sh.at[dst_v.at[j]], ssem[b], add=True)
        for b in range(NBUF):
          j = NBUF * q + b
          pltpu.make_async_copy(rows[b], acc_sh.at[dst_v.at[j]],
                                ssem[b]).wait()
          pltpu.async_copy(g_sh.at[src_v.at[j + NBUF]], rows[b], gsem[b])
        return carry

      lax.fori_loop(0, NQ - 1, step, 0)
      for b in range(NBUF):
        j = NBUF * (NQ - 1) + b
        pltpu.make_async_copy(g_sh.at[src_v.at[j]], rows[b], gsem[b]).wait()
        pltpu.async_copy(rows[b], acc_sh.at[dst_v.at[j]], ssem[b], add=True)
      for b in range(NBUF):
        j = NBUF * (NQ - 1) + b
        pltpu.make_async_copy(rows[b], acc_sh.at[dst_v.at[j]], ssem[b]).wait()

    plsc.subcore_barrier()
    pltpu.sync_copy(acc_sh.at[pl.ds(sid * RPT, RPT)],
                    out_hbm.at[cid, pl.ds(sid * RPT, RPT)])

  return scatter


_scatter_deg = _make_scatter(16, ones_mode=True)
_scatter16 = _make_scatter(16)
_scatter64 = _make_scatter(64)


def _k0_body(x_ref, degp_ref, w_ref, h_ref, g_ref, dis_ref, dinv_ref):
  deg = degp_ref[0, :, 0:1] + degp_ref[1, :, 0:1] + 1.0
  dis = lax.rsqrt(deg)
  dinv = 1.0 / deg
  h = jnp.dot(x_ref[...], w_ref[...], preferred_element_type=jnp.float32)
  h_ref[...] = h
  g_ref[...] = h * dis
  dis_ref[...] = dis
  dinv_ref[...] = dinv


def _mid_body(s_ref, h_ref, dis_ref, dinv_ref, b_ref, w_ref, hn_ref, gn_ref):
  dis = dis_ref[...]
  a = dis * (s_ref[0] + s_ref[1]) + dinv_ref[...] * h_ref[...] + b_ref[...]
  a = jnp.maximum(a, 0.0)
  h = jnp.dot(a, w_ref[...], preferred_element_type=jnp.float32)
  hn_ref[...] = h
  gn_ref[...] = h * dis


def _k3_body(s_ref, h_ref, dis_ref, dinv_ref, b_ref, out_ref):
  out_ref[...] = (dis_ref[...] * (s_ref[0] + s_ref[1])
                  + dinv_ref[...] * h_ref[...] + b_ref[...])


def _f32(shape):
  return jax.ShapeDtypeStruct(shape, jnp.float32)


_k0 = pl.pallas_call(
    _k0_body,
    out_shape=(_f32((R, 64)), _f32((R, 64)), _f32((R, 1)), _f32((R, 1))),
)


def _mid(dout):
  return pl.pallas_call(_mid_body, out_shape=(_f32((R, dout)), _f32((R, dout))))


_k1 = _mid(64)
_k2 = _mid(16)
_k3 = pl.pallas_call(_k3_body, out_shape=_f32((R, 16)))


def kernel(x, edge_index, W1, b1, W2, b2, W3, b3):
  ei = edge_index.astype(jnp.int32)
  ei = jnp.pad(ei, ((0, 0), (0, EPAD - E)), constant_values=N)
  ei = ei.reshape(2, NW, NCHUNK, CH)

  xp = jnp.zeros((R, 128), jnp.float32).at[:N].set(x)
  ones16 = jnp.ones((R, 16), jnp.float32)
  zero16 = jnp.zeros((RPT, 16), jnp.float32)
  zero64 = jnp.zeros((RPT, 64), jnp.float32)

  degp = _scatter_deg(ones16, ei, zero16)

  w3p = jnp.zeros((64, 16), jnp.float32).at[:, :6].set(W3)
  b1r = b1.reshape(1, 64)
  b2r = b2.reshape(1, 64)
  b3r = jnp.zeros((1, 16), jnp.float32).at[0, :6].set(b3)

  h1, g1, dis, dinv = _k0(xp, degp, W1)
  s1 = _scatter64(g1, ei, zero64)
  h2, g2 = _k1(s1, h1, dis, dinv, b1r, W2)
  s2 = _scatter64(g2, ei, zero64)
  h3, g3 = _k2(s2, h2, dis, dinv, b2r, w3p)
  s3 = _scatter16(g3, ei, zero16)
  out = _k3(s3, h3, dis, dinv, b3r)
  return out[:N, :6]

# --- scband reference (transcript-rebuilt; emitter-appended) ---
"""Pipeline reference for scband-gcn-26164940767481 (READ-ONLY COPY).

The authoritative reference and input builder live on the scoring server;
editing this copy changes nothing except your own understanding.
"""

import jax, jax.numpy as jnp
import numpy as np

N_NODES = 10000
N_EDGES = 320000


def _gcn_conv(x, edge_index, W, b):
    N = x.shape[0]
    # add self loops (PyG GCNConv default add_self_loops=True)
    loop = jnp.arange(N, dtype=edge_index.dtype)
    src = jnp.concatenate([edge_index[0], loop])
    dst = jnp.concatenate([edge_index[1], loop])
    # linear transform first
    x = x @ W
    # symmetric normalization: deg computed over dst (col) with unit edge weights
    ones = jnp.ones_like(dst, dtype=x.dtype)
    deg = jax.ops.segment_sum(ones, dst, num_segments=N)
    deg_inv_sqrt = jnp.where(deg > 0, jax.lax.rsqrt(deg), 0.0)
    norm = deg_inv_sqrt[src] * deg_inv_sqrt[dst]
    # gather messages from src, scale, scatter-add to dst
    msg = x[src] * norm[:, None]
    out = jax.ops.segment_sum(msg, dst, num_segments=N)
    return out + b


def setup_inputs(seed: int = 0) -> dict:
    key = jax.random.key(seed)
    k_x, k_e, k1, k2, k3 = jax.random.split(key, 5)
    x = jax.random.normal(k_x, (N_NODES, 128), dtype=jnp.float32)
    edge_index = jax.random.randint(k_e, (2, N_EDGES), 0, N_NODES, dtype=jnp.int64)
    # glorot-style init for GCNConv weights, zero bias (PyG default)
    def glorot(k, fan_in, fan_out):
        limit = float(np.sqrt(6.0 / (fan_in + fan_out)))
        return jax.random.uniform(k, (fan_in, fan_out), minval=-limit, maxval=limit, dtype=jnp.float32)
    W1 = glorot(k1, 128, 64)
    b1 = jnp.zeros((64,), dtype=jnp.float32)
    W2 = glorot(k2, 64, 64)
    b2 = jnp.zeros((64,), dtype=jnp.float32)
    W3 = glorot(k3, 64, 6)
    b3 = jnp.zeros((6,), dtype=jnp.float32)
    return {"x": x, "edge_index": edge_index, "W1": W1, "b1": b1, "W2": W2, "b2": b2, "W3": W3, "b3": b3}


def reference(x, edge_index, W1, b1, W2, b2, W3, b3):
    h = _gcn_conv(x, edge_index, W1, b1)
    h = jax.nn.relu(h)
    h = _gcn_conv(h, edge_index, W2, b2)
    h = jax.nn.relu(h)
    h = _gcn_conv(h, edge_index, W3, b3)
    return h

if __name__ == "__main__":
    import jax
    _d = setup_inputs()
    print(jax.jit(kernel)(*tuple(_d.values())))

</pallas_src>

<mosaic_0001>
#map = affine_map<(d0, d1) -> (0, 0)>
#map1 = affine_map<(d0, d1) -> (0, 0, 0, 0)>
#map2 = affine_map<(d0, d1) -> (0, 0, 0)>
module attributes {stable_mosaic.version = 14 : i64} {
  func.func @scatter(%arg0: i32, %arg1: i32, %arg2: memref<10240x64xf32, #tpu.memory_space<hbm>>, %arg3: memref<2x32x80x128xi32, #tpu.memory_space<hbm>>, %arg4: memref<640x64xf32, #tpu.memory_space<hbm>>, %arg5: memref<2x10240x64xf32, #tpu.memory_space<hbm>>, %arg6: memref<80x128xi32, #tpu.memory_space<vmem>>, %arg7: memref<10240x64xf32, #tpu.memory_space<vmem_shared>>, %arg8: memref<80x128xi32, #tpu.memory_space<vmem>>, %arg9: memref<10240x64xf32, #tpu.memory_space<vmem_shared>>, %arg10: memref<128x64xf32, #tpu.memory_space<vmem>>, %arg11: memref<128x64xf32, #tpu.memory_space<vmem>>, %arg12: memref<!tpu.dma_semaphore, #tpu.memory_space<semaphore_mem>>, %arg13: memref<!tpu.dma_semaphore, #tpu.memory_space<semaphore_mem>>, %arg14: memref<!tpu.dma_semaphore, #tpu.memory_space<semaphore_mem>>, %arg15: memref<!tpu.dma_semaphore, #tpu.memory_space<semaphore_mem>>) attributes {dimension_semantics = [#tpu.dimension_semantics<core_parallel>, #tpu.dimension_semantics<subcore_parallel>], iteration_bounds = array<i64: 2, 16>, scalar_prefetch = 0 : i64, scratch_operands = 10 : i64, tpu.core_type = #tpu.core_type<sc_vector_subcore>, window_params = [{transform_indices = #map}, {transform_indices = #map1}, {transform_indices = #map}, {transform_indices = #map2}]} {
    %mul3A = arith.constant 16 : i32
    %mul3A_0 = arith.muli %arg0, %mul3A : i32
    %add3A = arith.addi %mul3A_0, %arg1 : i32
    %run_scoped3A = arith.constant 1 : i32
    "tpu.region"() ({
      %run_scoped3A_72 = tpu.sem_alloc : memref<!tpu.dma_semaphore, #tpu.memory_space<semaphore_mem>>
      %dma_start3A_73 = arith.constant 0 : i32
      %dma_start3A_74 = arith.constant 0 : i32
      %dma_start3A_75 = tpu.memref_slice %arg3[%run_scoped3A, %add3A, %dma_start3A_73, %dma_start3A_74] : memref<2x32x80x128xi32, #tpu.memory_space<hbm>> -> memref<1x1x80x128xi32, #tpu.memory_space<hbm>>
      %dma_start3A_76 = tpu.memref_squeeze %dma_start3A_75 : memref<1x1x80x128xi32, #tpu.memory_space<hbm>> -> memref<80x128xi32, #tpu.memory_space<hbm>>
      %dma_start3A_77 = arith.constant 0 : i32
      %dma_start3A_78 = arith.constant 0 : i32
      %dma_start3A_79 = tpu.memref_slice %arg3[%run_scoped3A, %add3A, %dma_start3A_77, %dma_start3A_78] : memref<2x32x80x128xi32, #tpu.memory_space<hbm>> -> memref<1x1x80x128xi32, #tpu.memory_space<hbm>>
      %dma_start3A_80 = tpu.memref_squeeze %dma_start3A_79 : memref<1x1x80x128xi32, #tpu.memory_space<hbm>> -> memref<80x128xi32, #tpu.memory_space<hbm>>
      tpu.enqueue_dma source(%dma_start3A_80 : memref<80x128xi32, #tpu.memory_space<hbm>>) target(%arg6 : memref<80x128xi32, #tpu.memory_space<vmem>>) target_semaphore(%run_scoped3A_72 : memref<!tpu.dma_semaphore, #tpu.memory_space<semaphore_mem>>)
      %dma_wait3A_81 = arith.constant 0 : i32
      %dma_wait3A_82 = arith.constant 0 : i32
      %dma_wait3A_83 = tpu.memref_slice %arg3[%run_scoped3A, %add3A, %dma_wait3A_81, %dma_wait3A_82] : memref<2x32x80x128xi32, #tpu.memory_space<hbm>> -> memref<1x1x80x128xi32, #tpu.memory_space<hbm>>
      %dma_wait3A_84 = tpu.memref_squeeze %dma_wait3A_83 : memref<1x1x80x128xi32, #tpu.memory_space<hbm>> -> memref<80x128xi32, #tpu.memory_space<hbm>>
      %dma_wait3A_85 = arith.constant 0 : i32
      %dma_wait3A_86 = arith.constant 0 : i32
      %dma_wait3A_87 = tpu.memref_slice %arg3[%run_scoped3A, %add3A, %dma_wait3A_85, %dma_wait3A_86] : memref<2x32x80x128xi32, #tpu.memory_space<hbm>> -> memref<1x1x80x128xi32, #tpu.memory_space<hbm>>
      %dma_wait3A_88 = tpu.memref_squeeze %dma_wait3A_87 : memref<1x1x80x128xi32, #tpu.memory_space<hbm>> -> memref<80x128xi32, #tpu.memory_space<hbm>>
      tpu.wait_dma2 semaphore(%run_scoped3A_72 : memref<!tpu.dma_semaphore, #tpu.memory_space<semaphore_mem>>) src(%dma_wait3A_88 : memref<80x128xi32, #tpu.memory_space<hbm>>) dst(%arg6 : memref<80x128xi32, #tpu.memory_space<vmem>>)
      tpu.yield
    }) : () -> ()
    %run_scoped3A_1 = arith.constant 0 : i32
    "tpu.region"() ({
      %run_scoped3A_72 = tpu.sem_alloc : memref<!tpu.dma_semaphore, #tpu.memory_space<semaphore_mem>>
      %dma_start3A_73 = arith.constant 0 : i32
      %dma_start3A_74 = arith.constant 0 : i32
      %dma_start3A_75 = tpu.memref_slice %arg3[%run_scoped3A_1, %add3A, %dma_start3A_73, %dma_start3A_74] : memref<2x32x80x128xi32, #tpu.memory_space<hbm>> -> memref<1x1x80x128xi32, #tpu.memory_space<hbm>>
      %dma_start3A_76 = tpu.memref_squeeze %dma_start3A_75 : memref<1x1x80x128xi32, #tpu.memory_space<hbm>> -> memref<80x128xi32, #tpu.memory_space<hbm>>
      %dma_start3A_77 = arith.constant 0 : i32
      %dma_start3A_78 = arith.constant 0 : i32
      %dma_start3A_79 = tpu.memref_slice %arg3[%run_scoped3A_1, %add3A, %dma_start3A_77, %dma_start3A_78] : memref<2x32x80x128xi32, #tpu.memory_space<hbm>> -> memref<1x1x80x128xi32, #tpu.memory_space<hbm>>
      %dma_start3A_80 = tpu.memref_squeeze %dma_start3A_79 : memref<1x1x80x128xi32, #tpu.memory_space<hbm>> -> memref<80x128xi32, #tpu.memory_space<hbm>>
      tpu.enqueue_dma source(%dma_start3A_80 : memref<80x128xi32, #tpu.memory_space<hbm>>) target(%arg8 : memref<80x128xi32, #tpu.memory_space<vmem>>) target_semaphore(%run_scoped3A_72 : memref<!tpu.dma_semaphore, #tpu.memory_space<semaphore_mem>>)
      %dma_wait3A_81 = arith.constant 0 : i32
      %dma_wait3A_82 = arith.constant 0 : i32
      %dma_wait3A_83 = tpu.memref_slice %arg3[%run_scoped3A_1, %add3A, %dma_wait3A_81, %dma_wait3A_82] : memref<2x32x80x128xi32, #tpu.memory_space<hbm>> -> memref<1x1x80x128xi32, #tpu.memory_space<hbm>>
      %dma_wait3A_84 = tpu.memref_squeeze %dma_wait3A_83 : memref<1x1x80x128xi32, #tpu.memory_space<hbm>> -> memref<80x128xi32, #tpu.memory_space<hbm>>
      %dma_wait3A_85 = arith.constant 0 : i32
      %dma_wait3A_86 = arith.constant 0 : i32
      %dma_wait3A_87 = tpu.memref_slice %arg3[%run_scoped3A_1, %add3A, %dma_wait3A_85, %dma_wait3A_86] : memref<2x32x80x128xi32, #tpu.memory_space<hbm>> -> memref<1x1x80x128xi32, #tpu.memory_space<hbm>>
      %dma_wait3A_88 = tpu.memref_squeeze %dma_wait3A_87 : memref<1x1x80x128xi32, #tpu.memory_space<hbm>> -> memref<80x128xi32, #tpu.memory_space<hbm>>
      tpu.wait_dma2 semaphore(%run_scoped3A_72 : memref<!tpu.dma_semaphore, #tpu.memory_space<semaphore_mem>>) src(%dma_wait3A_88 : memref<80x128xi32, #tpu.memory_space<hbm>>) dst(%arg8 : memref<80x128xi32, #tpu.memory_space<vmem>>)
      tpu.yield
    }) : () -> ()
    %mul3A_2 = arith.constant 640 : i32
    %mul3A_3 = arith.muli %arg1, %mul3A_2 : i32
    %mul3A_4 = arith.constant 640 : i32
    %mul3A_5 = arith.muli %arg1, %mul3A_4 : i32
    "tpu.region"() ({
      %run_scoped3A_72 = tpu.sem_alloc : memref<!tpu.dma_semaphore, #tpu.memory_space<semaphore_mem>>
      %dma_start3A_73 = arith.constant 0 : i32
      %dma_start3A_74 = tpu.memref_slice %arg9[%mul3A_5, %dma_start3A_73] : memref<10240x64xf32, #tpu.memory_space<vmem_shared>> -> memref<640x64xf32, #tpu.memory_space<vmem_shared>>
      %dma_start3A_75 = arith.constant 0 : i32
      %dma_start3A_76 = tpu.memref_slice %arg2[%mul3A_3, %dma_start3A_75] : memref<10240x64xf32, #tpu.memory_space<hbm>> -> memref<640x64xf32, #tpu.memory_space<hbm>>
      tpu.enqueue_dma source(%dma_start3A_76 : memref<640x64xf32, #tpu.memory_space<hbm>>) target(%dma_start3A_74 : memref<640x64xf32, #tpu.memory_space<vmem_shared>>) target_semaphore(%run_scoped3A_72 : memref<!tpu.dma_semaphore, #tpu.memory_space<semaphore_mem>>)
      %dma_wait3A_77 = arith.constant 0 : i32
      %dma_wait3A_78 = tpu.memref_slice %arg9[%mul3A_5, %dma_wait3A_77] : memref<10240x64xf32, #tpu.memory_space<vmem_shared>> -> memref<640x64xf32, #tpu.memory_space<vmem_shared>>
      %dma_wait3A_79 = arith.constant 0 : i32
      %dma_wait3A_80 = tpu.memref_slice %arg2[%mul3A_3, %dma_wait3A_79] : memref<10240x64xf32, #tpu.memory_space<hbm>> -> memref<640x64xf32, #tpu.memory_space<hbm>>
      tpu.wait_dma2 semaphore(%run_scoped3A_72 : memref<!tpu.dma_semaphore, #tpu.memory_space<semaphore_mem>>) src(%dma_wait3A_80 : memref<640x64xf32, #tpu.memory_space<hbm>>) dst(%dma_wait3A_78 : memref<640x64xf32, #tpu.memory_space<vmem_shared>>)
      tpu.yield
    }) : () -> ()
    %mul3A_6 = arith.constant 640 : i32
    %mul3A_7 = arith.muli %arg1, %mul3A_6 : i32
    "tpu.region"() ({
      %run_scoped3A_72 = tpu.sem_alloc : memref<!tpu.dma_semaphore, #tpu.memory_space<semaphore_mem>>
      %dma_start3A_73 = arith.constant 0 : i32
      %dma_start3A_74 = tpu.memref_slice %arg7[%mul3A_7, %dma_start3A_73] : memref<10240x64xf32, #tpu.memory_space<vmem_shared>> -> memref<640x64xf32, #tpu.memory_space<vmem_shared>>
      tpu.enqueue_dma source(%arg4 : memref<640x64xf32, #tpu.memory_space<hbm>>) target(%dma_start3A_74 : memref<640x64xf32, #tpu.memory_space<vmem_shared>>) target_semaphore(%run_scoped3A_72 : memref<!tpu.dma_semaphore, #tpu.memory_space<semaphore_mem>>)
      %dma_wait3A_75 = arith.constant 0 : i32
      %dma_wait3A_76 = tpu.memref_slice %arg7[%mul3A_7, %dma_wait3A_75] : memref<10240x64xf32, #tpu.memory_space<vmem_shared>> -> memref<640x64xf32, #tpu.memory_space<vmem_shared>>
      tpu.wait_dma2 semaphore(%run_scoped3A_72 : memref<!tpu.dma_semaphore, #tpu.memory_space<semaphore_mem>>) src(%arg4 : memref<640x64xf32, #tpu.memory_space<hbm>>) dst(%dma_wait3A_76 : memref<640x64xf32, #tpu.memory_space<vmem_shared>>)
      tpu.yield
    }) : () -> ()
    %barrier3A = arith.constant 0 : index
    tpu.barrier barrier_id(%barrier3A)
    %dma_start3A = arith.constant 0 : i32
    %dma_start3A_8 = arith.constant 0 : i32
    %dma_start3A_9 = tpu.memref_slice %arg8[%dma_start3A, %dma_start3A_8] : memref<80x128xi32, #tpu.memory_space<vmem>> -> memref<1x128xi32, #tpu.memory_space<vmem>>
    %dma_start3A_10 = tpu.memref_squeeze %dma_start3A_9 : memref<1x128xi32, #tpu.memory_space<vmem>> -> memref<128xi32, #tpu.memory_space<vmem>>
    %dma_start3A_11 = arith.constant 0 : i32
    %dma_start3A_12 = arith.constant 0 : i32
    %dma_start3A_13 = tpu.memref_slice %arg9[%dma_start3A_11, %dma_start3A_12] : memref<10240x64xf32, #tpu.memory_space<vmem_shared>> -> memref<10240x64xf32, #tpu.memory_space<vmem_shared>>
    tpu.enqueue_indirect_dma source(%dma_start3A_13 : memref<10240x64xf32, #tpu.memory_space<vmem_shared>>) target(%arg10 : memref<128x64xf32, #tpu.memory_space<vmem>>) offsets(%dma_start3A_10 : memref<128xi32, #tpu.memory_space<vmem>>) semaphore(%arg12 : memref<!tpu.dma_semaphore, #tpu.memory_space<semaphore_mem>>)
    %dma_start3A_14 = arith.constant 1 : i32
    %dma_start3A_15 = arith.constant 0 : i32
    %dma_start3A_16 = tpu.memref_slice %arg8[%dma_start3A_14, %dma_start3A_15] : memref<80x128xi32, #tpu.memory_space<vmem>> -> memref<1x128xi32, #tpu.memory_space<vmem>>
    %dma_start3A_17 = tpu.memref_squeeze %dma_start3A_16 : memref<1x128xi32, #tpu.memory_space<vmem>> -> memref<128xi32, #tpu.memory_space<vmem>>
    %dma_start3A_18 = arith.constant 0 : i32
    %dma_start3A_19 = arith.constant 0 : i32
    %dma_start3A_20 = tpu.memref_slice %arg9[%dma_start3A_18, %dma_start3A_19] : memref<10240x64xf32, #tpu.memory_space<vmem_shared>> -> memref<10240x64xf32, #tpu.memory_space<vmem_shared>>
    tpu.enqueue_indirect_dma source(%dma_start3A_20 : memref<10240x64xf32, #tpu.memory_space<vmem_shared>>) target(%arg11 : memref<128x64xf32, #tpu.memory_space<vmem>>) offsets(%dma_start3A_17 : memref<128xi32, #tpu.memory_space<vmem>>) semaphore(%arg13 : memref<!tpu.dma_semaphore, #tpu.memory_space<semaphore_mem>>)
    %scan3A = arith.constant 0 : i32
    %scan3A_21 = arith.constant 0 : i32
    %scan3A_22 = arith.constant 39 : i32
    %scan3A_23 = arith.addi %scan3A_21, %scan3A_22 : i32
    %scan3A_24 = arith.constant 1 : i32
    scf.for %scan3A_72 = %scan3A_21 to %scan3A_23 step %scan3A_24  : i32 {
      %mul3A_73 = arith.constant 2 : i32
      %mul3A_74 = arith.muli %mul3A_73, %scan3A_72 : i32
      %add3A_75 = arith.constant 0 : i32
      %add3A_76 = arith.addi %mul3A_74, %add3A_75 : i32
      %dma_wait3A_77 = arith.constant 0 : i32
      %dma_wait3A_78 = tpu.memref_slice %arg8[%add3A_76, %dma_wait3A_77] : memref<80x128xi32, #tpu.memory_space<vmem>> -> memref<1x128xi32, #tpu.memory_space<vmem>>
      %dma_wait3A_79 = tpu.memref_squeeze %dma_wait3A_78 : memref<1x128xi32, #tpu.memory_space<vmem>> -> memref<128xi32, #tpu.memory_space<vmem>>
      %dma_wait3A_80 = arith.constant 0 : i32
      %dma_wait3A_81 = arith.constant 0 : i32
      %dma_wait3A_82 = tpu.memref_slice %arg9[%dma_wait3A_80, %dma_wait3A_81] : memref<10240x64xf32, #tpu.memory_space<vmem_shared>> -> memref<10240x64xf32, #tpu.memory_space<vmem_shared>>
      tpu.wait_indirect_dma semaphore(%arg12 : memref<!tpu.dma_semaphore, #tpu.memory_space<semaphore_mem>>) src(%dma_wait3A_82 : memref<10240x64xf32, #tpu.memory_space<vmem_shared>>) dst(%arg10 : memref<128x64xf32, #tpu.memory_space<vmem>>)
      %dma_start3A_83 = arith.constant 0 : i32
      %dma_start3A_84 = tpu.memref_slice %arg6[%add3A_76, %dma_start3A_83] : memref<80x128xi32, #tpu.memory_space<vmem>> -> memref<1x128xi32, #tpu.memory_space<vmem>>
      %dma_start3A_85 = tpu.memref_squeeze %dma_start3A_84 : memref<1x128xi32, #tpu.memory_space<vmem>> -> memref<128xi32, #tpu.memory_space<vmem>>
      %dma_start3A_86 = arith.constant 0 : i32
      %dma_start3A_87 = arith.constant 0 : i32
      %dma_start3A_88 = tpu.memref_slice %arg7[%dma_start3A_86, %dma_start3A_87] : memref<10240x64xf32, #tpu.memory_space<vmem_shared>> -> memref<10240x64xf32, #tpu.memory_space<vmem_shared>>
      tpu.enqueue_indirect_dma source(%arg10 : memref<128x64xf32, #tpu.memory_space<vmem>>) target(%dma_start3A_88 : memref<10240x64xf32, #tpu.memory_space<vmem_shared>>) offsets(%dma_start3A_85 : memref<128xi32, #tpu.memory_space<vmem>>) semaphore(%arg14 : memref<!tpu.dma_semaphore, #tpu.memory_space<semaphore_mem>>) {add = true}
      %mul3A_89 = arith.constant 2 : i32
      %mul3A_90 = arith.muli %mul3A_89, %scan3A_72 : i32
      %add3A_91 = arith.constant 1 : i32
      %add3A_92 = arith.addi %mul3A_90, %add3A_91 : i32
      %dma_wait3A_93 = arith.constant 0 : i32
      %dma_wait3A_94 = tpu.memref_slice %arg8[%add3A_92, %dma_wait3A_93] : memref<80x128xi32, #tpu.memory_space<vmem>> -> memref<1x128xi32, #tpu.memory_space<vmem>>
      %dma_wait3A_95 = tpu.memref_squeeze %dma_wait3A_94 : memref<1x128xi32, #tpu.memory_space<vmem>> -> memref<128xi32, #tpu.memory_space<vmem>>
      %dma_wait3A_96 = arith.constant 0 : i32
      %dma_wait3A_97 = arith.constant 0 : i32
      %dma_wait3A_98 = tpu.memref_slice %arg9[%dma_wait3A_96, %dma_wait3A_97] : memref<10240x64xf32, #tpu.memory_space<vmem_shared>> -> memref<10240x64xf32, #tpu.memory_space<vmem_shared>>
      tpu.wait_indirect_dma semaphore(%arg13 : memref<!tpu.dma_semaphore, #tpu.memory_space<semaphore_mem>>) src(%dma_wait3A_98 : memref<10240x64xf32, #tpu.memory_space<vmem_shared>>) dst(%arg11 : memref<128x64xf32, #tpu.memory_space<vmem>>)
      %dma_start3A_99 = arith.constant 0 : i32
      %dma_start3A_100 = tpu.memref_slice %arg6[%add3A_92, %dma_start3A_99] : memref<80x128xi32, #tpu.memory_space<vmem>> -> memref<1x128xi32, #tpu.memory_space<vmem>>
      %dma_start3A_101 = tpu.memref_squeeze %dma_start3A_100 : memref<1x128xi32, #tpu.memory_space<vmem>> -> memref<128xi32, #tpu.memory_space<vmem>>
      %dma_start3A_102 = arith.constant 0 : i32
      %dma_start3A_103 = arith.constant 0 : i32
      %dma_start3A_104 = tpu.memref_slice %arg7[%dma_start3A_102, %dma_start3A_103] : memref<10240x64xf32, #tpu.memory_space<vmem_shared>> -> memref<10240x64xf32, #tpu.memory_space<vmem_shared>>
      tpu.enqueue_indirect_dma source(%arg11 : memref<128x64xf32, #tpu.memory_space<vmem>>) target(%dma_start3A_104 : memref<10240x64xf32, #tpu.memory_space<vmem_shared>>) offsets(%dma_start3A_101 : memref<128xi32, #tpu.memory_space<vmem>>) semaphore(%arg15 : memref<!tpu.dma_semaphore, #tpu.memory_space<semaphore_mem>>) {add = true}
      %mul3A_105 = arith.constant 2 : i32
      %mul3A_106 = arith.muli %mul3A_105, %scan3A_72 : i32
      %add3A_107 = arith.constant 0 : i32
      %add3A_108 = arith.addi %mul3A_106, %add3A_107 : i32
      %dma_wait3A_109 = arith.constant 0 : i32
      %dma_wait3A_110 = tpu.memref_slice %arg6[%add3A_108, %dma_wait3A_109] : memref<80x128xi32, #tpu.memory_space<vmem>> -> memref<1x128xi32, #tpu.memory_space<vmem>>
      %dma_wait3A_111 = tpu.memref_squeeze %dma_wait3A_110 : memref<1x128xi32, #tpu.memory_space<vmem>> -> memref<128xi32, #tpu.memory_space<vmem>>
      %dma_wait3A_112 = arith.constant 0 : i32
      %dma_wait3A_113 = arith.constant 0 : i32
      %dma_wait3A_114 = tpu.memref_slice %arg7[%dma_wait3A_112, %dma_wait3A_113] : memref<10240x64xf32, #tpu.memory_space<vmem_shared>> -> memref<10240x64xf32, #tpu.memory_space<vmem_shared>>
      tpu.wait_indirect_dma semaphore(%arg14 : memref<!tpu.dma_semaphore, #tpu.memory_space<semaphore_mem>>) src(%arg10 : memref<128x64xf32, #tpu.memory_space<vmem>>) dst(%dma_wait3A_114 : memref<10240x64xf32, #tpu.memory_space<vmem_shared>>)
      %add3A_115 = arith.constant 2 : i32
      %add3A_116 = arith.addi %add3A_108, %add3A_115 : i32
      %dma_start3A_117 = arith.constant 0 : i32
      %dma_start3A_118 = tpu.memref_slice %arg8[%add3A_116, %dma_start3A_117] : memref<80x128xi32, #tpu.memory_space<vmem>> -> memref<1x128xi32, #tpu.memory_space<vmem>>
      %dma_start3A_119 = tpu.memref_squeeze %dma_start3A_118 : memref<1x128xi32, #tpu.memory_space<vmem>> -> memref<128xi32, #tpu.memory_space<vmem>>
      %dma_start3A_120 = arith.constant 0 : i32
      %dma_start3A_121 = arith.constant 0 : i32
      %dma_start3A_122 = tpu.memref_slice %arg9[%dma_start3A_120, %dma_start3A_121] : memref<10240x64xf32, #tpu.memory_space<vmem_shared>> -> memref<10240x64xf32, #tpu.memory_space<vmem_shared>>
      tpu.enqueue_indirect_dma source(%dma_start3A_122 : memref<10240x64xf32, #tpu.memory_space<vmem_shared>>) target(%arg10 : memref<128x64xf32, #tpu.memory_space<vmem>>) offsets(%dma_start3A_119 : memref<128xi32, #tpu.memory_space<vmem>>) semaphore(%arg12 : memref<!tpu.dma_semaphore, #tpu.memory_space<semaphore_mem>>)
      %mul3A_123 = arith.constant 2 : i32
      %mul3A_124 = arith.muli %mul3A_123, %scan3A_72 : i32
      %add3A_125 = arith.constant 1 : i32
      %add3A_126 = arith.addi %mul3A_124, %add3A_125 : i32
      %dma_wait3A_127 = arith.constant 0 : i32
      %dma_wait3A_128 = tpu.memref_slice %arg6[%add3A_126, %dma_wait3A_127] : memref<80x128xi32, #tpu.memory_space<vmem>> -> memref<1x128xi32, #tpu.memory_space<vmem>>
      %dma_wait3A_129 = tpu.memref_squeeze %dma_wait3A_128 : memref<1x128xi32, #tpu.memory_space<vmem>> -> memref<128xi32, #tpu.memory_space<vmem>>
      %dma_wait3A_130 = arith.constant 0 : i32
      %dma_wait3A_131 = arith.constant 0 : i32
      %dma_wait3A_132 = tpu.memref_slice %arg7[%dma_wait3A_130, %dma_wait3A_131] : memref<10240x64xf32, #tpu.memory_space<vmem_shared>> -> memref<10240x64xf32, #tpu.memory_space<vmem_shared>>
      tpu.wait_indirect_dma semaphore(%arg15 : memref<!tpu.dma_semaphore, #tpu.memory_space<semaphore_mem>>) src(%arg11 : memref<128x64xf32, #tpu.memory_space<vmem>>) dst(%dma_wait3A_132 : memref<10240x64xf32, #tpu.memory_space<vmem_shared>>)
      %add3A_133 = arith.constant 2 : i32
      %add3A_134 = arith.addi %add3A_126, %add3A_133 : i32
      %dma_start3A_135 = arith.constant 0 : i32
      %dma_start3A_136 = tpu.memref_slice %arg8[%add3A_134, %dma_start3A_135] : memref<80x128xi32, #tpu.memory_space<vmem>> -> memref<1x128xi32, #tpu.memory_space<vmem>>
      %dma_start3A_137 = tpu.memref_squeeze %dma_start3A_136 : memref<1x128xi32, #tpu.memory_space<vmem>> -> memref<128xi32, #tpu.memory_space<vmem>>
      %dma_start3A_138 = arith.constant 0 : i32
      %dma_start3A_139 = arith.constant 0 : i32
      %dma_start3A_140 = tpu.memref_slice %arg9[%dma_start3A_138, %dma_start3A_139] : memref<10240x64xf32, #tpu.memory_space<vmem_shared>> -> memref<10240x64xf32, #tpu.memory_space<vmem_shared>>
      tpu.enqueue_indirect_dma source(%dma_start3A_140 : memref<10240x64xf32, #tpu.memory_space<vmem_shared>>) target(%arg11 : memref<128x64xf32, #tpu.memory_space<vmem>>) offsets(%dma_start3A_137 : memref<128xi32, #tpu.memory_space<vmem>>) semaphore(%arg13 : memref<!tpu.dma_semaphore, #tpu.memory_space<semaphore_mem>>)
    }
    %scan3A_25 = arith.constant 39 : i32
    %dma_wait3A = arith.constant 78 : i32
    %dma_wait3A_26 = arith.constant 0 : i32
    %dma_wait3A_27 = tpu.memref_slice %arg8[%dma_wait3A, %dma_wait3A_26] : memref<80x128xi32, #tpu.memory_space<vmem>> -> memref<1x128xi32, #tpu.memory_space<vmem>>
    %dma_wait3A_28 = tpu.memref_squeeze %dma_wait3A_27 : memref<1x128xi32, #tpu.memory_space<vmem>> -> memref<128xi32, #tpu.memory_space<vmem>>
    %dma_wait3A_29 = arith.constant 0 : i32
    %dma_wait3A_30 = arith.constant 0 : i32
    %dma_wait3A_31 = tpu.memref_slice %arg9[%dma_wait3A_29, %dma_wait3A_30] : memref<10240x64xf32, #tpu.memory_space<vmem_shared>> -> memref<10240x64xf32, #tpu.memory_space<vmem_shared>>
    tpu.wait_indirect_dma semaphore(%arg12 : memref<!tpu.dma_semaphore, #tpu.memory_space<semaphore_mem>>) src(%dma_wait3A_31 : memref<10240x64xf32, #tpu.memory_space<vmem_shared>>) dst(%arg10 : memref<128x64xf32, #tpu.memory_space<vmem>>)
    %dma_start3A_32 = arith.constant 78 : i32
    %dma_start3A_33 = arith.constant 0 : i32
    %dma_start3A_34 = tpu.memref_slice %arg6[%dma_start3A_32, %dma_start3A_33] : memref<80x128xi32, #tpu.memory_space<vmem>> -> memref<1x128xi32, #tpu.memory_space<vmem>>
    %dma_start3A_35 = tpu.memref_squeeze %dma_start3A_34 : memref<1x128xi32, #tpu.memory_space<vmem>> -> memref<128xi32, #tpu.memory_space<vmem>>
    %dma_start3A_36 = arith.constant 0 : i32
    %dma_start3A_37 = arith.constant 0 : i32
    %dma_start3A_38 = tpu.memref_slice %arg7[%dma_start3A_36, %dma_start3A_37] : memref<10240x64xf32, #tpu.memory_space<vmem_shared>> -> memref<10240x64xf32, #tpu.memory_space<vmem_shared>>
    tpu.enqueue_indirect_dma source(%arg10 : memref<128x64xf32, #tpu.memory_space<vmem>>) target(%dma_start3A_38 : memref<10240x64xf32, #tpu.memory_space<vmem_shared>>) offsets(%dma_start3A_35 : memref<128xi32, #tpu.memory_space<vmem>>) semaphore(%arg14 : memref<!tpu.dma_semaphore, #tpu.memory_space<semaphore_mem>>) {add = true}
    %dma_wait3A_39 = arith.constant 79 : i32
    %dma_wait3A_40 = arith.constant 0 : i32
    %dma_wait3A_41 = tpu.memref_slice %arg8[%dma_wait3A_39, %dma_wait3A_40] : memref<80x128xi32, #tpu.memory_space<vmem>> -> memref<1x128xi32, #tpu.memory_space<vmem>>
    %dma_wait3A_42 = tpu.memref_squeeze %dma_wait3A_41 : memref<1x128xi32, #tpu.memory_space<vmem>> -> memref<128xi32, #tpu.memory_space<vmem>>
    %dma_wait3A_43 = arith.constant 0 : i32
    %dma_wait3A_44 = arith.constant 0 : i32
    %dma_wait3A_45 = tpu.memref_slice %arg9[%dma_wait3A_43, %dma_wait3A_44] : memref<10240x64xf32, #tpu.memory_space<vmem_shared>> -> memref<10240x64xf32, #tpu.memory_space<vmem_shared>>
    tpu.wait_indirect_dma semaphore(%arg13 : memref<!tpu.dma_semaphore, #tpu.memory_space<semaphore_mem>>) src(%dma_wait3A_45 : memref<10240x64xf32, #tpu.memory_space<vmem_shared>>) dst(%arg11 : memref<128x64xf32, #tpu.memory_space<vmem>>)
    %dma_start3A_46 = arith.constant 79 : i32
    %dma_start3A_47 = arith.constant 0 : i32
    %dma_start3A_48 = tpu.memref_slice %arg6[%dma_start3A_46, %dma_start3A_47] : memref<80x128xi32, #tpu.memory_space<vmem>> -> memref<1x128xi32, #tpu.memory_space<vmem>>
    %dma_start3A_49 = tpu.memref_squeeze %dma_start3A_48 : memref<1x128xi32, #tpu.memory_space<vmem>> -> memref<128xi32, #tpu.memory_space<vmem>>
    %dma_start3A_50 = arith.constant 0 : i32
    %dma_start3A_51 = arith.constant 0 : i32
    %dma_start3A_52 = tpu.memref_slice %arg7[%dma_start3A_50, %dma_start3A_51] : memref<10240x64xf32, #tpu.memory_space<vmem_shared>> -> memref<10240x64xf32, #tpu.memory_space<vmem_shared>>
    tpu.enqueue_indirect_dma source(%arg11 : memref<128x64xf32, #tpu.memory_space<vmem>>) target(%dma_start3A_52 : memref<10240x64xf32, #tpu.memory_space<vmem_shared>>) offsets(%dma_start3A_49 : memref<128xi32, #tpu.memory_space<vmem>>) semaphore(%arg15 : memref<!tpu.dma_semaphore, #tpu.memory_space<semaphore_mem>>) {add = true}
    %dma_wait3A_53 = arith.constant 78 : i32
    %dma_wait3A_54 = arith.constant 0 : i32
    %dma_wait3A_55 = tpu.memref_slice %arg6[%dma_wait3A_53, %dma_wait3A_54] : memref<80x128xi32, #tpu.memory_space<vmem>> -> memref<1x128xi32, #tpu.memory_space<vmem>>
    %dma_wait3A_56 = tpu.memref_squeeze %dma_wait3A_55 : memref<1x128xi32, #tpu.memory_space<vmem>> -> memref<128xi32, #tpu.memory_space<vmem>>
    %dma_wait3A_57 = arith.constant 0 : i32
    %dma_wait3A_58 = arith.constant 0 : i32
    %dma_wait3A_59 = tpu.memref_slice %arg7[%dma_wait3A_57, %dma_wait3A_58] : memref<10240x64xf32, #tpu.memory_space<vmem_shared>> -> memref<10240x64xf32, #tpu.memory_space<vmem_shared>>
    tpu.wait_indirect_dma semaphore(%arg14 : memref<!tpu.dma_semaphore, #tpu.memory_space<semaphore_mem>>) src(%arg10 : memref<128x64xf32, #tpu.memory_space<vmem>>) dst(%dma_wait3A_59 : memref<10240x64xf32, #tpu.memory_space<vmem_shared>>)
    %dma_wait3A_60 = arith.constant 79 : i32
    %dma_wait3A_61 = arith.constant 0 : i32
    %dma_wait3A_62 = tpu.memref_slice %arg6[%dma_wait3A_60, %dma_wait3A_61] : memref<80x128xi32, #tpu.memory_space<vmem>> -> memref<1x128xi32, #tpu.memory_space<vmem>>
    %dma_wait3A_63 = tpu.memref_squeeze %dma_wait3A_62 : memref<1x128xi32, #tpu.memory_space<vmem>> -> memref<128xi32, #tpu.memory_space<vmem>>
    %dma_wait3A_64 = arith.constant 0 : i32
    %dma_wait3A_65 = arith.constant 0 : i32
    %dma_wait3A_66 = tpu.memref_slice %arg7[%dma_wait3A_64, %dma_wait3A_65] : memref<10240x64xf32, #tpu.memory_space<vmem_shared>> -> memref<10240x64xf32, #tpu.memory_space<vmem_shared>>
    tpu.wait_indirect_dma semaphore(%arg15 : memref<!tpu.dma_semaphore, #tpu.memory_space<semaphore_mem>>) src(%arg11 : memref<128x64xf32, #tpu.memory_space<vmem>>) dst(%dma_wait3A_66 : memref<10240x64xf32, #tpu.memory_space<vmem_shared>>)
    %barrier3A_67 = arith.constant 0 : index
    tpu.barrier barrier_id(%barrier3A_67)
    %mul3A_68 = arith.constant 640 : i32
    %mul3A_69 = arith.muli %arg1, %mul3A_68 : i32
    %mul3A_70 = arith.constant 640 : i32
    %mul3A_71 = arith.muli %arg1, %mul3A_70 : i32
    "tpu.region"() ({
      %run_scoped3A_72 = tpu.sem_alloc : memref<!tpu.dma_semaphore, #tpu.memory_space<semaphore_mem>>
      %dma_start3A_73 = arith.constant 0 : i32
      %dma_start3A_74 = tpu.memref_slice %arg5[%arg0, %mul3A_71, %dma_start3A_73] : memref<2x10240x64xf32, #tpu.memory_space<hbm>> -> memref<1x640x64xf32, #tpu.memory_space<hbm>>
      %dma_start3A_75 = tpu.memref_squeeze %dma_start3A_74 : memref<1x640x64xf32, #tpu.memory_space<hbm>> -> memref<640x64xf32, #tpu.memory_space<hbm>>
      %dma_start3A_76 = arith.constant 0 : i32
      %dma_start3A_77 = tpu.memref_slice %arg7[%mul3A_69, %dma_start3A_76] : memref<10240x64xf32, #tpu.memory_space<vmem_shared>> -> memref<640x64xf32, #tpu.memory_space<vmem_shared>>
      tpu.enqueue_dma source(%dma_start3A_77 : memref<640x64xf32, #tpu.memory_space<vmem_shared>>) target(%dma_start3A_75 : memref<640x64xf32, #tpu.memory_space<hbm>>) target_semaphore(%run_scoped3A_72 : memref<!tpu.dma_semaphore, #tpu.memory_space<semaphore_mem>>)
      %dma_wait3A_78 = arith.constant 0 : i32
      %dma_wait3A_79 = tpu.memref_slice %arg5[%arg0, %mul3A_71, %dma_wait3A_78] : memref<2x10240x64xf32, #tpu.memory_space<hbm>> -> memref<1x640x64xf32, #tpu.memory_space<hbm>>
      %dma_wait3A_80 = tpu.memref_squeeze %dma_wait3A_79 : memref<1x640x64xf32, #tpu.memory_space<hbm>> -> memref<640x64xf32, #tpu.memory_space<hbm>>
      %dma_wait3A_81 = arith.constant 0 : i32
      %dma_wait3A_82 = tpu.memref_slice %arg7[%mul3A_69, %dma_wait3A_81] : memref<10240x64xf32, #tpu.memory_space<vmem_shared>> -> memref<640x64xf32, #tpu.memory_space<vmem_shared>>
      tpu.wait_dma2 semaphore(%run_scoped3A_72 : memref<!tpu.dma_semaphore, #tpu.memory_space<semaphore_mem>>) src(%dma_wait3A_82 : memref<640x64xf32, #tpu.memory_space<vmem_shared>>) dst(%dma_wait3A_80 : memref<640x64xf32, #tpu.memory_space<hbm>>)
      tpu.yield
    }) : () -> ()
    return
  }
}

#map = affine_map<(d0, d1) -> (0, 0)>
#map1 = affine_map<(d0, d1) -> (0, 0, 0, 0)>
#map2 = affine_map<(d0, d1) -> (0, 0, 0)>
module attributes {stable_mosaic.version = 14 : i64} {
  func.func @scatter(%arg0: i32, %arg1: i32, %arg2: memref<10240x16xf32, #tpu.memory_space<hbm>>, %arg3: memref<2x32x80x128xi32, #tpu.memory_space<hbm>>, %arg4: memref<640x16xf32, #tpu.memory_space<hbm>>, %arg5: memref<2x10240x16xf32, #tpu.memory_space<hbm>>, %arg6: memref<80x128xi32, #tpu.memory_space<vmem>>, %arg7: memref<10240x16xf32, #tpu.memory_space<vmem_shared>>, %arg8: memref<128x16xf32, #tpu.memory_space<vmem>>, %arg9: memref<128x16xf32, #tpu.memory_space<vmem>>, %arg10: memref<!tpu.dma_semaphore, #tpu.memory_space<semaphore_mem>>, %arg11: memref<!tpu.dma_semaphore, #tpu.memory_space<semaphore_mem>>, %arg12: memref<!tpu.dma_semaphore, #tpu.memory_space<semaphore_mem>>, %arg13: memref<!tpu.dma_semaphore, #tpu.memory_space<semaphore_mem>>) attributes {dimension_semantics = [#tpu.dimension_semantics<core_parallel>, #tpu.dimension_semantics<subcore_parallel>], iteration_bounds = array<i64: 2, 16>, scalar_prefetch = 0 : i64, scratch_operands = 8 : i64, tpu.core_type = #tpu.core_type<sc_vector_subcore>, window_params = [{transform_indices = #map}, {transform_indices = #map1}, {transform_indices = #map}, {transform_indices = #map2}]} {
    %mul3A = arith.constant 16 : i32
    %mul3A_0 = arith.muli %arg0, %mul3A : i32
    %add3A = arith.addi %mul3A_0, %arg1 : i32
    %run_scoped3A = arith.constant 1 : i32
    "tpu.region"() ({
      %run_scoped3A_1035 = tpu.sem_alloc : memref<!tpu.dma_semaphore, #tpu.memory_space<semaphore_mem>>
      %dma_start3A = arith.constant 0 : i32
      %dma_start3A_1036 = arith.constant 0 : i32
      %dma_start3A_1037 = tpu.memref_slice %arg3[%run_scoped3A, %add3A, %dma_start3A, %dma_start3A_1036] : memref<2x32x80x128xi32, #tpu.memory_space<hbm>> -> memref<1x1x80x128xi32, #tpu.memory_space<hbm>>
      %dma_start3A_1038 = tpu.memref_squeeze %dma_start3A_1037 : memref<1x1x80x128xi32, #tpu.memory_space<hbm>> -> memref<80x128xi32, #tpu.memory_space<hbm>>
      %dma_start3A_1039 = arith.constant 0 : i32
      %dma_start3A_1040 = arith.constant 0 : i32
      %dma_start3A_1041 = tpu.memref_slice %arg3[%run_scoped3A, %add3A, %dma_start3A_1039, %dma_start3A_1040] : memref<2x32x80x128xi32, #tpu.memory_space<hbm>> -> memref<1x1x80x128xi32, #tpu.memory_space<hbm>>
      %dma_start3A_1042 = tpu.memref_squeeze %dma_start3A_1041 : memref<1x1x80x128xi32, #tpu.memory_space<hbm>> -> memref<80x128xi32, #tpu.memory_space<hbm>>
      tpu.enqueue_dma source(%dma_start3A_1042 : memref<80x128xi32, #tpu.memory_space<hbm>>) target(%arg6 : memref<80x128xi32, #tpu.memory_space<vmem>>) target_semaphore(%run_scoped3A_1035 : memref<!tpu.dma_semaphore, #tpu.memory_space<semaphore_mem>>)
      %dma_wait3A = arith.constant 0 : i32
      %dma_wait3A_1043 = arith.constant 0 : i32
      %dma_wait3A_1044 = tpu.memref_slice %arg3[%run_scoped3A, %add3A, %dma_wait3A, %dma_wait3A_1043] : memref<2x32x80x128xi32, #tpu.memory_space<hbm>> -> memref<1x1x80x128xi32, #tpu.memory_space<hbm>>
      %dma_wait3A_1045 = tpu.memref_squeeze %dma_wait3A_1044 : memref<1x1x80x128xi32, #tpu.memory_space<hbm>> -> memref<80x128xi32, #tpu.memory_space<hbm>>
      %dma_wait3A_1046 = arith.constant 0 : i32
      %dma_wait3A_1047 = arith.constant 0 : i32
      %dma_wait3A_1048 = tpu.memref_slice %arg3[%run_scoped3A, %add3A, %dma_wait3A_1046, %dma_wait3A_1047] : memref<2x32x80x128xi32, #tpu.memory_space<hbm>> -> memref<1x1x80x128xi32, #tpu.memory_space<hbm>>
      %dma_wait3A_1049 = tpu.memref_squeeze %dma_wait3A_1048 : memref<1x1x80x128xi32, #tpu.memory_space<hbm>> -> memref<80x128xi32, #tpu.memory_space<hbm>>
      tpu.wait_dma2 semaphore(%run_scoped3A_1035 : memref<!tpu.dma_semaphore, #tpu.memory_space<semaphore_mem>>) src(%dma_wait3A_1049 : memref<80x128xi32, #tpu.memory_space<hbm>>) dst(%arg6 : memref<80x128xi32, #tpu.memory_space<vmem>>)
      tpu.yield
    }) : () -> ()
    %mul3A_1 = arith.constant 640 : i32
    %mul3A_2 = arith.muli %arg1, %mul3A_1 : i32
    "tpu.region"() ({
      %run_scoped3A_1035 = tpu.sem_alloc : memref<!tpu.dma_semaphore, #tpu.memory_space<semaphore_mem>>
      %dma_start3A = arith.constant 0 : i32
      %dma_start3A_1036 = tpu.memref_slice %arg7[%mul3A_2, %dma_start3A] : memref<10240x16xf32, #tpu.memory_space<vmem_shared>> -> memref<640x16xf32, #tpu.memory_space<vmem_shared>>
      tpu.enqueue_dma source(%arg4 : memref<640x16xf32, #tpu.memory_space<hbm>>) target(%dma_start3A_1036 : memref<640x16xf32, #tpu.memory_space<vmem_shared>>) target_semaphore(%run_scoped3A_1035 : memref<!tpu.dma_semaphore, #tpu.memory_space<semaphore_mem>>)
      %dma_wait3A = arith.constant 0 : i32
      %dma_wait3A_1037 = tpu.memref_slice %arg7[%mul3A_2, %dma_wait3A] : memref<10240x16xf32, #tpu.memory_space<vmem_shared>> -> memref<640x16xf32, #tpu.memory_space<vmem_shared>>
      tpu.wait_dma2 semaphore(%run_scoped3A_1035 : memref<!tpu.dma_semaphore, #tpu.memory_space<semaphore_mem>>) src(%arg4 : memref<640x16xf32, #tpu.memory_space<hbm>>) dst(%dma_wait3A_1037 : memref<640x16xf32, #tpu.memory_space<vmem_shared>>)
      tpu.yield
    }) : () -> ()
    %broadcast_in_dim3A = arith.constant 1.000000e+00 : f32
    %broadcast_in_dim3A_3 = vector.broadcast %broadcast_in_dim3A : f32 to vector<16xf32>
    %swap3A = arith.constant 0 : i32
    %swap3A_4 = arith.index_cast %swap3A : i32 to index
    %swap3A_5 = arith.constant 0 : index
    %swap3A_6 = tpu.vector_load %arg8[%swap3A_4, %swap3A_5] {strides = array<i32>} : memref<128x16xf32, #tpu.memory_space<vmem>>, vector<1x16xf32>,
    %swap3A_7 = vector.shape_cast %swap3A_6 : vector<1x16xf32> to vector<16xf32>
    %swap3A_8 = vector.shape_cast %broadcast_in_dim3A_3 : vector<16xf32> to vector<1x16xf32>
    tpu.vector_store %arg8[%swap3A_4, %swap3A_5], %swap3A_8 {strides = array<i32>} : memref<128x16xf32, #tpu.memory_space<vmem>>, vector<1x16xf32>,
    %broadcast_in_dim3A_9 = arith.constant 1.000000e+00 : f32
    %broadcast_in_dim3A_10 = vector.broadcast %broadcast_in_dim3A_9 : f32 to vector<16xf32>
    %swap3A_11 = arith.constant 1 : i32
    %swap3A_12 = arith.index_cast %swap3A_11 : i32 to index
    %swap3A_13 = arith.constant 0 : index
    %swap3A_14 = tpu.vector_load %arg8[%swap3A_12, %swap3A_13] {strides = array<i32>} : memref<128x16xf32, #tpu.memory_space<vmem>>, vector<1x16xf32>,
    %swap3A_15 = vector.shape_cast %swap3A_14 : vector<1x16xf32> to vector<16xf32>
    %swap3A_16 = vector.shape_cast %broadcast_in_dim3A_10 : vector<16xf32> to vector<1x16xf32>
    tpu.vector_store %arg8[%swap3A_12, %swap3A_13], %swap3A_16 {strides = array<i32>} : memref<128x16xf32, #tpu.memory_space<vmem>>, vector<1x16xf32>,
    %broadcast_in_dim3A_17 = arith.constant 1.000000e+00 : f32
    %broadcast_in_dim3A_18 = vector.broadcast %broadcast_in_dim3A_17 : f32 to vector<16xf32>
    %swap3A_19 = arith.constant 2 : i32
    %swap3A_20 = arith.index_cast %swap3A_19 : i32 to index
    %swap3A_21 = arith.constant 0 : index
    %swap3A_22 = tpu.vector_load %arg8[%swap3A_20, %swap3A_21] {strides = array<i32>} : memref<128x16xf32, #tpu.memory_space<vmem>>, vector<1x16xf32>,
    %swap3A_23 = vector.shape_cast %swap3A_22 : vector<1x16xf32> to vector<16xf32>
    %swap3A_24 = vector.shape_cast %broadcast_in_dim3A_18 : vector<16xf32> to vector<1x16xf32>
    tpu.vector_store %arg8[%swap3A_20, %swap3A_21], %swap3A_24 {strides = array<i32>} : memref<128x16xf32, #tpu.memory_space<vmem>>, vector<1x16xf32>,
    %broadcast_in_dim3A_25 = arith.constant 1.000000e+00 : f32
    %broadcast_in_dim3A_26 = vector.broadcast %broadcast_in_dim3A_25 : f32 to vector<16xf32>
    %swap3A_27 = arith.constant 3 : i32
    %swap3A_28 = arith.index_cast %swap3A_27 : i32 to index
    %swap3A_29 = arith.constant 0 : index
    %swap3A_30 = tpu.vector_load %arg8[%swap3A_28, %swap3A_29] {strides = array<i32>} : memref<128x16xf32, #tpu.memory_space<vmem>>, vector<1x16xf32>,
    %swap3A_31 = vector.shape_cast %swap3A_30 : vector<1x16xf32> to vector<16xf32>
    %swap3A_32 = vector.shape_cast %broadcast_in_dim3A_26 : vector<16xf32> to vector<1x16xf32>
    tpu.vector_store %arg8[%swap3A_28, %swap3A_29], %swap3A_32 {strides = array<i32>} : memref<128x16xf32, #tpu.memory_space<vmem>>, vector<1x16xf32>,
    %broadcast_in_dim3A_33 = arith.constant 1.000000e+00 : f32
    %broadcast_in_dim3A_34 = vector.broadcast %broadcast_in_dim3A_33 : f32 to vector<16xf32>
    %swap3A_35 = arith.constant 4 : i32
    %swap3A_36 = arith.index_cast %swap3A_35 : i32 to index
    %swap3A_37 = arith.constant 0 : index
    %swap3A_38 = tpu.vector_load %arg8[%swap3A_36, %swap3A_37] {strides = array<i32>} : memref<128x16xf32, #tpu.memory_space<vmem>>, vector<1x16xf32>,
    %swap3A_39 = vector.shape_cast %swap3A_38 : vector<1x16xf32> to vector<16xf32>
    %swap3A_40 = vector.shape_cast %broadcast_in_dim3A_34 : vector<16xf32> to vector<1x16xf32>
    tpu.vector_store %arg8[%swap3A_36, %swap3A_37], %swap3A_40 {strides = array<i32>} : memref<128x16xf32, #tpu.memory_space<vmem>>, vector<1x16xf32>,
    %broadcast_in_dim3A_41 = arith.constant 1.000000e+00 : f32
    %broadcast_in_dim3A_42 = vector.broadcast %broadcast_in_dim3A_41 : f32 to vector<16xf32>
    %swap3A_43 = arith.constant 5 : i32
    %swap3A_44 = arith.index_cast %swap3A_43 : i32 to index
    %swap3A_45 = arith.constant 0 : index
    %swap3A_46 = tpu.vector_load %arg8[%swap3A_44, %swap3A_45] {strides = array<i32>} : memref<128x16xf32, #tpu.memory_space<vmem>>, vector<1x16xf32>,
    %swap3A_47 = vector.shape_cast %swap3A_46 : vector<1x16xf32> to vector<16xf32>
    %swap3A_48 = vector.shape_cast %broadcast_in_dim3A_42 : vector<16xf32> to vector<1x16xf32>
    tpu.vector_store %arg8[%swap3A_44, %swap3A_45], %swap3A_48 {strides = array<i32>} : memref<128x16xf32, #tpu.memory_space<vmem>>, vector<1x16xf32>,
    %broadcast_in_dim3A_49 = arith.constant 1.000000e+00 : f32
    %broadcast_in_dim3A_50 = vector.broadcast %broadcast_in_dim3A_49 : f32 to vector<16xf32>
    %swap3A_51 = arith.constant 6 : i32
    %swap3A_52 = arith.index_cast %swap3A_51 : i32 to index
    %swap3A_53 = arith.constant 0 : index
    %swap3A_54 = tpu.vector_load %arg8[%swap3A_52, %swap3A_53] {strides = array<i32>} : memref<128x16xf32, #tpu.memory_space<vmem>>, vector<1x16xf32>,
    %swap3A_55 = vector.shape_cast %swap3A_54 : vector<1x16xf32> to vector<16xf32>
    %swap3A_56 = vector.shape_cast %broadcast_in_dim3A_50 : vector<16xf32> to vector<1x16xf32>
    tpu.vector_store %arg8[%swap3A_52, %swap3A_53], %swap3A_56 {strides = array<i32>} : memref<128x16xf32, #tpu.memory_space<vmem>>, vector<1x16xf32>,
    %broadcast_in_dim3A_57 = arith.constant 1.000000e+00 : f32
    %broadcast_in_dim3A_58 = vector.broadcast %broadcast_in_dim3A_57 : f32 to vector<16xf32>
    %swap3A_59 = arith.constant 7 : i32
    %swap3A_60 = arith.index_cast %swap3A_59 : i32 to index
    %swap3A_61 = arith.constant 0 : index
    %swap3A_62 = tpu.vector_load %arg8[%swap3A_60, %swap3A_61] {strides = array<i32>} : memref<128x16xf32, #tpu.memory_space<vmem>>, vector<1x16xf32>,
    %swap3A_63 = vector.shape_cast %swap3A_62 : vector<1x16xf32> to vector<16xf32>
    %swap3A_64 = vector.shape_cast %broadcast_in_dim3A_58 : vector<16xf32> to vector<1x16xf32>
    tpu.vector_store %arg8[%swap3A_60, %swap3A_61], %swap3A_64 {strides = array<i32>} : memref<128x16xf32, #tpu.memory_space<vmem>>, vector<1x16xf32>,
    %broadcast_in_dim3A_65 = arith.constant 1.000000e+00 : f32
    %broadcast_in_dim3A_66 = vector.broadcast %broadcast_in_dim3A_65 : f32 to vector<16xf32>
    %swap3A_67 = arith.constant 8 : i32
    %swap3A_68 = arith.index_cast %swap3A_67 : i32 to index
    %swap3A_69 = arith.constant 0 : index
    %swap3A_70 = tpu.vector_load %arg8[%swap3A_68, %swap3A_69] {strides = array<i32>} : memref<128x16xf32, #tpu.memory_space<vmem>>, vector<1x16xf32>,
    %swap3A_71 = vector.shape_cast %swap3A_70 : vector<1x16xf32> to vector<16xf32>
    %swap3A_72 = vector.shape_cast %broadcast_in_dim3A_66 : vector<16xf32> to vector<1x16xf32>
    tpu.vector_store %arg8[%swap3A_68, %swap3A_69], %swap3A_72 {strides = array<i32>} : memref<128x16xf32, #tpu.memory_space<vmem>>, vector<1x16xf32>,
    %broadcast_in_dim3A_73 = arith.constant 1.000000e+00 : f32
    %broadcast_in_dim3A_74 = vector.broadcast %broadcast_in_dim3A_73 : f32 to vector<16xf32>
    %swap3A_75 = arith.constant 9 : i32
    %swap3A_76 = arith.index_cast %swap3A_75 : i32 to index
    %swap3A_77 = arith.constant 0 : index
    %swap3A_78 = tpu.vector_load %arg8[%swap3A_76, %swap3A_77] {strides = array<i32>} : memref<128x16xf32, #tpu.memory_space<vmem>>, vector<1x16xf32>,
    %swap3A_79 = vector.shape_cast %swap3A_78 : vector<1x16xf32> to vector<16xf32>
    %swap3A_80 = vector.shape_cast %broadcast_in_dim3A_74 : vector<16xf32> to vector<1x16xf32>
    tpu.vector_store %arg8[%swap3A_76, %swap3A_77], %swap3A_80 {strides = array<i32>} : memref<128x16xf32, #tpu.memory_space<vmem>>, vector<1x16xf32>,
    %broadcast_in_dim3A_81 = arith.constant 1.000000e+00 : f32
    %broadcast_in_dim3A_82 = vector.broadcast %broadcast_in_dim3A_81 : f32 to vector<16xf32>
    %swap3A_83 = arith.constant 10 : i32
    %swap3A_84 = arith.index_cast %swap3A_83 : i32 to index
    %swap3A_85 = arith.constant 0 : index
    %swap3A_86 = tpu.vector_load %arg8[%swap3A_84, %swap3A_85] {strides = array<i32>} : memref<128x16xf32, #tpu.memory_space<vmem>>, vector<1x16xf32>,
    %swap3A_87 = vector.shape_cast %swap3A_86 : vector<1x16xf32> to vector<16xf32>
    %swap3A_88 = vector.shape_cast %broadcast_in_dim3A_82 : vector<16xf32> to vector<1x16xf32>
    tpu.vector_store %arg8[%swap3A_84, %swap3A_85], %swap3A_88 {strides = array<i32>} : memref<128x16xf32, #tpu.memory_space<vmem>>, vector<1x16xf32>,
    %broadcast_in_dim3A_89 = arith.constant 1.000000e+00 : f32
    %broadcast_in_dim3A_90 = vector.broadcast %broadcast_in_dim3A_89 : f32 to vector<16xf32>
    %swap3A_91 = arith.constant 11 : i32
    %swap3A_92 = arith.index_cast %swap3A_91 : i32 to index
    %swap3A_93 = arith.constant 0 : index
    %swap3A_94 = tpu.vector_load %arg8[%swap3A_92, %swap3A_93] {strides = array<i32>} : memref<128x16xf32, #tpu.memory_space<vmem>>, vector<1x16xf32>,
    %swap3A_95 = vector.shape_cast %swap3A_94 : vector<1x16xf32> to vector<16xf32>
    %swap3A_96 = vector.shape_cast %broadcast_in_dim3A_90 : vector<16xf32> to vector<1x16xf32>
    tpu.vector_store %arg8[%swap3A_92, %swap3A_93], %swap3A_96 {strides = array<i32>} : memref<128x16xf32, #tpu.memory_space<vmem>>, vector<1x16xf32>,
    %broadcast_in_dim3A_97 = arith.constant 1.000000e+00 : f32
    %broadcast_in_dim3A_98 = vector.broadcast %broadcast_in_dim3A_97 : f32 to vector<16xf32>
    %swap3A_99 = arith.constant 12 : i32
    %swap3A_100 = arith.index_cast %swap3A_99 : i32 to index
    %swap3A_101 = arith.constant 0 : index
    %swap3A_102 = tpu.vector_load %arg8[%swap3A_100, %swap3A_101] {strides = array<i32>} : memref<128x16xf32, #tpu.memory_space<vmem>>, vector<1x16xf32>,
    %swap3A_103 = vector.shape_cast %swap3A_102 : vector<1x16xf32> to vector<16xf32>
    %swap3A_104 = vector.shape_cast %broadcast_in_dim3A_98 : vector<16xf32> to vector<1x16xf32>
    tpu.vector_store %arg8[%swap3A_100, %swap3A_101], %swap3A_104 {strides = array<i32>} : memref<128x16xf32, #tpu.memory_space<vmem>>, vector<1x16xf32>,
    %broadcast_in_dim3A_105 = arith.constant 1.000000e+00 : f32
    %broadcast_in_dim3A_106 = vector.broadcast %broadcast_in_dim3A_105 : f32 to vector<16xf32>
    %swap3A_107 = arith.constant 13 : i32
    %swap3A_108 = arith.index_cast %swap3A_107 : i32 to index
    %swap3A_109 = arith.constant 0 : index
    %swap3A_110 = tpu.vector_load %arg8[%swap3A_108, %swap3A_109] {strides = array<i32>} : memref<128x16xf32, #tpu.memory_space<vmem>>, vector<1x16xf32>,
    %swap3A_111 = vector.shape_cast %swap3A_110 : vector<1x16xf32> to vector<16xf32>
    %swap3A_112 = vector.shape_cast %broadcast_in_dim3A_106 : vector<16xf32> to vector<1x16xf32>
    tpu.vector_store %arg8[%swap3A_108, %swap3A_109], %swap3A_112 {strides = array<i32>} : memref<128x16xf32, #tpu.memory_space<vmem>>, vector<1x16xf32>,
    %broadcast_in_dim3A_113 = arith.constant 1.000000e+00 : f32
    %broadcast_in_dim3A_114 = vector.broadcast %broadcast_in_dim3A_113 : f32 to vector<16xf32>
    %swap3A_115 = arith.constant 14 : i32
    %swap3A_116 = arith.index_cast %swap3A_115 : i32 to index
    %swap3A_117 = arith.constant 0 : index
    %swap3A_118 = tpu.vector_load %arg8[%swap3A_116, %swap3A_117] {strides = array<i32>} : memref<128x16xf32, #tpu.memory_space<vmem>>, vector<1x16xf32>,
    %swap3A_119 = vector.shape_cast %swap3A_118 : vector<1x16xf32> to vector<16xf32>
    %swap3A_120 = vector.shape_cast %broadcast_in_dim3A_114 : vector<16xf32> to vector<1x16xf32>
    tpu.vector_store %arg8[%swap3A_116, %swap3A_117], %swap3A_120 {strides = array<i32>} : memref<128x16xf32, #tpu.memory_space<vmem>>, vector<1x16xf32>,
    %broadcast_in_dim3A_121 = arith.constant 1.000000e+00 : f32
    %broadcast_in_dim3A_122 = vector.broadcast %broadcast_in_dim3A_121 : f32 to vector<16xf32>
    %swap3A_123 = arith.constant 15 : i32
    %swap3A_124 = arith.index_cast %swap3A_123 : i32 to index
    %swap3A_125 = arith.constant 0 : index
    %swap3A_126 = tpu.vector_load %arg8[%swap3A_124, %swap3A_125] {strides = array<i32>} : memref<128x16xf32, #tpu.memory_space<vmem>>, vector<1x16xf32>,
    %swap3A_127 = vector.shape_cast %swap3A_126 : vector<1x16xf32> to vector<16xf32>
    %swap3A_128 = vector.shape_cast %broadcast_in_dim3A_122 : vector<16xf32> to vector<1x16xf32>
    tpu.vector_store %arg8[%swap3A_124, %swap3A_125], %swap3A_128 {strides = array<i32>} : memref<128x16xf32, #tpu.memory_space<vmem>>, vector<1x16xf32>,
    %broadcast_in_dim3A_129 = arith.constant 1.000000e+00 : f32
    %broadcast_in_dim3A_130 = vector.broadcast %broadcast_in_dim3A_129 : f32 to vector<16xf32>
    %swap3A_131 = arith.constant 16 : i32
    %swap3A_132 = arith.index_cast %swap3A_131 : i32 to index
    %swap3A_133 = arith.constant 0 : index
    %swap3A_134 = tpu.vector_load %arg8[%swap3A_132, %swap3A_133] {strides = array<i32>} : memref<128x16xf32, #tpu.memory_space<vmem>>, vector<1x16xf32>,
    %swap3A_135 = vector.shape_cast %swap3A_134 : vector<1x16xf32> to vector<16xf32>
    %swap3A_136 = vector.shape_cast %broadcast_in_dim3A_130 : vector<16xf32> to vector<1x16xf32>
    tpu.vector_store %arg8[%swap3A_132, %swap3A_133], %swap3A_136 {strides = array<i32>} : memref<128x16xf32, #tpu.memory_space<vmem>>, vector<1x16xf32>,
    %broadcast_in_dim3A_137 = arith.constant 1.000000e+00 : f32
    %broadcast_in_dim3A_138 = vector.broadcast %broadcast_in_dim3A_137 : f32 to vector<16xf32>
    %swap3A_139 = arith.constant 17 : i32
    %swap3A_140 = arith.index_cast %swap3A_139 : i32 to index
    %swap3A_141 = arith.constant 0 : index
    %swap3A_142 = tpu.vector_load %arg8[%swap3A_140, %swap3A_141] {strides = array<i32>} : memref<128x16xf32, #tpu.memory_space<vmem>>, vector<1x16xf32>,
    %swap3A_143 = vector.shape_cast %swap3A_142 : vector<1x16xf32> to vector<16xf32>
    %swap3A_144 = vector.shape_cast %broadcast_in_dim3A_138 : vector<16xf32> to vector<1x16xf32>
    tpu.vector_store %arg8[%swap3A_140, %swap3A_141], %swap3A_144 {strides = array<i32>} : memref<128x16xf32, #tpu.memory_space<vmem>>, vector<1x16xf32>,
    %broadcast_in_dim3A_145 = arith.constant 1.000000e+00 : f32
    %broadcast_in_dim3A_146 = vector.broadcast %broadcast_in_dim3A_145 : f32 to vector<16xf32>
    %swap3A_147 = arith.constant 18 : i32
    %swap3A_148 = arith.index_cast %swap3A_147 : i32 to index
    %swap3A_149 = arith.constant 0 : index
    %swap3A_150 = tpu.vector_load %arg8[%swap3A_148, %swap3A_149] {strides = array<i32>} : memref<128x16xf32, #tpu.memory_space<vmem>>, vector<1x16xf32>,
    %swap3A_151 = vector.shape_cast %swap3A_150 : vector<1x16xf32> to vector<16xf32>
    %swap3A_152 = vector.shape_cast %broadcast_in_dim3A_146 : vector<16xf32> to vector<1x16xf32>
    tpu.vector_store %arg8[%swap3A_148, %swap3A_149], %swap3A_152 {strides = array<i32>} : memref<128x16xf32, #tpu.memory_space<vmem>>, vector<1x16xf32>,
    %broadcast_in_dim3A_153 = arith.constant 1.000000e+00 : f32
    %broadcast_in_dim3A_154 = vector.broadcast %broadcast_in_dim3A_153 : f32 to vector<16xf32>
    %swap3A_155 = arith.constant 19 : i32
    %swap3A_156 = arith.index_cast %swap3A_155 : i32 to index
    %swap3A_157 = arith.constant 0 : index
    %swap3A_158 = tpu.vector_load %arg8[%swap3A_156, %swap3A_157] {strides = array<i32>} : memref<128x16xf32, #tpu.memory_space<vmem>>, vector<1x16xf32>,
    %swap3A_159 = vector.shape_cast %swap3A_158 : vector<1x16xf32> to vector<16xf32>
    %swap3A_160 = vector.shape_cast %broadcast_in_dim3A_154 : vector<16xf32> to vector<1x16xf32>
    tpu.vector_store %arg8[%swap3A_156, %swap3A_157], %swap3A_160 {strides = array<i32>} : memref<128x16xf32, #tpu.memory_space<vmem>>, vector<1x16xf32>,
    %broadcast_in_dim3A_161 = arith.constant 1.000000e+00 : f32
    %broadcast_in_dim3A_162 = vector.broadcast %broadcast_in_dim3A_161 : f32 to vector<16xf32>
    %swap3A_163 = arith.constant 20 : i32
    %swap3A_164 = arith.index_cast %swap3A_163 : i32 to index
    %swap3A_165 = arith.constant 0 : index
    %swap3A_166 = tpu.vector_load %arg8[%swap3A_164, %swap3A_165] {strides = array<i32>} : memref<128x16xf32, #tpu.memory_space<vmem>>, vector<1x16xf32>,
    %swap3A_167 = vector.shape_cast %swap3A_166 : vector<1x16xf32> to vector<16xf32>
    %swap3A_168 = vector.shape_cast %broadcast_in_dim3A_162 : vector<16xf32> to vector<1x16xf32>
    tpu.vector_store %arg8[%swap3A_164, %swap3A_165], %swap3A_168 {strides = array<i32>} : memref<128x16xf32, #tpu.memory_space<vmem>>, vector<1x16xf32>,
    %broadcast_in_dim3A_169 = arith.constant 1.000000e+00 : f32
    %broadcast_in_dim3A_170 = vector.broadcast %broadcast_in_dim3A_169 : f32 to vector<16xf32>
    %swap3A_171 = arith.constant 21 : i32
    %swap3A_172 = arith.index_cast %swap3A_171 : i32 to index
    %swap3A_173 = arith.constant 0 : index
    %swap3A_174 = tpu.vector_load %arg8[%swap3A_172, %swap3A_173] {strides = array<i32>} : memref<128x16xf32, #tpu.memory_space<vmem>>, vector<1x16xf32>,
    %swap3A_175 = vector.shape_cast %swap3A_174 : vector<1x16xf32> to vector<16xf32>
    %swap3A_176 = vector.shape_cast %broadcast_in_dim3A_170 : vector<16xf32> to vector<1x16xf32>
    tpu.vector_store %arg8[%swap3A_172, %swap3A_173], %swap3A_176 {strides = array<i32>} : memref<128x16xf32, #tpu.memory_space<vmem>>, vector<1x16xf32>,
    %broadcast_in_dim3A_177 = arith.constant 1.000000e+00 : f32
    %broadcast_in_dim3A_178 = vector.broadcast %broadcast_in_dim3A_177 : f32 to vector<16xf32>
    %swap3A_179 = arith.constant 22 : i32
    %swap3A_180 = arith.index_cast %swap3A_179 : i32 to index
    %swap3A_181 = arith.constant 0 : index
    %swap3A_182 = tpu.vector_load %arg8[%swap3A_180, %swap3A_181] {strides = array<i32>} : memref<128x16xf32, #tpu.memory_space<vmem>>, vector<1x16xf32>,
    %swap3A_183 = vector.shape_cast %swap3A_182 : vector<1x16xf32> to vector<16xf32>
    %swap3A_184 = vector.shape_cast %broadcast_in_dim3A_178 : vector<16xf32> to vector<1x16xf32>
    tpu.vector_store %arg8[%swap3A_180, %swap3A_181], %swap3A_184 {strides = array<i32>} : memref<128x16xf32, #tpu.memory_space<vmem>>, vector<1x16xf32>,
    %broadcast_in_dim3A_185 = arith.constant 1.000000e+00 : f32
    %broadcast_in_dim3A_186 = vector.broadcast %broadcast_in_dim3A_185 : f32 to vector<16xf32>
    %swap3A_187 = arith.constant 23 : i32
    %swap3A_188 = arith.index_cast %swap3A_187 : i32 to index
    %swap3A_189 = arith.constant 0 : index
    %swap3A_190 = tpu.vector_load %arg8[%swap3A_188, %swap3A_189] {strides = array<i32>} : memref<128x16xf32, #tpu.memory_space<vmem>>, vector<1x16xf32>,
    %swap3A_191 = vector.shape_cast %swap3A_190 : vector<1x16xf32> to vector<16xf32>
    %swap3A_192 = vector.shape_cast %broadcast_in_dim3A_186 : vector<16xf32> to vector<1x16xf32>
    tpu.vector_store %arg8[%swap3A_188, %swap3A_189], %swap3A_192 {strides = array<i32>} : memref<128x16xf32, #tpu.memory_space<vmem>>, vector<1x16xf32>,
    %broadcast_in_dim3A_193 = arith.constant 1.000000e+00 : f32
    %broadcast_in_dim3A_194 = vector.broadcast %broadcast_in_dim3A_193 : f32 to vector<16xf32>
    %swap3A_195 = arith.constant 24 : i32
    %swap3A_196 = arith.index_cast %swap3A_195 : i32 to index
    %swap3A_197 = arith.constant 0 : index
    %swap3A_198 = tpu.vector_load %arg8[%swap3A_196, %swap3A_197] {strides = array<i32>} : memref<128x16xf32, #tpu.memory_space<vmem>>, vector<1x16xf32>,
    %swap3A_199 = vector.shape_cast %swap3A_198 : vector<1x16xf32> to vector<16xf32>
    %swap3A_200 = vector.shape_cast %broadcast_in_dim3A_194 : vector<16xf32> to vector<1x16xf32>
    tpu.vector_store %arg8[%swap3A_196, %swap3A_197], %swap3A_200 {strides = array<i32>} : memref<128x16xf32, #tpu.memory_space<vmem>>, vector<1x16xf32>,
    %broadcast_in_dim3A_201 = arith.constant 1.000000e+00 : f32
    %broadcast_in_dim3A_202 = vector.broadcast %broadcast_in_dim3A_201 : f32 to vector<16xf32>
    %swap3A_203 = arith.constant 25 : i32
    %swap3A_204 = arith.index_cast %swap3A_203 : i32 to index
    %swap3A_205 = arith.constant 0 : index
    %swap3A_206 = tpu.vector_load %arg8[%swap3A_204, %swap3A_205] {strides = array<i32>} : memref<128x16xf32, #tpu.memory_space<vmem>>, vector<1x16xf32>,
    %swap3A_207 = vector.shape_cast %swap3A_206 : vector<1x16xf32> to vector<16xf32>
    %swap3A_208 = vector.shape_cast %broadcast_in_dim3A_202 : vector<16xf32> to vector<1x16xf32>
    tpu.vector_store %arg8[%swap3A_204, %swap3A_205], %swap3A_208 {strides = array<i32>} : memref<128x16xf32, #tpu.memory_space<vmem>>, vector<1x16xf32>,
    %broadcast_in_dim3A_209 = arith.constant 1.000000e+00 : f32
    %broadcast_in_dim3A_210 = vector.broadcast %broadcast_in_dim3A_209 : f32 to vector<16xf32>
    %swap3A_211 = arith.constant 26 : i32
    %swap3A_212 = arith.index_cast %swap3A_211 : i32 to index
    %swap3A_213 = arith.constant 0 : index
    %swap3A_214 = tpu.vector_load %arg8[%swap3A_212, %swap3A_213] {strides = array<i32>} : memref<128x16xf32, #tpu.memory_space<vmem>>, vector<1x16xf32>,
    %swap3A_215 = vector.shape_cast %swap3A_214 : vector<1x16xf32> to vector<16xf32>
    %swap3A_216 = vector.shape_cast %broadcast_in_dim3A_210 : vector<16xf32> to vector<1x16xf32>
    tpu.vector_store %arg8[%swap3A_212, %swap3A_213], %swap3A_216 {strides = array<i32>} : memref<128x16xf32, #tpu.memory_space<vmem>>, vector<1x16xf32>,
    %broadcast_in_dim3A_217 = arith.constant 1.000000e+00 : f32
    %broadcast_in_dim3A_218 = vector.broadcast %broadcast_in_dim3A_217 : f32 to vector<16xf32>
    %swap3A_219 = arith.constant 27 : i32
    %swap3A_220 = arith.index_cast %swap3A_219 : i32 to index
    %swap3A_221 = arith.constant 0 : index
    %swap3A_222 = tpu.vector_load %arg8[%swap3A_220, %swap3A_221] {strides = array<i32>} : memref<128x16xf32, #tpu.memory_space<vmem>>, vector<1x16xf32>,
    %swap3A_223 = vector.shape_cast %swap3A_222 : vector<1x16xf32> to vector<16xf32>
    %swap3A_224 = vector.shape_cast %broadcast_in_dim3A_218 : vector<16xf32> to vector<1x16xf32>
    tpu.vector_store %arg8[%swap3A_220, %swap3A_221], %swap3A_224 {strides = array<i32>} : memref<128x16xf32, #tpu.memory_space<vmem>>, vector<1x16xf32>,
    %broadcast_in_dim3A_225 = arith.constant 1.000000e+00 : f32
    %broadcast_in_dim3A_226 = vector.broadcast %broadcast_in_dim3A_225 : f32 to vector<16xf32>
    %swap3A_227 = arith.constant 28 : i32
    %swap3A_228 = arith.index_cast %swap3A_227 : i32 to index
    %swap3A_229 = arith.constant 0 : index
    %swap3A_230 = tpu.vector_load %arg8[%swap3A_228, %swap3A_229] {strides = array<i32>} : memref<128x16xf32, #tpu.memory_space<vmem>>, vector<1x16xf32>,
    %swap3A_231 = vector.shape_cast %swap3A_230 : vector<1x16xf32> to vector<16xf32>
    %swap3A_232 = vector.shape_cast %broadcast_in_dim3A_226 : vector<16xf32> to vector<1x16xf32>
    tpu.vector_store %arg8[%swap3A_228, %swap3A_229], %swap3A_232 {strides = array<i32>} : memref<128x16xf32, #tpu.memory_space<vmem>>, vector<1x16xf32>,
    %broadcast_in_dim3A_233 = arith.constant 1.000000e+00 : f32
    %broadcast_in_dim3A_234 = vector.broadcast %broadcast_in_dim3A_233 : f32 to vector<16xf32>
    %swap3A_235 = arith.constant 29 : i32
    %swap3A_236 = arith.index_cast %swap3A_235 : i32 to index
    %swap3A_237 = arith.constant 0 : index
    %swap3A_238 = tpu.vector_load %arg8[%swap3A_236, %swap3A_237] {strides = array<i32>} : memref<128x16xf32, #tpu.memory_space<vmem>>, vector<1x16xf32>,
    %swap3A_239 = vector.shape_cast %swap3A_238 : vector<1x16xf32> to vector<16xf32>
    %swap3A_240 = vector.shape_cast %broadcast_in_dim3A_234 : vector<16xf32> to vector<1x16xf32>
    tpu.vector_store %arg8[%swap3A_236, %swap3A_237], %swap3A_240 {strides = array<i32>} : memref<128x16xf32, #tpu.memory_space<vmem>>, vector<1x16xf32>,
    %broadcast_in_dim3A_241 = arith.constant 1.000000e+00 : f32
    %broadcast_in_dim3A_242 = vector.broadcast %broadcast_in_dim3A_241 : f32 to vector<16xf32>
    %swap3A_243 = arith.constant 30 : i32
    %swap3A_244 = arith.index_cast %swap3A_243 : i32 to index
    %swap3A_245 = arith.constant 0 : index
    %swap3A_246 = tpu.vector_load %arg8[%swap3A_244, %swap3A_245] {strides = array<i32>} : memref<128x16xf32, #tpu.memory_space<vmem>>, vector<1x16xf32>,
    %swap3A_247 = vector.shape_cast %swap3A_246 : vector<1x16xf32> to vector<16xf32>
    %swap3A_248 = vector.shape_cast %broadcast_in_dim3A_242 : vector<16xf32> to vector<1x16xf32>
    tpu.vector_store %arg8[%swap3A_244, %swap3A_245], %swap3A_248 {strides = array<i32>} : memref<128x16xf32, #tpu.memory_space<vmem>>, vector<1x16xf32>,
    %broadcast_in_dim3A_249 = arith.constant 1.000000e+00 : f32
    %broadcast_in_dim3A_250 = vector.broadcast %broadcast_in_dim3A_249 : f32 to vector<16xf32>
    %swap3A_251 = arith.constant 31 : i32
    %swap3A_252 = arith.index_cast %swap3A_251 : i32 to index
    %swap3A_253 = arith.constant 0 : index
    %swap3A_254 = tpu.vector_load %arg8[%swap3A_252, %swap3A_253] {strides = array<i32>} : memref<128x16xf32, #tpu.memory_space<vmem>>, vector<1x16xf32>,
    %swap3A_255 = vector.shape_cast %swap3A_254 : vector<1x16xf32> to vector<16xf32>
    %swap3A_256 = vector.shape_cast %broadcast_in_dim3A_250 : vector<16xf32> to vector<1x16xf32>
    tpu.vector_store %arg8[%swap3A_252, %swap3A_253], %swap3A_256 {strides = array<i32>} : memref<128x16xf32, #tpu.memory_space<vmem>>, vector<1x16xf32>,
    %broadcast_in_dim3A_257 = arith.constant 1.000000e+00 : f32
    %broadcast_in_dim3A_258 = vector.broadcast %broadcast_in_dim3A_257 : f32 to vector<16xf32>
    %swap3A_259 = arith.constant 32 : i32
    %swap3A_260 = arith.index_cast %swap3A_259 : i32 to index
    %swap3A_261 = arith.constant 0 : index
    %swap3A_262 = tpu.vector_load %arg8[%swap3A_260, %swap3A_261] {strides = array<i32>} : memref<128x16xf32, #tpu.memory_space<vmem>>, vector<1x16xf32>,
    %swap3A_263 = vector.shape_cast %swap3A_262 : vector<1x16xf32> to vector<16xf32>
    %swap3A_264 = vector.shape_cast %broadcast_in_dim3A_258 : vector<16xf32> to vector<1x16xf32>
    tpu.vector_store %arg8[%swap3A_260, %swap3A_261], %swap3A_264 {strides = array<i32>} : memref<128x16xf32, #tpu.memory_space<vmem>>, vector<1x16xf32>,
    %broadcast_in_dim3A_265 = arith.constant 1.000000e+00 : f32
    %broadcast_in_dim3A_266 = vector.broadcast %broadcast_in_dim3A_265 : f32 to vector<16xf32>
    %swap3A_267 = arith.constant 33 : i32
    %swap3A_268 = arith.index_cast %swap3A_267 : i32 to index
    %swap3A_269 = arith.constant 0 : index
    %swap3A_270 = tpu.vector_load %arg8[%swap3A_268, %swap3A_269] {strides = array<i32>} : memref<128x16xf32, #tpu.memory_space<vmem>>, vector<1x16xf32>,
    %swap3A_271 = vector.shape_cast %swap3A_270 : vector<1x16xf32> to vector<16xf32>
    %swap3A_272 = vector.shape_cast %broadcast_in_dim3A_266 : vector<16xf32> to vector<1x16xf32>
    tpu.vector_store %arg8[%swap3A_268, %swap3A_269], %swap3A_272 {strides = array<i32>} : memref<128x16xf32, #tpu.memory_space<vmem>>, vector<1x16xf32>,
    %broadcast_in_dim3A_273 = arith.constant 1.000000e+00 : f32
    %broadcast_in_dim3A_274 = vector.broadcast %broadcast_in_dim3A_273 : f32 to vector<16xf32>
    %swap3A_275 = arith.constant 34 : i32
    %swap3A_276 = arith.index_cast %swap3A_275 : i32 to index
    %swap3A_277 = arith.constant 0 : index
    %swap3A_278 = tpu.vector_load %arg8[%swap3A_276, %swap3A_277] {strides = array<i32>} : memref<128x16xf32, #tpu.memory_space<vmem>>, vector<1x16xf32>,
    %swap3A_279 = vector.shape_cast %swap3A_278 : vector<1x16xf32> to vector<16xf32>
    %swap3A_280 = vector.shape_cast %broadcast_in_dim3A_274 : vector<16xf32> to vector<1x16xf32>
    tpu.vector_store %arg8[%swap3A_276, %swap3A_277], %swap3A_280 {strides = array<i32>} : memref<128x16xf32, #tpu.memory_space<vmem>>, vector<1x16xf32>,
    %broadcast_in_dim3A_281 = arith.constant 1.000000e+00 : f32
    %broadcast_in_dim3A_282 = vector.broadcast %broadcast_in_dim3A_281 : f32 to vector<16xf32>
    %swap3A_283 = arith.constant 35 : i32
    %swap3A_284 = arith.index_cast %swap3A_283 : i32 to index
    %swap3A_285 = arith.constant 0 : index
    %swap3A_286 = tpu.vector_load %arg8[%swap3A_284, %swap3A_285] {strides = array<i32>} : memref<128x16xf32, #tpu.memory_space<vmem>>, vector<1x16xf32>,
    %swap3A_287 = vector.shape_cast %swap3A_286 : vector<1x16xf32> to vector<16xf32>
    %swap3A_288 = vector.shape_cast %broadcast_in_dim3A_282 : vector<16xf32> to vector<1x16xf32>
    tpu.vector_store %arg8[%swap3A_284, %swap3A_285], %swap3A_288 {strides = array<i32>} : memref<128x16xf32, #tpu.memory_space<vmem>>, vector<1x16xf32>,
    %broadcast_in_dim3A_289 = arith.constant 1.000000e+00 : f32
    %broadcast_in_dim3A_290 = vector.broadcast %broadcast_in_dim3A_289 : f32 to vector<16xf32>
    %swap3A_291 = arith.constant 36 : i32
    %swap3A_292 = arith.index_cast %swap3A_291 : i32 to index
    %swap3A_293 = arith.constant 0 : index
    %swap3A_294 = tpu.vector_load %arg8[%swap3A_292, %swap3A_293] {strides = array<i32>} : memref<128x16xf32, #tpu.memory_space<vmem>>, vector<1x16xf32>,
    %swap3A_295 = vector.shape_cast %swap3A_294 : vector<1x16xf32> to vector<16xf32>
    %swap3A_296 = vector.shape_cast %broadcast_in_dim3A_290 : vector<16xf32> to vector<1x16xf32>
    tpu.vector_store %arg8[%swap3A_292, %swap3A_293], %swap3A_296 {strides = array<i32>} : memref<128x16xf32, #tpu.memory_space<vmem>>, vector<1x16xf32>,
    %broadcast_in_dim3A_297 = arith.constant 1.000000e+00 : f32
    %broadcast_in_dim3A_298 = vector.broadcast %broadcast_in_dim3A_297 : f32 to vector<16xf32>
    %swap3A_299 = arith.constant 37 : i32
    %swap3A_300 = arith.index_cast %swap3A_299 : i32 to index
    %swap3A_301 = arith.constant 0 : index
    %swap3A_302 = tpu.vector_load %arg8[%swap3A_300, %swap3A_301] {strides = array<i32>} : memref<128x16xf32, #tpu.memory_space<vmem>>, vector<1x16xf32>,
    %swap3A_303 = vector.shape_cast %swap3A_302 : vector<1x16xf32> to vector<16xf32>
    %swap3A_304 = vector.shape_cast %broadcast_in_dim3A_298 : vector<16xf32> to vector<1x16xf32>
    tpu.vector_store %arg8[%swap3A_300, %swap3A_301], %swap3A_304 {strides = array<i32>} : memref<128x16xf32, #tpu.memory_space<vmem>>, vector<1x16xf32>,
    %broadcast_in_dim3A_305 = arith.constant 1.000000e+00 : f32
    %broadcast_in_dim3A_306 = vector.broadcast %broadcast_in_dim3A_305 : f32 to vector<16xf32>
    %swap3A_307 = arith.constant 38 : i32
    %swap3A_308 = arith.index_cast %swap3A_307 : i32 to index
    %swap3A_309 = arith.constant 0 : index
    %swap3A_310 = tpu.vector_load %arg8[%swap3A_308, %swap3A_309] {strides = array<i32>} : memref<128x16xf32, #tpu.memory_space<vmem>>, vector<1x16xf32>,
    %swap3A_311 = vector.shape_cast %swap3A_310 : vector<1x16xf32> to vector<16xf32>
    %swap3A_312 = vector.shape_cast %broadcast_in_dim3A_306 : vector<16xf32> to vector<1x16xf32>
    tpu.vector_store %arg8[%swap3A_308, %swap3A_309], %swap3A_312 {strides = array<i32>} : memref<128x16xf32, #tpu.memory_space<vmem>>, vector<1x16xf32>,
    %broadcast_in_dim3A_313 = arith.constant 1.000000e+00 : f32
    %broadcast_in_dim3A_314 = vector.broadcast %broadcast_in_dim3A_313 : f32 to vector<16xf32>
    %swap3A_315 = arith.constant 39 : i32
    %swap3A_316 = arith.index_cast %swap3A_315 : i32 to index
    %swap3A_317 = arith.constant 0 : index
    %swap3A_318 = tpu.vector_load %arg8[%swap3A_316, %swap3A_317] {strides = array<i32>} : memref<128x16xf32, #tpu.memory_space<vmem>>, vector<1x16xf32>,
    %swap3A_319 = vector.shape_cast %swap3A_318 : vector<1x16xf32> to vector<16xf32>
    %swap3A_320 = vector.shape_cast %broadcast_in_dim3A_314 : vector<16xf32> to vector<1x16xf32>
    tpu.vector_store %arg8[%swap3A_316, %swap3A_317], %swap3A_320 {strides = array<i32>} : memref<128x16xf32, #tpu.memory_space<vmem>>, vector<1x16xf32>,
    %broadcast_in_dim3A_321 = arith.constant 1.000000e+00 : f32
    %broadcast_in_dim3A_322 = vector.broadcast %broadcast_in_dim3A_321 : f32 to vector<16xf32>
    %swap3A_323 = arith.constant 40 : i32
    %swap3A_324 = arith.index_cast %swap3A_323 : i32 to index
    %swap3A_325 = arith.constant 0 : index
    %swap3A_326 = tpu.vector_load %arg8[%swap3A_324, %swap3A_325] {strides = array<i32>} : memref<128x16xf32, #tpu.memory_space<vmem>>, vector<1x16xf32>,
    %swap3A_327 = vector.shape_cast %swap3A_326 : vector<1x16xf32> to vector<16xf32>
    %swap3A_328 = vector.shape_cast %broadcast_in_dim3A_322 : vector<16xf32> to vector<1x16xf32>
    tpu.vector_store %arg8[%swap3A_324, %swap3A_325], %swap3A_328 {strides = array<i32>} : memref<128x16xf32, #tpu.memory_space<vmem>>, vector<1x16xf32>,
    %broadcast_in_dim3A_329 = arith.constant 1.000000e+00 : f32
    %broadcast_in_dim3A_330 = vector.broadcast %broadcast_in_dim3A_329 : f32 to vector<16xf32>
    %swap3A_331 = arith.constant 41 : i32
    %swap3A_332 = arith.index_cast %swap3A_331 : i32 to index
    %swap3A_333 = arith.constant 0 : index
    %swap3A_334 = tpu.vector_load %arg8[%swap3A_332, %swap3A_333] {strides = array<i32>} : memref<128x16xf32, #tpu.memory_space<vmem>>, vector<1x16xf32>,
    %swap3A_335 = vector.shape_cast %swap3A_334 : vector<1x16xf32> to vector<16xf32>
    %swap3A_336 = vector.shape_cast %broadcast_in_dim3A_330 : vector<16xf32> to vector<1x16xf32>
    tpu.vector_store %arg8[%swap3A_332, %swap3A_333], %swap3A_336 {strides = array<i32>} : memref<128x16xf32, #tpu.memory_space<vmem>>, vector<1x16xf32>,
    %broadcast_in_dim3A_337 = arith.constant 1.000000e+00 : f32
    %broadcast_in_dim3A_338 = vector.broadcast %broadcast_in_dim3A_337 : f32 to vector<16xf32>
    %swap3A_339 = arith.constant 42 : i32
    %swap3A_340 = arith.index_cast %swap3A_339 : i32 to index
    %swap3A_341 = arith.constant 0 : index
    %swap3A_342 = tpu.vector_load %arg8[%swap3A_340, %swap3A_341] {strides = array<i32>} : memref<128x16xf32, #tpu.memory_space<vmem>>, vector<1x16xf32>,
    %swap3A_343 = vector.shape_cast %swap3A_342 : vector<1x16xf32> to vector<16xf32>
    %swap3A_344 = vector.shape_cast %broadcast_in_dim3A_338 : vector<16xf32> to vector<1x16xf32>
    tpu.vector_store %arg8[%swap3A_340, %swap3A_341], %swap3A_344 {strides = array<i32>} : memref<128x16xf32, #tpu.memory_space<vmem>>, vector<1x16xf32>,
    %broadcast_in_dim3A_345 = arith.constant 1.000000e+00 : f32
    %broadcast_in_dim3A_346 = vector.broadcast %broadcast_in_dim3A_345 : f32 to vector<16xf32>
    %swap3A_347 = arith.constant 43 : i32
    %swap3A_348 = arith.index_cast %swap3A_347 : i32 to index
    %swap3A_349 = arith.constant 0 : index
    %swap3A_350 = tpu.vector_load %arg8[%swap3A_348, %swap3A_349] {strides = array<i32>} : memref<128x16xf32, #tpu.memory_space<vmem>>, vector<1x16xf32>,
    %swap3A_351 = vector.shape_cast %swap3A_350 : vector<1x16xf32> to vector<16xf32>
    %swap3A_352 = vector.shape_cast %broadcast_in_dim3A_346 : vector<16xf32> to vector<1x16xf32>
    tpu.vector_store %arg8[%swap3A_348, %swap3A_349], %swap3A_352 {strides = array<i32>} : memref<128x16xf32, #tpu.memory_space<vmem>>, vector<1x16xf32>,
    %broadcast_in_dim3A_353 = arith.constant 1.000000e+00 : f32
    %broadcast_in_dim3A_354 = vector.broadcast %broadcast_in_dim3A_353 : f32 to vector<16xf32>
    %swap3A_355 = arith.constant 44 : i32
    %swap3A_356 = arith.index_cast %swap3A_355 : i32 to index
    %swap3A_357 = arith.constant 0 : index
    %swap3A_358 = tpu.vector_load %arg8[%swap3A_356, %swap3A_357] {strides = array<i32>} : memref<128x16xf32, #tpu.memory_space<vmem>>, vector<1x16xf32>,
    %swap3A_359 = vector.shape_cast %swap3A_358 : vector<1x16xf32> to vector<16xf32>
    %swap3A_360 = vector.shape_cast %broadcast_in_dim3A_354 : vector<16xf32> to vector<1x16xf32>
    tpu.vector_store %arg8[%swap3A_356, %swap3A_357], %swap3A_360 {strides = array<i32>} : memref<128x16xf32, #tpu.memory_space<vmem>>, vector<1x16xf32>,
    %broadcast_in_dim3A_361 = arith.constant 1.000000e+00 : f32
    %broadcast_in_dim3A_362 = vector.broadcast %broadcast_in_dim3A_361 : f32 to vector<16xf32>
    %swap3A_363 = arith.constant 45 : i32
    %swap3A_364 = arith.index_cast %swap3A_363 : i32 to index
    %swap3A_365 = arith.constant 0 : index
    %swap3A_366 = tpu.vector_load %arg8[%swap3A_364, %swap3A_365] {strides = array<i32>} : memref<128x16xf32, #tpu.memory_space<vmem>>, vector<1x16xf32>,
    %swap3A_367 = vector.shape_cast %swap3A_366 : vector<1x16xf32> to vector<16xf32>
    %swap3A_368 = vector.shape_cast %broadcast_in_dim3A_362 : vector<16xf32> to vector<1x16xf32>
    tpu.vector_store %arg8[%swap3A_364, %swap3A_365], %swap3A_368 {strides = array<i32>} : memref<128x16xf32, #tpu.memory_space<vmem>>, vector<1x16xf32>,
    %broadcast_in_dim3A_369 = arith.constant 1.000000e+00 : f32
    %broadcast_in_dim3A_370 = vector.broadcast %broadcast_in_dim3A_369 : f32 to vector<16xf32>
    %swap3A_371 = arith.constant 46 : i32
    %swap3A_372 = arith.index_cast %swap3A_371 : i32 to index
    %swap3A_373 = arith.constant 0 : index
    %swap3A_374 = tpu.vector_load %arg8[%swap3A_372, %swap3A_373] {strides = array<i32>} : memref<128x16xf32, #tpu.memory_space<vmem>>, vector<1x16xf32>,
    %swap3A_375 = vector.shape_cast %swap3A_374 : vector<1x16xf32> to vector<16xf32>
    %swap3A_376 = vector.shape_cast %broadcast_in_dim3A_370 : vector<16xf32> to vector<1x16xf32>
    tpu.vector_store %arg8[%swap3A_372, %swap3A_373], %swap3A_376 {strides = array<i32>} : memref<128x16xf32, #tpu.memory_space<vmem>>, vector<1x16xf32>,
    %broadcast_in_dim3A_377 = arith.constant 1.000000e+00 : f32
    %broadcast_in_dim3A_378 = vector.broadcast %broadcast_in_dim3A_377 : f32 to vector<16xf32>
    %swap3A_379 = arith.constant 47 : i32
    %swap3A_380 = arith.index_cast %swap3A_379 : i32 to index
    %swap3A_381 = arith.constant 0 : index
    %swap3A_382 = tpu.vector_load %arg8[%swap3A_380, %swap3A_381] {strides = array<i32>} : memref<128x16xf32, #tpu.memory_space<vmem>>, vector<1x16xf32>,
    %swap3A_383 = vector.shape_cast %swap3A_382 : vector<1x16xf32> to vector<16xf32>
    %swap3A_384 = vector.shape_cast %broadcast_in_dim3A_378 : vector<16xf32> to vector<1x16xf32>
    tpu.vector_store %arg8[%swap3A_380, %swap3A_381], %swap3A_384 {strides = array<i32>} : memref<128x16xf32, #tpu.memory_space<vmem>>, vector<1x16xf32>,
    %broadcast_in_dim3A_385 = arith.constant 1.000000e+00 : f32
    %broadcast_in_dim3A_386 = vector.broadcast %broadcast_in_dim3A_385 : f32 to vector<16xf32>
    %swap3A_387 = arith.constant 48 : i32
    %swap3A_388 = arith.index_cast %swap3A_387 : i32 to index
    %swap3A_389 = arith.constant 0 : index
    %swap3A_390 = tpu.vector_load %arg8[%swap3A_388, %swap3A_389] {strides = array<i32>} : memref<128x16xf32, #tpu.memory_space<vmem>>, vector<1x16xf32>,
    %swap3A_391 = vector.shape_cast %swap3A_390 : vector<1x16xf32> to vector<16xf32>
    %swap3A_392 = vector.shape_cast %broadcast_in_dim3A_386 : vector<16xf32> to vector<1x16xf32>
    tpu.vector_store %arg8[%swap3A_388, %swap3A_389], %swap3A_392 {strides = array<i32>} : memref<128x16xf32, #tpu.memory_space<vmem>>, vector<1x16xf32>,
    %broadcast_in_dim3A_393 = arith.constant 1.000000e+00 : f32
    %broadcast_in_dim3A_394 = vector.broadcast %broadcast_in_dim3A_393 : f32 to vector<16xf32>
    %swap3A_395 = arith.constant 49 : i32
    %swap3A_396 = arith.index_cast %swap3A_395 : i32 to index
    %swap3A_397 = arith.constant 0 : index
    %swap3A_398 = tpu.vector_load %arg8[%swap3A_396, %swap3A_397] {strides = array<i32>} : memref<128x16xf32, #tpu.memory_space<vmem>>, vector<1x16xf32>,
    %swap3A_399 = vector.shape_cast %swap3A_398 : vector<1x16xf32> to vector<16xf32>
    %swap3A_400 = vector.shape_cast %broadcast_in_dim3A_394 : vector<16xf32> to vector<1x16xf32>
    tpu.vector_store %arg8[%swap3A_396, %swap3A_397], %swap3A_400 {strides = array<i32>} : memref<128x16xf32, #tpu.memory_space<vmem>>, vector<1x16xf32>,
    %broadcast_in_dim3A_401 = arith.constant 1.000000e+00 : f32
    %broadcast_in_dim3A_402 = vector.broadcast %broadcast_in_dim3A_401 : f32 to vector<16xf32>
    %swap3A_403 = arith.constant 50 : i32
    %swap3A_404 = arith.index_cast %swap3A_403 : i32 to index
    %swap3A_405 = arith.constant 0 : index
    %swap3A_406 = tpu.vector_load %arg8[%swap3A_404, %swap3A_405] {strides = array<i32>} : memref<128x16xf32, #tpu.memory_space<vmem>>, vector<1x16xf32>,
    %swap3A_407 = vector.shape_cast %swap3A_406 : vector<1x16xf32> to vector<16xf32>
    %swap3A_408 = vector.shape_cast %broadcast_in_dim3A_402 : vector<16xf32> to vector<1x16xf32>
    tpu.vector_store %arg8[%swap3A_404, %swap3A_405], %swap3A_408 {strides = array<i32>} : memref<128x16xf32, #tpu.memory_space<vmem>>, vector<1x16xf32>,
    %broadcast_in_dim3A_409 = arith.constant 1.000000e+00 : f32
    %broadcast_in_dim3A_410 = vector.broadcast %broadcast_in_dim3A_409 : f32 to vector<16xf32>
    %swap3A_411 = arith.constant 51 : i32
    %swap3A_412 = arith.index_cast %swap3A_411 : i32 to index
    %swap3A_413 = arith.constant 0 : index
    %swap3A_414 = tpu.vector_load %arg8[%swap3A_412, %swap3A_413] {strides = array<i32>} : memref<128x16xf32, #tpu.memory_space<vmem>>, vector<1x16xf32>,
    %swap3A_415 = vector.shape_cast %swap3A_414 : vector<1x16xf32> to vector<16xf32>
    %swap3A_416 = vector.shape_cast %broadcast_in_dim3A_410 : vector<16xf32> to vector<1x16xf32>
    tpu.vector_store %arg8[%swap3A_412, %swap3A_413], %swap3A_416 {strides = array<i32>} : memref<128x16xf32, #tpu.memory_space<vmem>>, vector<1x16xf32>,
    %broadcast_in_dim3A_417 = arith.constant 1.000000e+00 : f32
    %broadcast_in_dim3A_418 = vector.broadcast %broadcast_in_dim3A_417 : f32 to vector<16xf32>
    %swap3A_419 = arith.constant 52 : i32
    %swap3A_420 = arith.index_cast %swap3A_419 : i32 to index
    %swap3A_421 = arith.constant 0 : index
    %swap3A_422 = tpu.vector_load %arg8[%swap3A_420, %swap3A_421] {strides = array<i32>} : memref<128x16xf32, #tpu.memory_space<vmem>>, vector<1x16xf32>,
    %swap3A_423 = vector.shape_cast %swap3A_422 : vector<1x16xf32> to vector<16xf32>
    %swap3A_424 = vector.shape_cast %broadcast_in_dim3A_418 : vector<16xf32> to vector<1x16xf32>
    tpu.vector_store %arg8[%swap3A_420, %swap3A_421], %swap3A_424 {strides = array<i32>} : memref<128x16xf32, #tpu.memory_space<vmem>>, vector<1x16xf32>,
    %broadcast_in_dim3A_425 = arith.constant 1.000000e+00 : f32
    %broadcast_in_dim3A_426 = vector.broadcast %broadcast_in_dim3A_425 : f32 to vector<16xf32>
    %swap3A_427 = arith.constant 53 : i32
    %swap3A_428 = arith.index_cast %swap3A_427 : i32 to index
    %swap3A_429 = arith.constant 0 : index
    %swap3A_430 = tpu.vector_load %arg8[%swap3A_428, %swap3A_429] {strides = array<i32>} : memref<128x16xf32, #tpu.memory_space<vmem>>, vector<1x16xf32>,
    %swap3A_431 = vector.shape_cast %swap3A_430 : vector<1x16xf32> to vector<16xf32>
    %swap3A_432 = vector.shape_cast %broadcast_in_dim3A_426 : vector<16xf32> to vector<1x16xf32>
    tpu.vector_store %arg8[%swap3A_428, %swap3A_429], %swap3A_432 {strides = array<i32>} : memref<128x16xf32, #tpu.memory_space<vmem>>, vector<1x16xf32>,
    %broadcast_in_dim3A_433 = arith.constant 1.000000e+00 : f32
    %broadcast_in_dim3A_434 = vector.broadcast %broadcast_in_dim3A_433 : f32 to vector<16xf32>
    %swap3A_435 = arith.constant 54 : i32
    %swap3A_436 = arith.index_cast %swap3A_435 : i32 to index
    %swap3A_437 = arith.constant 0 : index
    %swap3A_438 = tpu.vector_load %arg8[%swap3A_436, %swap3A_437] {strides = array<i32>} : memref<128x16xf32, #tpu.memory_space<vmem>>, vector<1x16xf32>,
    %swap3A_439 = vector.shape_cast %swap3A_438 : vector<1x16xf32> to vector<16xf32>
    %swap3A_440 = vector.shape_cast %broadcast_in_dim3A_434 : vector<16xf32> to vector<1x16xf32>
    tpu.vector_store %arg8[%swap3A_436, %swap3A_437], %swap3A_440 {strides = array<i32>} : memref<128x16xf32, #tpu.memory_space<vmem>>, vector<1x16xf32>,
    %broadcast_in_dim3A_441 = arith.constant 1.000000e+00 : f32
    %broadcast_in_dim3A_442 = vector.broadcast %broadcast_in_dim3A_441 : f32 to vector<16xf32>
    %swap3A_443 = arith.constant 55 : i32
    %swap3A_444 = arith.index_cast %swap3A_443 : i32 to index
    %swap3A_445 = arith.constant 0 : index
    %swap3A_446 = tpu.vector_load %arg8[%swap3A_444, %swap3A_445] {strides = array<i32>} : memref<128x16xf32, #tpu.memory_space<vmem>>, vector<1x16xf32>,
    %swap3A_447 = vector.shape_cast %swap3A_446 : vector<1x16xf32> to vector<16xf32>
    %swap3A_448 = vector.shape_cast %broadcast_in_dim3A_442 : vector<16xf32> to vector<1x16xf32>
    tpu.vector_store %arg8[%swap3A_444, %swap3A_445], %swap3A_448 {strides = array<i32>} : memref<128x16xf32, #tpu.memory_space<vmem>>, vector<1x16xf32>,
    %broadcast_in_dim3A_449 = arith.constant 1.000000e+00 : f32
    %broadcast_in_dim3A_450 = vector.broadcast %broadcast_in_dim3A_449 : f32 to vector<16xf32>
    %swap3A_451 = arith.constant 56 : i32
    %swap3A_452 = arith.index_cast %swap3A_451 : i32 to index
    %swap3A_453 = arith.constant 0 : index
    %swap3A_454 = tpu.vector_load %arg8[%swap3A_452, %swap3A_453] {strides = array<i32>} : memref<128x16xf32, #tpu.memory_space<vmem>>, vector<1x16xf32>,
    %swap3A_455 = vector.shape_cast %swap3A_454 : vector<1x16xf32> to vector<16xf32>
    %swap3A_456 = vector.shape_cast %broadcast_in_dim3A_450 : vector<16xf32> to vector<1x16xf32>
    tpu.vector_store %arg8[%swap3A_452, %swap3A_453], %swap3A_456 {strides = array<i32>} : memref<128x16xf32, #tpu.memory_space<vmem>>, vector<1x16xf32>,
    %broadcast_in_dim3A_457 = arith.constant 1.000000e+00 : f32
    %broadcast_in_dim3A_458 = vector.broadcast %broadcast_in_dim3A_457 : f32 to vector<16xf32>
    %swap3A_459 = arith.constant 57 : i32
    %swap3A_460 = arith.index_cast %swap3A_459 : i32 to index
    %swap3A_461 = arith.constant 0 : index
    %swap3A_462 = tpu.vector_load %arg8[%swap3A_460, %swap3A_461] {strides = array<i32>} : memref<128x16xf32, #tpu.memory_space<vmem>>, vector<1x16xf32>,
    %swap3A_463 = vector.shape_cast %swap3A_462 : vector<1x16xf32> to vector<16xf32>
    %swap3A_464 = vector.shape_cast %broadcast_in_dim3A_458 : vector<16xf32> to vector<1x16xf32>
    tpu.vector_store %arg8[%swap3A_460, %swap3A_461], %swap3A_464 {strides = array<i32>} : memref<128x16xf32, #tpu.memory_space<vmem>>, vector<1x16xf32>,
    %broadcast_in_dim3A_465 = arith.constant 1.000000e+00 : f32
    %broadcast_in_dim3A_466 = vector.broadcast %broadcast_in_dim3A_465 : f32 to vector<16xf32>
    %swap3A_467 = arith.constant 58 : i32
    %swap3A_468 = arith.index_cast %swap3A_467 : i32 to index
    %swap3A_469 = arith.constant 0 : index
    %swap3A_470 = tpu.vector_load %arg8[%swap3A_468, %swap3A_469] {strides = array<i32>} : memref<128x16xf32, #tpu.memory_space<vmem>>, vector<1x16xf32>,
    %swap3A_471 = vector.shape_cast %swap3A_470 : vector<1x16xf32> to vector<16xf32>
    %swap3A_472 = vector.shape_cast %broadcast_in_dim3A_466 : vector<16xf32> to vector<1x16xf32>
    tpu.vector_store %arg8[%swap3A_468, %swap3A_469], %swap3A_472 {strides = array<i32>} : memref<128x16xf32, #tpu.memory_space<vmem>>, vector<1x16xf32>,
    %broadcast_in_dim3A_473 = arith.constant 1.000000e+00 : f32
    %broadcast_in_dim3A_474 = vector.broadcast %broadcast_in_dim3A_473 : f32 to vector<16xf32>
    %swap3A_475 = arith.constant 59 : i32
    %swap3A_476 = arith.index_cast %swap3A_475 : i32 to index
    %swap3A_477 = arith.constant 0 : index
    %swap3A_478 = tpu.vector_load %arg8[%swap3A_476, %swap3A_477] {strides = array<i32>} : memref<128x16xf32, #tpu.memory_space<vmem>>, vector<1x16xf32>,
    %swap3A_479 = vector.shape_cast %swap3A_478 : vector<1x16xf32> to vector<16xf32>
    %swap3A_480 = vector.shape_cast %broadcast_in_dim3A_474 : vector<16xf32> to vector<1x16xf32>
    tpu.vector_store %arg8[%swap3A_476, %swap3A_477], %swap3A_480 {strides = array<i32>} : memref<128x16xf32, #tpu.memory_space<vmem>>, vector<1x16xf32>,
    %broadcast_in_dim3A_481 = arith.constant 1.000000e+00 : f32
    %broadcast_in_dim3A_482 = vector.broadcast %broadcast_in_dim3A_481 : f32 to vector<16xf32>
    %swap3A_483 = arith.constant 60 : i32
    %swap3A_484 = arith.index_cast %swap3A_483 : i32 to index
    %swap3A_485 = arith.constant 0 : index
    %swap3A_486 = tpu.vector_load %arg8[%swap3A_484, %swap3A_485] {strides = array<i32>} : memref<128x16xf32, #tpu.memory_space<vmem>>, vector<1x16xf32>,
    %swap3A_487 = vector.shape_cast %swap3A_486 : vector<1x16xf32> to vector<16xf32>
    %swap3A_488 = vector.shape_cast %broadcast_in_dim3A_482 : vector<16xf32> to vector<1x16xf32>
    tpu.vector_store %arg8[%swap3A_484, %swap3A_485], %swap3A_488 {strides = array<i32>} : memref<128x16xf32, #tpu.memory_space<vmem>>, vector<1x16xf32>,
    %broadcast_in_dim3A_489 = arith.constant 1.000000e+00 : f32
    %broadcast_in_dim3A_490 = vector.broadcast %broadcast_in_dim3A_489 : f32 to vector<16xf32>
    %swap3A_491 = arith.constant 61 : i32
    %swap3A_492 = arith.index_cast %swap3A_491 : i32 to index
    %swap3A_493 = arith.constant 0 : index
    %swap3A_494 = tpu.vector_load %arg8[%swap3A_492, %swap3A_493] {strides = array<i32>} : memref<128x16xf32, #tpu.memory_space<vmem>>, vector<1x16xf32>,
    %swap3A_495 = vector.shape_cast %swap3A_494 : vector<1x16xf32> to vector<16xf32>
    %swap3A_496 = vector.shape_cast %broadcast_in_dim3A_490 : vector<16xf32> to vector<1x16xf32>
    tpu.vector_store %arg8[%swap3A_492, %swap3A_493], %swap3A_496 {strides = array<i32>} : memref<128x16xf32, #tpu.memory_space<vmem>>, vector<1x16xf32>,
    %broadcast_in_dim3A_497 = arith.constant 1.000000e+00 : f32
    %broadcast_in_dim3A_498 = vector.broadcast %broadcast_in_dim3A_497 : f32 to vector<16xf32>
    %swap3A_499 = arith.constant 62 : i32
    %swap3A_500 = arith.index_cast %swap3A_499 : i32 to index
    %swap3A_501 = arith.constant 0 : index
    %swap3A_502 = tpu.vector_load %arg8[%swap3A_500, %swap3A_501] {strides = array<i32>} : memref<128x16xf32, #tpu.memory_space<vmem>>, vector<1x16xf32>,
    %swap3A_503 = vector.shape_cast %swap3A_502 : vector<1x16xf32> to vector<16xf32>
    %swap3A_504 = vector.shape_cast %broadcast_in_dim3A_498 : vector<16xf32> to vector<1x16xf32>
    tpu.vector_store %arg8[%swap3A_500, %swap3A_501], %swap3A_504 {strides = array<i32>} : memref<128x16xf32, #tpu.memory_space<vmem>>, vector<1x16xf32>,
    %broadcast_in_dim3A_505 = arith.constant 1.000000e+00 : f32
    %broadcast_in_dim3A_506 = vector.broadcast %broadcast_in_dim3A_505 : f32 to vector<16xf32>
    %swap3A_507 = arith.constant 63 : i32
    %swap3A_508 = arith.index_cast %swap3A_507 : i32 to index
    %swap3A_509 = arith.constant 0 : index
    %swap3A_510 = tpu.vector_load %arg8[%swap3A_508, %swap3A_509] {strides = array<i32>} : memref<128x16xf32, #tpu.memory_space<vmem>>, vector<1x16xf32>,
    %swap3A_511 = vector.shape_cast %swap3A_510 : vector<1x16xf32> to vector<16xf32>
    %swap3A_512 = vector.shape_cast %broadcast_in_dim3A_506 : vector<16xf32> to vector<1x16xf32>
    tpu.vector_store %arg8[%swap3A_508, %swap3A_509], %swap3A_512 {strides = array<i32>} : memref<128x16xf32, #tpu.memory_space<vmem>>, vector<1x16xf32>,
    %broadcast_in_dim3A_513 = arith.constant 1.000000e+00 : f32
    %broadcast_in_dim3A_514 = vector.broadcast %broadcast_in_dim3A_513 : f32 to vector<16xf32>
    %swap3A_515 = arith.constant 64 : i32
    %swap3A_516 = arith.index_cast %swap3A_515 : i32 to index
    %swap3A_517 = arith.constant 0 : index
    %swap3A_518 = tpu.vector_load %arg8[%swap3A_516, %swap3A_517] {strides = array<i32>} : memref<128x16xf32, #tpu.memory_space<vmem>>, vector<1x16xf32>,
    %swap3A_519 = vector.shape_cast %swap3A_518 : vector<1x16xf32> to vector<16xf32>
    %swap3A_520 = vector.shape_cast %broadcast_in_dim3A_514 : vector<16xf32> to vector<1x16xf32>
    tpu.vector_store %arg8[%swap3A_516, %swap3A_517], %swap3A_520 {strides = array<i32>} : memref<128x16xf32, #tpu.memory_space<vmem>>, vector<1x16xf32>,
    %broadcast_in_dim3A_521 = arith.constant 1.000000e+00 : f32
    %broadcast_in_dim3A_522 = vector.broadcast %broadcast_in_dim3A_521 : f32 to vector<16xf32>
    %swap3A_523 = arith.constant 65 : i32
    %swap3A_524 = arith.index_cast %swap3A_523 : i32 to index
    %swap3A_525 = arith.constant 0 : index
    %swap3A_526 = tpu.vector_load %arg8[%swap3A_524, %swap3A_525] {strides = array<i32>} : memref<128x16xf32, #tpu.memory_space<vmem>>, vector<1x16xf32>,
    %swap3A_527 = vector.shape_cast %swap3A_526 : vector<1x16xf32> to vector<16xf32>
    %swap3A_528 = vector.shape_cast %broadcast_in_dim3A_522 : vector<16xf32> to vector<1x16xf32>
    tpu.vector_store %arg8[%swap3A_524, %swap3A_525], %swap3A_528 {strides = array<i32>} : memref<128x16xf32, #tpu.memory_space<vmem>>, vector<1x16xf32>,
    %broadcast_in_dim3A_529 = arith.constant 1.000000e+00 : f32
    %broadcast_in_dim3A_530 = vector.broadcast %broadcast_in_dim3A_529 : f32 to vector<16xf32>
    %swap3A_531 = arith.constant 66 : i32
    %swap3A_532 = arith.index_cast %swap3A_531 : i32 to index
    %swap3A_533 = arith.constant 0 : index
    %swap3A_534 = tpu.vector_load %arg8[%swap3A_532, %swap3A_533] {strides = array<i32>} : memref<128x16xf32, #tpu.memory_space<vmem>>, vector<1x16xf32>,
    %swap3A_535 = vector.shape_cast %swap3A_534 : vector<1x16xf32> to vector<16xf32>
    %swap3A_536 = vector.shape_cast %broadcast_in_dim3A_530 : vector<16xf32> to vector<1x16xf32>
    tpu.vector_store %arg8[%swap3A_532, %swap3A_533], %swap3A_536 {strides = array<i32>} : memref<128x16xf32, #tpu.memory_space<vmem>>, vector<1x16xf32>,
    %broadcast_in_dim3A_537 = arith.constant 1.000000e+00 : f32
    %broadcast_in_dim3A_538 = vector.broadcast %broadcast_in_dim3A_537 : f32 to vector<16xf32>
    %swap3A_539 = arith.constant 67 : i32
    %swap3A_540 = arith.index_cast %swap3A_539 : i32 to index
    %swap3A_541 = arith.constant 0 : index
    %swap3A_542 = tpu.vector_load %arg8[%swap3A_540, %swap3A_541] {strides = array<i32>} : memref<128x16xf32, #tpu.memory_space<vmem>>, vector<1x16xf32>,
    %swap3A_543 = vector.shape_cast %swap3A_542 : vector<1x16xf32> to vector<16xf32>
    %swap3A_544 = vector.shape_cast %broadcast_in_dim3A_538 : vector<16xf32> to vector<1x16xf32>
    tpu.vector_store %arg8[%swap3A_540, %swap3A_541], %swap3A_544 {strides = array<i32>} : memref<128x16xf32, #tpu.memory_space<vmem>>, vector<1x16xf32>,
    %broadcast_in_dim3A_545 = arith.constant 1.000000e+00 : f32
    %broadcast_in_dim3A_546 = vector.broadcast %broadcast_in_dim3A_545 : f32 to vector<16xf32>
    %swap3A_547 = arith.constant 68 : i32
    %swap3A_548 = arith.index_cast %swap3A_547 : i32 to index
    %swap3A_549 = arith.constant 0 : index
    %swap3A_550 = tpu.vector_load %arg8[%swap3A_548, %swap3A_549] {strides = array<i32>} : memref<128x16xf32, #tpu.memory_space<vmem>>, vector<1x16xf32>,
    %swap3A_551 = vector.shape_cast %swap3A_550 : vector<1x16xf32> to vector<16xf32>
    %swap3A_552 = vector.shape_cast %broadcast_in_dim3A_546 : vector<16xf32> to vector<1x16xf32>
    tpu.vector_store %arg8[%swap3A_548, %swap3A_549], %swap3A_552 {strides = array<i32>} : memref<128x16xf32, #tpu.memory_space<vmem>>, vector<1x16xf32>,
    %broadcast_in_dim3A_553 = arith.constant 1.000000e+00 : f32
    %broadcast_in_dim3A_554 = vector.broadcast %broadcast_in_dim3A_553 : f32 to vector<16xf32>
    %swap3A_555 = arith.constant 69 : i32
    %swap3A_556 = arith.index_cast %swap3A_555 : i32 to index
    %swap3A_557 = arith.constant 0 : index
    %swap3A_558 = tpu.vector_load %arg8[%swap3A_556, %swap3A_557] {strides = array<i32>} : memref<128x16xf32, #tpu.memory_space<vmem>>, vector<1x16xf32>,
    %swap3A_559 = vector.shape_cast %swap3A_558 : vector<1x16xf32> to vector<16xf32>
    %swap3A_560 = vector.shape_cast %broadcast_in_dim3A_554 : vector<16xf32> to vector<1x16xf32>
    tpu.vector_store %arg8[%swap3A_556, %swap3A_557], %swap3A_560 {strides = array<i32>} : memref<128x16xf32, #tpu.memory_space<vmem>>, vector<1x16xf32>,
    %broadcast_in_dim3A_561 = arith.constant 1.000000e+00 : f32
    %broadcast_in_dim3A_562 = vector.broadcast %broadcast_in_dim3A_561 : f32 to vector<16xf32>
    %swap3A_563 = arith.constant 70 : i32
    %swap3A_564 = arith.index_cast %swap3A_563 : i32 to index
    %swap3A_565 = arith.constant 0 : index
    %swap3A_566 = tpu.vector_load %arg8[%swap3A_564, %swap3A_565] {strides = array<i32>} : memref<128x16xf32, #tpu.memory_space<vmem>>, vector<1x16xf32>,
    %swap3A_567 = vector.shape_cast %swap3A_566 : vector<1x16xf32> to vector<16xf32>
    %swap3A_568 = vector.shape_cast %broadcast_in_dim3A_562 : vector<16xf32> to vector<1x16xf32>
    tpu.vector_store %arg8[%swap3A_564, %swap3A_565], %swap3A_568 {strides = array<i32>} : memref<128x16xf32, #tpu.memory_space<vmem>>, vector<1x16xf32>,
    %broadcast_in_dim3A_569 = arith.constant 1.000000e+00 : f32
    %broadcast_in_dim3A_570 = vector.broadcast %broadcast_in_dim3A_569 : f32 to vector<16xf32>
    %swap3A_571 = arith.constant 71 : i32
    %swap3A_572 = arith.index_cast %swap3A_571 : i32 to index
    %swap3A_573 = arith.constant 0 : index
    %swap3A_574 = tpu.vector_load %arg8[%swap3A_572, %swap3A_573] {strides = array<i32>} : memref<128x16xf32, #tpu.memory_space<vmem>>, vector<1x16xf32>,
    %swap3A_575 = vector.shape_cast %swap3A_574 : vector<1x16xf32> to vector<16xf32>
    %swap3A_576 = vector.shape_cast %broadcast_in_dim3A_570 : vector<16xf32> to vector<1x16xf32>
    tpu.vector_store %arg8[%swap3A_572, %swap3A_573], %swap3A_576 {strides = array<i32>} : memref<128x16xf32, #tpu.memory_space<vmem>>, vector<1x16xf32>,
    %broadcast_in_dim3A_577 = arith.constant 1.000000e+00 : f32
    %broadcast_in_dim3A_578 = vector.broadcast %broadcast_in_dim3A_577 : f32 to vector<16xf32>
    %swap3A_579 = arith.constant 72 : i32
    %swap3A_580 = arith.index_cast %swap3A_579 : i32 to index
    %swap3A_581 = arith.constant 0 : index
    %swap3A_582 = tpu.vector_load %arg8[%swap3A_580, %swap3A_581] {strides = array<i32>} : memref<128x16xf32, #tpu.memory_space<vmem>>, vector<1x16xf32>,
    %swap3A_583 = vector.shape_cast %swap3A_582 : vector<1x16xf32> to vector<16xf32>
    %swap3A_584 = vector.shape_cast %broadcast_in_dim3A_578 : vector<16xf32> to vector<1x16xf32>
    tpu.vector_store %arg8[%swap3A_580, %swap3A_581], %swap3A_584 {strides = array<i32>} : memref<128x16xf32, #tpu.memory_space<vmem>>, vector<1x16xf32>,
    %broadcast_in_dim3A_585 = arith.constant 1.000000e+00 : f32
    %broadcast_in_dim3A_586 = vector.broadcast %broadcast_in_dim3A_585 : f32 to vector<16xf32>
    %swap3A_587 = arith.constant 73 : i32
    %swap3A_588 = arith.index_cast %swap3A_587 : i32 to index
    %swap3A_589 = arith.constant 0 : index
    %swap3A_590 = tpu.vector_load %arg8[%swap3A_588, %swap3A_589] {strides = array<i32>} : memref<128x16xf32, #tpu.memory_space<vmem>>, vector<1x16xf32>,
    %swap3A_591 = vector.shape_cast %swap3A_590 : vector<1x16xf32> to vector<16xf32>
    %swap3A_592 = vector.shape_cast %broadcast_in_dim3A_586 : vector<16xf32> to vector<1x16xf32>
    tpu.vector_store %arg8[%swap3A_588, %swap3A_589], %swap3A_592 {strides = array<i32>} : memref<128x16xf32, #tpu.memory_space<vmem>>, vector<1x16xf32>,
    %broadcast_in_dim3A_593 = arith.constant 1.000000e+00 : f32
    %broadcast_in_dim3A_594 = vector.broadcast %broadcast_in_dim3A_593 : f32 to vector<16xf32>
    %swap3A_595 = arith.constant 74 : i32
    %swap3A_596 = arith.index_cast %swap3A_595 : i32 to index
    %swap3A_597 = arith.constant 0 : index
    %swap3A_598 = tpu.vector_load %arg8[%swap3A_596, %swap3A_597] {strides = array<i32>} : memref<128x16xf32, #tpu.memory_space<vmem>>, vector<1x16xf32>,
    %swap3A_599 = vector.shape_cast %swap3A_598 : vector<1x16xf32> to vector<16xf32>
    %swap3A_600 = vector.shape_cast %broadcast_in_dim3A_594 : vector<16xf32> to vector<1x16xf32>
    tpu.vector_store %arg8[%swap3A_596, %swap3A_597], %swap3A_600 {strides = array<i32>} : memref<128x16xf32, #tpu.memory_space<vmem>>, vector<1x16xf32>,
    %broadcast_in_dim3A_601 = arith.constant 1.000000e+00 : f32
    %broadcast_in_dim3A_602 = vector.broadcast %broadcast_in_dim3A_601 : f32 to vector<16xf32>
    %swap3A_603 = arith.constant 75 : i32
    %swap3A_604 = arith.index_cast %swap3A_603 : i32 to index
    %swap3A_605 = arith.constant 0 : index
    %swap3A_606 = tpu.vector_load %arg8[%swap3A_604, %swap3A_605] {strides = array<i32>} : memref<128x16xf32, #tpu.memory_space<vmem>>, vector<1x16xf32>,
    %swap3A_607 = vector.shape_cast %swap3A_606 : vector<1x16xf32> to vector<16xf32>
    %swap3A_608 = vector.shape_cast %broadcast_in_dim3A_602 : vector<16xf32> to vector<1x16xf32>
    tpu.vector_store %arg8[%swap3A_604, %swap3A_605], %swap3A_608 {strides = array<i32>} : memref<128x16xf32, #tpu.memory_space<vmem>>, vector<1x16xf32>,
    %broadcast_in_dim3A_609 = arith.constant 1.000000e+00 : f32
    %broadcast_in_dim3A_610 = vector.broadcast %broadcast_in_dim3A_609 : f32 to vector<16xf32>
    %swap3A_611 = arith.constant 76 : i32
    %swap3A_612 = arith.index_cast %swap3A_611 : i32 to index
    %swap3A_613 = arith.constant 0 : index
    %swap3A_614 = tpu.vector_load %arg8[%swap3A_612, %swap3A_613] {strides = array<i32>} : memref<128x16xf32, #tpu.memory_space<vmem>>, vector<1x16xf32>,
    %swap3A_615 = vector.shape_cast %swap3A_614 : vector<1x16xf32> to vector<16xf32>
    %swap3A_616 = vector.shape_cast %broadcast_in_dim3A_610 : vector<16xf32> to vector<1x16xf32>
    tpu.vector_store %arg8[%swap3A_612, %swap3A_613], %swap3A_616 {strides = array<i32>} : memref<128x16xf32, #tpu.memory_space<vmem>>, vector<1x16xf32>,
    %broadcast_in_dim3A_617 = arith.constant 1.000000e+00 : f32
    %broadcast_in_dim3A_618 = vector.broadcast %broadcast_in_dim3A_617 : f32 to vector<16xf32>
    %swap3A_619 = arith.constant 77 : i32
    %swap3A_620 = arith.index_cast %swap3A_619 : i32 to index
    %swap3A_621 = arith.constant 0 : index
    %swap3A_622 = tpu.vector_load %arg8[%swap3A_620, %swap3A_621] {strides = array<i32>} : memref<128x16xf32, #tpu.memory_space<vmem>>, vector<1x16xf32>,
    %swap3A_623 = vector.shape_cast %swap3A_622 : vector<1x16xf32> to vector<16xf32>
    %swap3A_624 = vector.shape_cast %broadcast_in_dim3A_618 : vector<16xf32> to vector<1x16xf32>
    tpu.vector_store %arg8[%swap3A_620, %swap3A_621], %swap3A_624 {strides = array<i32>} : memref<128x16xf32, #tpu.memory_space<vmem>>, vector<1x16xf32>,
    %broadcast_in_dim3A_625 = arith.constant 1.000000e+00 : f32
    %broadcast_in_dim3A_626 = vector.broadcast %broadcast_in_dim3A_625 : f32 to vector<16xf32>
    %swap3A_627 = arith.constant 78 : i32
    %swap3A_628 = arith.index_cast %swap3A_627 : i32 to index
    %swap3A_629 = arith.constant 0 : index
    %swap3A_630 = tpu.vector_load %arg8[%swap3A_628, %swap3A_629] {strides = array<i32>} : memref<128x16xf32, #tpu.memory_space<vmem>>, vector<1x16xf32>,
    %swap3A_631 = vector.shape_cast %swap3A_630 : vector<1x16xf32> to vector<16xf32>
    %swap3A_632 = vector.shape_cast %broadcast_in_dim3A_626 : vector<16xf32> to vector<1x16xf32>
    tpu.vector_store %arg8[%swap3A_628, %swap3A_629], %swap3A_632 {strides = array<i32>} : memref<128x16xf32, #tpu.memory_space<vmem>>, vector<1x16xf32>,
    %broadcast_in_dim3A_633 = arith.constant 1.000000e+00 : f32
    %broadcast_in_dim3A_634 = vector.broadcast %broadcast_in_dim3A_633 : f32 to vector<16xf32>
    %swap3A_635 = arith.constant 79 : i32
    %swap3A_636 = arith.index_cast %swap3A_635 : i32 to index
    %swap3A_637 = arith.constant 0 : index
    %swap3A_638 = tpu.vector_load %arg8[%swap3A_636, %swap3A_637] {strides = array<i32>} : memref<128x16xf32, #tpu.memory_space<vmem>>, vector<1x16xf32>,
    %swap3A_639 = vector.shape_cast %swap3A_638 : vector<1x16xf32> to vector<16xf32>
    %swap3A_640 = vector.shape_cast %broadcast_in_dim3A_634 : vector<16xf32> to vector<1x16xf32>
    tpu.vector_store %arg8[%swap3A_636, %swap3A_637], %swap3A_640 {strides = array<i32>} : memref<128x16xf32, #tpu.memory_space<vmem>>, vector<1x16xf32>,
    %broadcast_in_dim3A_641 = arith.constant 1.000000e+00 : f32
    %broadcast_in_dim3A_642 = vector.broadcast %broadcast_in_dim3A_641 : f32 to vector<16xf32>
    %swap3A_643 = arith.constant 80 : i32
    %swap3A_644 = arith.index_cast %swap3A_643 : i32 to index
    %swap3A_645 = arith.constant 0 : index
    %swap3A_646 = tpu.vector_load %arg8[%swap3A_644, %swap3A_645] {strides = array<i32>} : memref<128x16xf32, #tpu.memory_space<vmem>>, vector<1x16xf32>,
    %swap3A_647 = vector.shape_cast %swap3A_646 : vector<1x16xf32> to vector<16xf32>
    %swap3A_648 = vector.shape_cast %broadcast_in_dim3A_642 : vector<16xf32> to vector<1x16xf32>
    tpu.vector_store %arg8[%swap3A_644, %swap3A_645], %swap3A_648 {strides = array<i32>} : memref<128x16xf32, #tpu.memory_space<vmem>>, vector<1x16xf32>,
    %broadcast_in_dim3A_649 = arith.constant 1.000000e+00 : f32
    %broadcast_in_dim3A_650 = vector.broadcast %broadcast_in_dim3A_649 : f32 to vector<16xf32>
    %swap3A_651 = arith.constant 81 : i32
    %swap3A_652 = arith.index_cast %swap3A_651 : i32 to index
    %swap3A_653 = arith.constant 0 : index
    %swap3A_654 = tpu.vector_load %arg8[%swap3A_652, %swap3A_653] {strides = array<i32>} : memref<128x16xf32, #tpu.memory_space<vmem>>, vector<1x16xf32>,
    %swap3A_655 = vector.shape_cast %swap3A_654 : vector<1x16xf32> to vector<16xf32>
    %swap3A_656 = vector.shape_cast %broadcast_in_dim3A_650 : vector<16xf32> to vector<1x16xf32>
    tpu.vector_store %arg8[%swap3A_652, %swap3A_653], %swap3A_656 {strides = array<i32>} : memref<128x16xf32, #tpu.memory_space<vmem>>, vector<1x16xf32>,
    %broadcast_in_dim3A_657 = arith.constant 1.000000e+00 : f32
    %broadcast_in_dim3A_658 = vector.broadcast %broadcast_in_dim3A_657 : f32 to vector<16xf32>
    %swap3A_659 = arith.constant 82 : i32
    %swap3A_660 = arith.index_cast %swap3A_659 : i32 to index
    %swap3A_661 = arith.constant 0 : index
    %swap3A_662 = tpu.vector_load %arg8[%swap3A_660, %swap3A_661] {strides = array<i32>} : memref<128x16xf32, #tpu.memory_space<vmem>>, vector<1x16xf32>,
    %swap3A_663 = vector.shape_cast %swap3A_662 : vector<1x16xf32> to vector<16xf32>
    %swap3A_664 = vector.shape_cast %broadcast_in_dim3A_658 : vector<16xf32> to vector<1x16xf32>
    tpu.vector_store %arg8[%swap3A_660, %swap3A_661], %swap3A_664 {strides = array<i32>} : memref<128x16xf32, #tpu.memory_space<vmem>>, vector<1x16xf32>,
    %broadcast_in_dim3A_665 = arith.constant 1.000000e+00 : f32
    %broadcast_in_dim3A_666 = vector.broadcast %broadcast_in_dim3A_665 : f32 to vector<16xf32>
    %swap3A_667 = arith.constant 83 : i32
    %swap3A_668 = arith.index_cast %swap3A_667 : i32 to index
    %swap3A_669 = arith.constant 0 : index
    %swap3A_670 = tpu.vector_load %arg8[%swap3A_668, %swap3A_669] {strides = array<i32>} : memref<128x16xf32, #tpu.memory_space<vmem>>, vector<1x16xf32>,
    %swap3A_671 = vector.shape_cast %swap3A_670 : vector<1x16xf32> to vector<16xf32>
    %swap3A_672 = vector.shape_cast %broadcast_in_dim3A_666 : vector<16xf32> to vector<1x16xf32>
    tpu.vector_store %arg8[%swap3A_668, %swap3A_669], %swap3A_672 {strides = array<i32>} : memref<128x16xf32, #tpu.memory_space<vmem>>, vector<1x16xf32>,
    %broadcast_in_dim3A_673 = arith.constant 1.000000e+00 : f32
    %broadcast_in_dim3A_674 = vector.broadcast %broadcast_in_dim3A_673 : f32 to vector<16xf32>
    %swap3A_675 = arith.constant 84 : i32
    %swap3A_676 = arith.index_cast %swap3A_675 : i32 to index
    %swap3A_677 = arith.constant 0 : index
    %swap3A_678 = tpu.vector_load %arg8[%swap3A_676, %swap3A_677] {strides = array<i32>} : memref<128x16xf32, #tpu.memory_space<vmem>>, vector<1x16xf32>,
    %swap3A_679 = vector.shape_cast %swap3A_678 : vector<1x16xf32> to vector<16xf32>
    %swap3A_680 = vector.shape_cast %broadcast_in_dim3A_674 : vector<16xf32> to vector<1x16xf32>
    tpu.vector_store %arg8[%swap3A_676, %swap3A_677], %swap3A_680 {strides = array<i32>} : memref<128x16xf32, #tpu.memory_space<vmem>>, vector<1x16xf32>,
    %broadcast_in_dim3A_681 = arith.constant 1.000000e+00 : f32
    %broadcast_in_dim3A_682 = vector.broadcast %broadcast_in_dim3A_681 : f32 to vector<16xf32>
    %swap3A_683 = arith.constant 85 : i32
    %swap3A_684 = arith.index_cast %swap3A_683 : i32 to index
    %swap3A_685 = arith.constant 0 : index
    %swap3A_686 = tpu.vector_load %arg8[%swap3A_684, %swap3A_685] {strides = array<i32>} : memref<128x16xf32, #tpu.memory_space<vmem>>, vector<1x16xf32>,
    %swap3A_687 = vector.shape_cast %swap3A_686 : vector<1x16xf32> to vector<16xf32>
    %swap3A_688 = vector.shape_cast %broadcast_in_dim3A_682 : vector<16xf32> to vector<1x16xf32>
    tpu.vector_store %arg8[%swap3A_684, %swap3A_685], %swap3A_688 {strides = array<i32>} : memref<128x16xf32, #tpu.memory_space<vmem>>, vector<1x16xf32>,
    %broadcast_in_dim3A_689 = arith.constant 1.000000e+00 : f32
    %broadcast_in_dim3A_690 = vector.broadcast %broadcast_in_dim3A_689 : f32 to vector<16xf32>
    %swap3A_691 = arith.constant 86 : i32
    %swap3A_692 = arith.index_cast %swap3A_691 : i32 to index
    %swap3A_693 = arith.constant 0 : index
    %swap3A_694 = tpu.vector_load %arg8[%swap3A_692, %swap3A_693] {strides = array<i32>} : memref<128x16xf32, #tpu.memory_space<vmem>>, vector<1x16xf32>,
    %swap3A_695 = vector.shape_cast %swap3A_694 : vector<1x16xf32> to vector<16xf32>
    %swap3A_696 = vector.shape_cast %broadcast_in_dim3A_690 : vector<16xf32> to vector<1x16xf32>
    tpu.vector_store %arg8[%swap3A_692, %swap3A_693], %swap3A_696 {strides = array<i32>} : memref<128x16xf32, #tpu.memory_space<vmem>>, vector<1x16xf32>,
    %broadcast_in_dim3A_697 = arith.constant 1.000000e+00 : f32
    %broadcast_in_dim3A_698 = vector.broadcast %broadcast_in_dim3A_697 : f32 to vector<16xf32>
    %swap3A_699 = arith.constant 87 : i32
    %swap3A_700 = arith.index_cast %swap3A_699 : i32 to index
    %swap3A_701 = arith.constant 0 : index
    %swap3A_702 = tpu.vector_load %arg8[%swap3A_700, %swap3A_701] {strides = array<i32>} : memref<128x16xf32, #tpu.memory_space<vmem>>, vector<1x16xf32>,
    %swap3A_703 = vector.shape_cast %swap3A_702 : vector<1x16xf32> to vector<16xf32>
    %swap3A_704 = vector.shape_cast %broadcast_in_dim3A_698 : vector<16xf32> to vector<1x16xf32>
    tpu.vector_store %arg8[%swap3A_700, %swap3A_701], %swap3A_704 {strides = array<i32>} : memref<128x16xf32, #tpu.memory_space<vmem>>, vector<1x16xf32>,
    %broadcast_in_dim3A_705 = arith.constant 1.000000e+00 : f32
    %broadcast_in_dim3A_706 = vector.broadcast %broadcast_in_dim3A_705 : f32 to vector<16xf32>
    %swap3A_707 = arith.constant 88 : i32
    %swap3A_708 = arith.index_cast %swap3A_707 : i32 to index
    %swap3A_709 = arith.constant 0 : index
    %swap3A_710 = tpu.vector_load %arg8[%swap3A_708, %swap3A_709] {strides = array<i32>} : memref<128x16xf32, #tpu.memory_space<vmem>>, vector<1x16xf32>,
    %swap3A_711 = vector.shape_cast %swap3A_710 : vector<1x16xf32> to vector<16xf32>
    %swap3A_712 = vector.shape_cast %broadcast_in_dim3A_706 : vector<16xf32> to vector<1x16xf32>
    tpu.vector_store %arg8[%swap3A_708, %swap3A_709], %swap3A_712 {strides = array<i32>} : memref<128x16xf32, #tpu.memory_space<vmem>>, vector<1x16xf32>,
    %broadcast_in_dim3A_713 = arith.constant 1.000000e+00 : f32
    %broadcast_in_dim3A_714 = vector.broadcast %broadcast_in_dim3A_713 : f32 to vector<16xf32>
    %swap3A_715 = arith.constant 89 : i32
    %swap3A_716 = arith.index_cast %swap3A_715 : i32 to index
    %swap3A_717 = arith.constant 0 : index
    %swap3A_718 = tpu.vector_load %arg8[%swap3A_716, %swap3A_717] {strides = array<i32>} : memref<128x16xf32, #tpu.memory_space<vmem>>, vector<1x16xf32>,
    %swap3A_719 = vector.shape_cast %swap3A_718 : vector<1x16xf32> to vector<16xf32>
    %swap3A_720 = vector.shape_cast %broadcast_in_dim3A_714 : vector<16xf32> to vector<1x16xf32>
    tpu.vector_store %arg8[%swap3A_716, %swap3A_717], %swap3A_720 {strides = array<i32>} : memref<128x16xf32, #tpu.memory_space<vmem>>, vector<1x16xf32>,
    %broadcast_in_dim3A_721 = arith.constant 1.000000e+00 : f32
    %broadcast_in_dim3A_722 = vector.broadcast %broadcast_in_dim3A_721 : f32 to vector<16xf32>
    %swap3A_723 = arith.constant 90 : i32
    %swap3A_724 = arith.index_cast %swap3A_723 : i32 to index
    %swap3A_725 = arith.constant 0 : index
    %swap3A_726 = tpu.vector_load %arg8[%swap3A_724, %swap3A_725] {strides = array<i32>} : memref<128x16xf32, #tpu.memory_space<vmem>>, vector<1x16xf32>,
    %swap3A_727 = vector.shape_cast %swap3A_726 : vector<1x16xf32> to vector<16xf32>
    %swap3A_728 = vector.shape_cast %broadcast_in_dim3A_722 : vector<16xf32> to vector<1x16xf32>
    tpu.vector_store %arg8[%swap3A_724, %swap3A_725], %swap3A_728 {strides = array<i32>} : memref<128x16xf32, #tpu.memory_space<vmem>>, vector<1x16xf32>,
    %broadcast_in_dim3A_729 = arith.constant 1.000000e+00 : f32
    %broadcast_in_dim3A_730 = vector.broadcast %broadcast_in_dim3A_729 : f32 to vector<16xf32>
    %swap3A_731 = arith.constant 91 : i32
    %swap3A_732 = arith.index_cast %swap3A_731 : i32 to index
    %swap3A_733 = arith.constant 0 : index
    %swap3A_734 = tpu.vector_load %arg8[%swap3A_732, %swap3A_733] {strides = array<i32>} : memref<128x16xf32, #tpu.memory_space<vmem>>, vector<1x16xf32>,
    %swap3A_735 = vector.shape_cast %swap3A_734 : vector<1x16xf32> to vector<16xf32>
    %swap3A_736 = vector.shape_cast %broadcast_in_dim3A_730 : vector<16xf32> to vector<1x16xf32>
    tpu.vector_store %arg8[%swap3A_732, %swap3A_733], %swap3A_736 {strides = array<i32>} : memref<128x16xf32, #tpu.memory_space<vmem>>, vector<1x16xf32>,
    %broadcast_in_dim3A_737 = arith.constant 1.000000e+00 : f32
    %broadcast_in_dim3A_738 = vector.broadcast %broadcast_in_dim3A_737 : f32 to vector<16xf32>
    %swap3A_739 = arith.constant 92 : i32
    %swap3A_740 = arith.index_cast %swap3A_739 : i32 to index
    %swap3A_741 = arith.constant 0 : index
    %swap3A_742 = tpu.vector_load %arg8[%swap3A_740, %swap3A_741] {strides = array<i32>} : memref<128x16xf32, #tpu.memory_space<vmem>>, vector<1x16xf32>,
    %swap3A_743 = vector.shape_cast %swap3A_742 : vector<1x16xf32> to vector<16xf32>
    %swap3A_744 = vector.shape_cast %broadcast_in_dim3A_738 : vector<16xf32> to vector<1x16xf32>
    tpu.vector_store %arg8[%swap3A_740, %swap3A_741], %swap3A_744 {strides = array<i32>} : memref<128x16xf32, #tpu.memory_space<vmem>>, vector<1x16xf32>,
    %broadcast_in_dim3A_745 = arith.constant 1.000000e+00 : f32
    %broadcast_in_dim3A_746 = vector.broadcast %broadcast_in_dim3A_745 : f32 to vector<16xf32>
    %swap3A_747 = arith.constant 93 : i32
    %swap3A_748 = arith.index_cast %swap3A_747 : i32 to index
    %swap3A_749 = arith.constant 0 : index
    %swap3A_750 = tpu.vector_load %arg8[%swap3A_748, %swap3A_749] {strides = array<i32>} : memref<128x16xf32, #tpu.memory_space<vmem>>, vector<1x16xf32>,
    %swap3A_751 = vector.shape_cast %swap3A_750 : vector<1x16xf32> to vector<16xf32>
    %swap3A_752 = vector.shape_cast %broadcast_in_dim3A_746 : vector<16xf32> to vector<1x16xf32>
    tpu.vector_store %arg8[%swap3A_748, %swap3A_749], %swap3A_752 {strides = array<i32>} : memref<128x16xf32, #tpu.memory_space<vmem>>, vector<1x16xf32>,
    %broadcast_in_dim3A_753 = arith.constant 1.000000e+00 : f32
    %broadcast_in_dim3A_754 = vector.broadcast %broadcast_in_dim3A_753 : f32 to vector<16xf32>
    %swap3A_755 = arith.constant 94 : i32
    %swap3A_756 = arith.index_cast %swap3A_755 : i32 to index
    %swap3A_757 = arith.constant 0 : index
    %swap3A_758 = tpu.vector_load %arg8[%swap3A_756, %swap3A_757] {strides = array<i32>} : memref<128x16xf32, #tpu.memory_space<vmem>>, vector<1x16xf32>,
    %swap3A_759 = vector.shape_cast %swap3A_758 : vector<1x16xf32> to vector<16xf32>
    %swap3A_760 = vector.shape_cast %broadcast_in_dim3A_754 : vector<16xf32> to vector<1x16xf32>
    tpu.vector_store %arg8[%swap3A_756, %swap3A_757], %swap3A_760 {strides = array<i32>} : memref<128x16xf32, #tpu.memory_space<vmem>>, vector<1x16xf32>,
    %broadcast_in_dim3A_761 = arith.constant 1.000000e+00 : f32
    %broadcast_in_dim3A_762 = vector.broadcast %broadcast_in_dim3A_761 : f32 to vector<16xf32>
    %swap3A_763 = arith.constant 95 : i32
    %swap3A_764 = arith.index_cast %swap3A_763 : i32 to index
    %swap3A_765 = arith.constant 0 : index
    %swap3A_766 = tpu.vector_load %arg8[%swap3A_764, %swap3A_765] {strides = array<i32>} : memref<128x16xf32, #tpu.memory_space<vmem>>, vector<1x16xf32>,
    %swap3A_767 = vector.shape_cast %swap3A_766 : vector<1x16xf32> to vector<16xf32>
    %swap3A_768 = vector.shape_cast %broadcast_in_dim3A_762 : vector<16xf32> to vector<1x16xf32>
    tpu.vector_store %arg8[%swap3A_764, %swap3A_765], %swap3A_768 {strides = array<i32>} : memref<128x16xf32, #tpu.memory_space<vmem>>, vector<1x16xf32>,
    %broadcast_in_dim3A_769 = arith.constant 1.000000e+00 : f32
    %broadcast_in_dim3A_770 = vector.broadcast %broadcast_in_dim3A_769 : f32 to vector<16xf32>
    %swap3A_771 = arith.constant 96 : i32
    %swap3A_772 = arith.index_cast %swap3A_771 : i32 to index
    %swap3A_773 = arith.constant 0 : index
    %swap3A_774 = tpu.vector_load %arg8[%swap3A_772, %swap3A_773] {strides = array<i32>} : memref<128x16xf32, #tpu.memory_space<vmem>>, vector<1x16xf32>,
    %swap3A_775 = vector.shape_cast %swap3A_774 : vector<1x16xf32> to vector<16xf32>
    %swap3A_776 = vector.shape_cast %broadcast_in_dim3A_770 : vector<16xf32> to vector<1x16xf32>
    tpu.vector_store %arg8[%swap3A_772, %swap3A_773], %swap3A_776 {strides = array<i32>} : memref<128x16xf32, #tpu.memory_space<vmem>>, vector<1x16xf32>,
    %broadcast_in_dim3A_777 = arith.constant 1.000000e+00 : f32
    %broadcast_in_dim3A_778 = vector.broadcast %broadcast_in_dim3A_777 : f32 to vector<16xf32>
    %swap3A_779 = arith.constant 97 : i32
    %swap3A_780 = arith.index_cast %swap3A_779 : i32 to index
    %swap3A_781 = arith.constant 0 : index
    %swap3A_782 = tpu.vector_load %arg8[%swap3A_780, %swap3A_781] {strides = array<i32>} : memref<128x16xf32, #tpu.memory_space<vmem>>, vector<1x16xf32>,
    %swap3A_783 = vector.shape_cast %swap3A_782 : vector<1x16xf32> to vector<16xf32>
    %swap3A_784 = vector.shape_cast %broadcast_in_dim3A_778 : vector<16xf32> to vector<1x16xf32>
    tpu.vector_store %arg8[%swap3A_780, %swap3A_781], %swap3A_784 {strides = array<i32>} : memref<128x16xf32, #tpu.memory_space<vmem>>, vector<1x16xf32>,
    %broadcast_in_dim3A_785 = arith.constant 1.000000e+00 : f32
    %broadcast_in_dim3A_786 = vector.broadcast %broadcast_in_dim3A_785 : f32 to vector<16xf32>
    %swap3A_787 = arith.constant 98 : i32
    %swap3A_788 = arith.index_cast %swap3A_787 : i32 to index
    %swap3A_789 = arith.constant 0 : index
    %swap3A_790 = tpu.vector_load %arg8[%swap3A_788, %swap3A_789] {strides = array<i32>} : memref<128x16xf32, #tpu.memory_space<vmem>>, vector<1x16xf32>,
    %swap3A_791 = vector.shape_cast %swap3A_790 : vector<1x16xf32> to vector<16xf32>
    %swap3A_792 = vector.shape_cast %broadcast_in_dim3A_786 : vector<16xf32> to vector<1x16xf32>
    tpu.vector_store %arg8[%swap3A_788, %swap3A_789], %swap3A_792 {strides = array<i32>} : memref<128x16xf32, #tpu.memory_space<vmem>>, vector<1x16xf32>,
    %broadcast_in_dim3A_793 = arith.constant 1.000000e+00 : f32
    %broadcast_in_dim3A_794 = vector.broadcast %broadcast_in_dim3A_793 : f32 to vector<16xf32>
    %swap3A_795 = arith.constant 99 : i32
    %swap3A_796 = arith.index_cast %swap3A_795 : i32 to index
    %swap3A_797 = arith.constant 0 : index
    %swap3A_798 = tpu.vector_load %arg8[%swap3A_796, %swap3A_797] {strides = array<i32>} : memref<128x16xf32, #tpu.memory_space<vmem>>, vector<1x16xf32>,
    %swap3A_799 = vector.shape_cast %swap3A_798 : vector<1x16xf32> to vector<16xf32>
    %swap3A_800 = vector.shape_cast %broadcast_in_dim3A_794 : vector<16xf32> to vector<1x16xf32>
    tpu.vector_store %arg8[%swap3A_796, %swap3A_797], %swap3A_800 {strides = array<i32>} : memref<128x16xf32, #tpu.memory_space<vmem>>, vector<1x16xf32>,
    %broadcast_in_dim3A_801 = arith.constant 1.000000e+00 : f32
    %broadcast_in_dim3A_802 = vector.broadcast %broadcast_in_dim3A_801 : f32 to vector<16xf32>
    %swap3A_803 = arith.constant 100 : i32
    %swap3A_804 = arith.index_cast %swap3A_803 : i32 to index
    %swap3A_805 = arith.constant 0 : index
    %swap3A_806 = tpu.vector_load %arg8[%swap3A_804, %swap3A_805] {strides = array<i32>} : memref<128x16xf32, #tpu.memory_space<vmem>>, vector<1x16xf32>,
    %swap3A_807 = vector.shape_cast %swap3A_806 : vector<1x16xf32> to vector<16xf32>
    %swap3A_808 = vector.shape_cast %broadcast_in_dim3A_802 : vector<16xf32> to vector<1x16xf32>
    tpu.vector_store %arg8[%swap3A_804, %swap3A_805], %swap3A_808 {strides = array<i32>} : memref<128x16xf32, #tpu.memory_space<vmem>>, vector<1x16xf32>,
    %broadcast_in_dim3A_809 = arith.constant 1.000000e+00 : f32
    %broadcast_in_dim3A_810 = vector.broadcast %broadcast_in_dim3A_809 : f32 to vector<16xf32>
    %swap3A_811 = arith.constant 101 : i32
    %swap3A_812 = arith.index_cast %swap3A_811 : i32 to index
    %swap3A_813 = arith.constant 0 : index
    %swap3A_814 = tpu.vector_load %arg8[%swap3A_812, %swap3A_813] {strides = array<i32>} : memref<128x16xf32, #tpu.memory_space<vmem>>, vector<1x16xf32>,
    %swap3A_815 = vector.shape_cast %swap3A_814 : vector<1x16xf32> to vector<16xf32>
    %swap3A_816 = vector.shape_cast %broadcast_in_dim3A_810 : vector<16xf32> to vector<1x16xf32>
    tpu.vector_store %arg8[%swap3A_812, %swap3A_813], %swap3A_816 {strides = array<i32>} : memref<128x16xf32, #tpu.memory_space<vmem>>, vector<1x16xf32>,
    %broadcast_in_dim3A_817 = arith.constant 1.000000e+00 : f32
    %broadcast_in_dim3A_818 = vector.broadcast %broadcast_in_dim3A_817 : f32 to vector<16xf32>
    %swap3A_819 = arith.constant 102 : i32
    %swap3A_820 = arith.index_cast %swap3A_819 : i32 to index
    %swap3A_821 = arith.constant 0 : index
    %swap3A_822 = tpu.vector_load %arg8[%swap3A_820, %swap3A_821] {strides = array<i32>} : memref<128x16xf32, #tpu.memory_space<vmem>>, vector<1x16xf32>,
    %swap3A_823 = vector.shape_cast %swap3A_822 : vector<1x16xf32> to vector<16xf32>
    %swap3A_824 = vector.shape_cast %broadcast_in_dim3A_818 : vector<16xf32> to vector<1x16xf32>
    tpu.vector_store %arg8[%swap3A_820, %swap3A_821], %swap3A_824 {strides = array<i32>} : memref<128x16xf32, #tpu.memory_space<vmem>>, vector<1x16xf32>,
    %broadcast_in_dim3A_825 = arith.constant 1.000000e+00 : f32
    %broadcast_in_dim3A_826 = vector.broadcast %broadcast_in_dim3A_825 : f32 to vector<16xf32>
    %swap3A_827 = arith.constant 103 : i32
    %swap3A_828 = arith.index_cast %swap3A_827 : i32 to index
    %swap3A_829 = arith.constant 0 : index
    %swap3A_830 = tpu.vector_load %arg8[%swap3A_828, %swap3A_829] {strides = array<i32>} : memref<128x16xf32, #tpu.memory_space<vmem>>, vector<1x16xf32>,
    %swap3A_831 = vector.shape_cast %swap3A_830 : vector<1x16xf32> to vector<16xf32>
    %swap3A_832 = vector.shape_cast %broadcast_in_dim3A_826 : vector<16xf32> to vector<1x16xf32>
    tpu.vector_store %arg8[%swap3A_828, %swap3A_829], %swap3A_832 {strides = array<i32>} : memref<128x16xf32, #tpu.memory_space<vmem>>, vector<1x16xf32>,
    %broadcast_in_dim3A_833 = arith.constant 1.000000e+00 : f32
    %broadcast_in_dim3A_834 = vector.broadcast %broadcast_in_dim3A_833 : f32 to vector<16xf32>
    %swap3A_835 = arith.constant 104 : i32
    %swap3A_836 = arith.index_cast %swap3A_835 : i32 to index
    %swap3A_837 = arith.constant 0 : index
    %swap3A_838 = tpu.vector_load %arg8[%swap3A_836, %swap3A_837] {strides = array<i32>} : memref<128x16xf32, #tpu.memory_space<vmem>>, vector<1x16xf32>,
    %swap3A_839 = vector.shape_cast %swap3A_838 : vector<1x16xf32> to vector<16xf32>
    %swap3A_840 = vector.shape_cast %broadcast_in_dim3A_834 : vector<16xf32> to vector<1x16xf32>
    tpu.vector_store %arg8[%swap3A_836, %swap3A_837], %swap3A_840 {strides = array<i32>} : memref<128x16xf32, #tpu.memory_space<vmem>>, vector<1x16xf32>,
    %broadcast_in_dim3A_841 = arith.constant 1.000000e+00 : f32
    %broadcast_in_dim3A_842 = vector.broadcast %broadcast_in_dim3A_841 : f32 to vector<16xf32>
    %swap3A_843 = arith.constant 105 : i32
    %swap3A_844 = arith.index_cast %swap3A_843 : i32 to index
    %swap3A_845 = arith.constant 0 : index
    %swap3A_846 = tpu.vector_load %arg8[%swap3A_844, %swap3A_845] {strides = array<i32>} : memref<128x16xf32, #tpu.memory_space<vmem>>, vector<1x16xf32>,
    %swap3A_847 = vector.shape_cast %swap3A_846 : vector<1x16xf32> to vector<16xf32>
    %swap3A_848 = vector.shape_cast %broadcast_in_dim3A_842 : vector<16xf32> to vector<1x16xf32>
    tpu.vector_store %arg8[%swap3A_844, %swap3A_845], %swap3A_848 {strides = array<i32>} : memref<128x16xf32, #tpu.memory_space<vmem>>, vector<1x16xf32>,
    %broadcast_in_dim3A_849 = arith.constant 1.000000e+00 : f32
    %broadcast_in_dim3A_850 = vector.broadcast %broadcast_in_dim3A_849 : f32 to vector<16xf32>
    %swap3A_851 = arith.constant 106 : i32
    %swap3A_852 = arith.index_cast %swap3A_851 : i32 to index
    %swap3A_853 = arith.constant 0 : index
    %swap3A_854 = tpu.vector_load %arg8[%swap3A_852, %swap3A_853] {strides = array<i32>} : memref<128x16xf32, #tpu.memory_space<vmem>>, vector<1x16xf32>,
    %swap3A_855 = vector.shape_cast %swap3A_854 : vector<1x16xf32> to vector<16xf32>
    %swap3A_856 = vector.shape_cast %broadcast_in_dim3A_850 : vector<16xf32> to vector<1x16xf32>
    tpu.vector_store %arg8[%swap3A_852, %swap3A_853], %swap3A_856 {strides = array<i32>} : memref<128x16xf32, #tpu.memory_space<vmem>>, vector<1x16xf32>,
    %broadcast_in_dim3A_857 = arith.constant 1.000000e+00 : f32
    %broadcast_in_dim3A_858 = vector.broadcast %broadcast_in_dim3A_857 : f32 to vector<16xf32>
    %swap3A_859 = arith.constant 107 : i32
    %swap3A_860 = arith.index_cast %swap3A_859 : i32 to index
    %swap3A_861 = arith.constant 0 : index
    %swap3A_862 = tpu.vector_load %arg8[%swap3A_860, %swap3A_861] {strides = array<i32>} : memref<128x16xf32, #tpu.memory_space<vmem>>, vector<1x16xf32>,
    %swap3A_863 = vector.shape_cast %swap3A_862 : vector<1x16xf32> to vector<16xf32>
    %swap3A_864 = vector.shape_cast %broadcast_in_dim3A_858 : vector<16xf32> to vector<1x16xf32>
    tpu.vector_store %arg8[%swap3A_860, %swap3A_861], %swap3A_864 {strides = array<i32>} : memref<128x16xf32, #tpu.memory_space<vmem>>, vector<1x16xf32>,
    %broadcast_in_dim3A_865 = arith.constant 1.000000e+00 : f32
    %broadcast_in_dim3A_866 = vector.broadcast %broadcast_in_dim3A_865 : f32 to vector<16xf32>
    %swap3A_867 = arith.constant 108 : i32
    %swap3A_868 = arith.index_cast %swap3A_867 : i32 to index
    %swap3A_869 = arith.constant 0 : index
    %swap3A_870 = tpu.vector_load %arg8[%swap3A_868, %swap3A_869] {strides = array<i32>} : memref<128x16xf32, #tpu.memory_space<vmem>>, vector<1x16xf32>,
    %swap3A_871 = vector.shape_cast %swap3A_870 : vector<1x16xf32> to vector<16xf32>
    %swap3A_872 = vector.shape_cast %broadcast_in_dim3A_866 : vector<16xf32> to vector<1x16xf32>
    tpu.vector_store %arg8[%swap3A_868, %swap3A_869], %swap3A_872 {strides = array<i32>} : memref<128x16xf32, #tpu.memory_space<vmem>>, vector<1x16xf32>,
    %broadcast_in_dim3A_873 = arith.constant 1.000000e+00 : f32
    %broadcast_in_dim3A_874 = vector.broadcast %broadcast_in_dim3A_873 : f32 to vector<16xf32>
    %swap3A_875 = arith.constant 109 : i32
    %swap3A_876 = arith.index_cast %swap3A_875 : i32 to index
    %swap3A_877 = arith.constant 0 : index
    %swap3A_878 = tpu.vector_load %arg8[%swap3A_876, %swap3A_877] {strides = array<i32>} : memref<128x16xf32, #tpu.memory_space<vmem>>, vector<1x16xf32>,
    %swap3A_879 = vector.shape_cast %swap3A_878 : vector<1x16xf32> to vector<16xf32>
    %swap3A_880 = vector.shape_cast %broadcast_in_dim3A_874 : vector<16xf32> to vector<1x16xf32>
    tpu.vector_store %arg8[%swap3A_876, %swap3A_877], %swap3A_880 {strides = array<i32>} : memref<128x16xf32, #tpu.memory_space<vmem>>, vector<1x16xf32>,
    %broadcast_in_dim3A_881 = arith.constant 1.000000e+00 : f32
    %broadcast_in_dim3A_882 = vector.broadcast %broadcast_in_dim3A_881 : f32 to vector<16xf32>
    %swap3A_883 = arith.constant 110 : i32
    %swap3A_884 = arith.index_cast %swap3A_883 : i32 to index
    %swap3A_885 = arith.constant 0 : index
    %swap3A_886 = tpu.vector_load %arg8[%swap3A_884, %swap3A_885] {strides = array<i32>} : memref<128x16xf32, #tpu.memory_space<vmem>>, vector<1x16xf32>,
    %swap3A_887 = vector.shape_cast %swap3A_886 : vector<1x16xf32> to vector<16xf32>
    %swap3A_888 = vector.shape_cast %broadcast_in_dim3A_882 : vector<16xf32> to vector<1x16xf32>
    tpu.vector_store %arg8[%swap3A_884, %swap3A_885], %swap3A_888 {strides = array<i32>} : memref<128x16xf32, #tpu.memory_space<vmem>>, vector<1x16xf32>,
    %broadcast_in_dim3A_889 = arith.constant 1.000000e+00 : f32
    %broadcast_in_dim3A_890 = vector.broadcast %broadcast_in_dim3A_889 : f32 to vector<16xf32>
    %swap3A_891 = arith.constant 111 : i32
    %swap3A_892 = arith.index_cast %swap3A_891 : i32 to index
    %swap3A_893 = arith.constant 0 : index
    %swap3A_894 = tpu.vector_load %arg8[%swap3A_892, %swap3A_893] {strides = array<i32>} : memref<128x16xf32, #tpu.memory_space<vmem>>, vector<1x16xf32>,
    %swap3A_895 = vector.shape_cast %swap3A_894 : vector<1x16xf32> to vector<16xf32>
    %swap3A_896 = vector.shape_cast %broadcast_in_dim3A_890 : vector<16xf32> to vector<1x16xf32>
    tpu.vector_store %arg8[%swap3A_892, %swap3A_893], %swap3A_896 {strides = array<i32>} : memref<128x16xf32, #tpu.memory_space<vmem>>, vector<1x16xf32>,
    %broadcast_in_dim3A_897 = arith.constant 1.000000e+00 : f32
    %broadcast_in_dim3A_898 = vector.broadcast %broadcast_in_dim3A_897 : f32 to vector<16xf32>
    %swap3A_899 = arith.constant 112 : i32
    %swap3A_900 = arith.index_cast %swap3A_899 : i32 to index
    %swap3A_901 = arith.constant 0 : index
    %swap3A_902 = tpu.vector_load %arg8[%swap3A_900, %swap3A_901] {strides = array<i32>} : memref<128x16xf32, #tpu.memory_space<vmem>>, vector<1x16xf32>,
    %swap3A_903 = vector.shape_cast %swap3A_902 : vector<1x16xf32> to vector<16xf32>
    %swap3A_904 = vector.shape_cast %broadcast_in_dim3A_898 : vector<16xf32> to vector<1x16xf32>
    tpu.vector_store %arg8[%swap3A_900, %swap3A_901], %swap3A_904 {strides = array<i32>} : memref<128x16xf32, #tpu.memory_space<vmem>>, vector<1x16xf32>,
    %broadcast_in_dim3A_905 = arith.constant 1.000000e+00 : f32
    %broadcast_in_dim3A_906 = vector.broadcast %broadcast_in_dim3A_905 : f32 to vector<16xf32>
    %swap3A_907 = arith.constant 113 : i32
    %swap3A_908 = arith.index_cast %swap3A_907 : i32 to index
    %swap3A_909 = arith.constant 0 : index
    %swap3A_910 = tpu.vector_load %arg8[%swap3A_908, %swap3A_909] {strides = array<i32>} : memref<128x16xf32, #tpu.memory_space<vmem>>, vector<1x16xf32>,
    %swap3A_911 = vector.shape_cast %swap3A_910 : vector<1x16xf32> to vector<16xf32>
    %swap3A_912 = vector.shape_cast %broadcast_in_dim3A_906 : vector<16xf32> to vector<1x16xf32>
    tpu.vector_store %arg8[%swap3A_908, %swap3A_909], %swap3A_912 {strides = array<i32>} : memref<128x16xf32, #tpu.memory_space<vmem>>, vector<1x16xf32>,
    %broadcast_in_dim3A_913 = arith.constant 1.000000e+00 : f32
    %broadcast_in_dim3A_914 = vector.broadcast %broadcast_in_dim3A_913 : f32 to vector<16xf32>
    %swap3A_915 = arith.constant 114 : i32
    %swap3A_916 = arith.index_cast %swap3A_915 : i32 to index
    %swap3A_917 = arith.constant 0 : index
    %swap3A_918 = tpu.vector_load %arg8[%swap3A_916, %swap3A_917] {strides = array<i32>} : memref<128x16xf32, #tpu.memory_space<vmem>>, vector<1x16xf32>,
    %swap3A_919 = vector.shape_cast %swap3A_918 : vector<1x16xf32> to vector<16xf32>
    %swap3A_920 = vector.shape_cast %broadcast_in_dim3A_914 : vector<16xf32> to vector<1x16xf32>
    tpu.vector_store %arg8[%swap3A_916, %swap3A_917], %swap3A_920 {strides = array<i32>} : memref<128x16xf32, #tpu.memory_space<vmem>>, vector<1x16xf32>,
    %broadcast_in_dim3A_921 = arith.constant 1.000000e+00 : f32
    %broadcast_in_dim3A_922 = vector.broadcast %broadcast_in_dim3A_921 : f32 to vector<16xf32>
    %swap3A_923 = arith.constant 115 : i32
    %swap3A_924 = arith.index_cast %swap3A_923 : i32 to index
    %swap3A_925 = arith.constant 0 : index
    %swap3A_926 = tpu.vector_load %arg8[%swap3A_924, %swap3A_925] {strides = array<i32>} : memref<128x16xf32, #tpu.memory_space<vmem>>, vector<1x16xf32>,
    %swap3A_927 = vector.shape_cast %swap3A_926 : vector<1x16xf32> to vector<16xf32>
    %swap3A_928 = vector.shape_cast %broadcast_in_dim3A_922 : vector<16xf32> to vector<1x16xf32>
    tpu.vector_store %arg8[%swap3A_924, %swap3A_925], %swap3A_928 {strides = array<i32>} : memref<128x16xf32, #tpu.memory_space<vmem>>, vector<1x16xf32>,
    %broadcast_in_dim3A_929 = arith.constant 1.000000e+00 : f32
    %broadcast_in_dim3A_930 = vector.broadcast %broadcast_in_dim3A_929 : f32 to vector<16xf32>
    %swap3A_931 = arith.constant 116 : i32
    %swap3A_932 = arith.index_cast %swap3A_931 : i32 to index
    %swap3A_933 = arith.constant 0 : index
    %swap3A_934 = tpu.vector_load %arg8[%swap3A_932, %swap3A_933] {strides = array<i32>} : memref<128x16xf32, #tpu.memory_space<vmem>>, vector<1x16xf32>,
    %swap3A_935 = vector.shape_cast %swap3A_934 : vector<1x16xf32> to vector<16xf32>
    %swap3A_936 = vector.shape_cast %broadcast_in_dim3A_930 : vector<16xf32> to vector<1x16xf32>
    tpu.vector_store %arg8[%swap3A_932, %swap3A_933], %swap3A_936 {strides = array<i32>} : memref<128x16xf32, #tpu.memory_space<vmem>>, vector<1x16xf32>,
    %broadcast_in_dim3A_937 = arith.constant 1.000000e+00 : f32
    %broadcast_in_dim3A_938 = vector.broadcast %broadcast_in_dim3A_937 : f32 to vector<16xf32>
    %swap3A_939 = arith.constant 117 : i32
    %swap3A_940 = arith.index_cast %swap3A_939 : i32 to index
    %swap3A_941 = arith.constant 0 : index
    %swap3A_942 = tpu.vector_load %arg8[%swap3A_940, %swap3A_941] {strides = array<i32>} : memref<128x16xf32, #tpu.memory_space<vmem>>, vector<1x16xf32>,
    %swap3A_943 = vector.shape_cast %swap3A_942 : vector<1x16xf32> to vector<16xf32>
    %swap3A_944 = vector.shape_cast %broadcast_in_dim3A_938 : vector<16xf32> to vector<1x16xf32>
    tpu.vector_store %arg8[%swap3A_940, %swap3A_941], %swap3A_944 {strides = array<i32>} : memref<128x16xf32, #tpu.memory_space<vmem>>, vector<1x16xf32>,
    %broadcast_in_dim3A_945 = arith.constant 1.000000e+00 : f32
    %broadcast_in_dim3A_946 = vector.broadcast %broadcast_in_dim3A_945 : f32 to vector<16xf32>
    %swap3A_947 = arith.constant 118 : i32
    %swap3A_948 = arith.index_cast %swap3A_947 : i32 to index
    %swap3A_949 = arith.constant 0 : index
    %swap3A_950 = tpu.vector_load %arg8[%swap3A_948, %swap3A_949] {strides = array<i32>} : memref<128x16xf32, #tpu.memory_space<vmem>>, vector<1x16xf32>,
    %swap3A_951 = vector.shape_cast %swap3A_950 : vector<1x16xf32> to vector<16xf32>
    %swap3A_952 = vector.shape_cast %broadcast_in_dim3A_946 : vector<16xf32> to vector<1x16xf32>
    tpu.vector_store %arg8[%swap3A_948, %swap3A_949], %swap3A_952 {strides = array<i32>} : memref<128x16xf32, #tpu.memory_space<vmem>>, vector<1x16xf32>,
    %broadcast_in_dim3A_953 = arith.constant 1.000000e+00 : f32
    %broadcast_in_dim3A_954 = vector.broadcast %broadcast_in_dim3A_953 : f32 to vector<16xf32>
    %swap3A_955 = arith.constant 119 : i32
    %swap3A_956 = arith.index_cast %swap3A_955 : i32 to index
    %swap3A_957 = arith.constant 0 : index
    %swap3A_958 = tpu.vector_load %arg8[%swap3A_956, %swap3A_957] {strides = array<i32>} : memref<128x16xf32, #tpu.memory_space<vmem>>, vector<1x16xf32>,
    %swap3A_959 = vector.shape_cast %swap3A_958 : vector<1x16xf32> to vector<16xf32>
    %swap3A_960 = vector.shape_cast %broadcast_in_dim3A_954 : vector<16xf32> to vector<1x16xf32>
    tpu.vector_store %arg8[%swap3A_956, %swap3A_957], %swap3A_960 {strides = array<i32>} : memref<128x16xf32, #tpu.memory_space<vmem>>, vector<1x16xf32>,
    %broadcast_in_dim3A_961 = arith.constant 1.000000e+00 : f32
    %broadcast_in_dim3A_962 = vector.broadcast %broadcast_in_dim3A_961 : f32 to vector<16xf32>
    %swap3A_963 = arith.constant 120 : i32
    %swap3A_964 = arith.index_cast %swap3A_963 : i32 to index
    %swap3A_965 = arith.constant 0 : index
    %swap3A_966 = tpu.vector_load %arg8[%swap3A_964, %swap3A_965] {strides = array<i32>} : memref<128x16xf32, #tpu.memory_space<vmem>>, vector<1x16xf32>,
    %swap3A_967 = vector.shape_cast %swap3A_966 : vector<1x16xf32> to vector<16xf32>
    %swap3A_968 = vector.shape_cast %broadcast_in_dim3A_962 : vector<16xf32> to vector<1x16xf32>
    tpu.vector_store %arg8[%swap3A_964, %swap3A_965], %swap3A_968 {strides = array<i32>} : memref<128x16xf32, #tpu.memory_space<vmem>>, vector<1x16xf32>,
    %broadcast_in_dim3A_969 = arith.constant 1.000000e+00 : f32
    %broadcast_in_dim3A_970 = vector.broadcast %broadcast_in_dim3A_969 : f32 to vector<16xf32>
    %swap3A_971 = arith.constant 121 : i32
    %swap3A_972 = arith.index_cast %swap3A_971 : i32 to index
    %swap3A_973 = arith.constant 0 : index
    %swap3A_974 = tpu.vector_load %arg8[%swap3A_972, %swap3A_973] {strides = array<i32>} : memref<128x16xf32, #tpu.memory_space<vmem>>, vector<1x16xf32>,
    %swap3A_975 = vector.shape_cast %swap3A_974 : vector<1x16xf32> to vector<16xf32>
    %swap3A_976 = vector.shape_cast %broadcast_in_dim3A_970 : vector<16xf32> to vector<1x16xf32>
    tpu.vector_store %arg8[%swap3A_972, %swap3A_973], %swap3A_976 {strides = array<i32>} : memref<128x16xf32, #tpu.memory_space<vmem>>, vector<1x16xf32>,
    %broadcast_in_dim3A_977 = arith.constant 1.000000e+00 : f32
    %broadcast_in_dim3A_978 = vector.broadcast %broadcast_in_dim3A_977 : f32 to vector<16xf32>
    %swap3A_979 = arith.constant 122 : i32
    %swap3A_980 = arith.index_cast %swap3A_979 : i32 to index
    %swap3A_981 = arith.constant 0 : index
    %swap3A_982 = tpu.vector_load %arg8[%swap3A_980, %swap3A_981] {strides = array<i32>} : memref<128x16xf32, #tpu.memory_space<vmem>>, vector<1x16xf32>,
    %swap3A_983 = vector.shape_cast %swap3A_982 : vector<1x16xf32> to vector<16xf32>
    %swap3A_984 = vector.shape_cast %broadcast_in_dim3A_978 : vector<16xf32> to vector<1x16xf32>
    tpu.vector_store %arg8[%swap3A_980, %swap3A_981], %swap3A_984 {strides = array<i32>} : memref<128x16xf32, #tpu.memory_space<vmem>>, vector<1x16xf32>,
    %broadcast_in_dim3A_985 = arith.constant 1.000000e+00 : f32
    %broadcast_in_dim3A_986 = vector.broadcast %broadcast_in_dim3A_985 : f32 to vector<16xf32>
    %swap3A_987 = arith.constant 123 : i32
    %swap3A_988 = arith.index_cast %swap3A_987 : i32 to index
    %swap3A_989 = arith.constant 0 : index
    %swap3A_990 = tpu.vector_load %arg8[%swap3A_988, %swap3A_989] {strides = array<i32>} : memref<128x16xf32, #tpu.memory_space<vmem>>, vector<1x16xf32>,
    %swap3A_991 = vector.shape_cast %swap3A_990 : vector<1x16xf32> to vector<16xf32>
    %swap3A_992 = vector.shape_cast %broadcast_in_dim3A_986 : vector<16xf32> to vector<1x16xf32>
    tpu.vector_store %arg8[%swap3A_988, %swap3A_989], %swap3A_992 {strides = array<i32>} : memref<128x16xf32, #tpu.memory_space<vmem>>, vector<1x16xf32>,
    %broadcast_in_dim3A_993 = arith.constant 1.000000e+00 : f32
    %broadcast_in_dim3A_994 = vector.broadcast %broadcast_in_dim3A_993 : f32 to vector<16xf32>
    %swap3A_995 = arith.constant 124 : i32
    %swap3A_996 = arith.index_cast %swap3A_995 : i32 to index
    %swap3A_997 = arith.constant 0 : index
    %swap3A_998 = tpu.vector_load %arg8[%swap3A_996, %swap3A_997] {strides = array<i32>} : memref<128x16xf32, #tpu.memory_space<vmem>>, vector<1x16xf32>,
    %swap3A_999 = vector.shape_cast %swap3A_998 : vector<1x16xf32> to vector<16xf32>
    %swap3A_1000 = vector.shape_cast %broadcast_in_dim3A_994 : vector<16xf32> to vector<1x16xf32>
    tpu.vector_store %arg8[%swap3A_996, %swap3A_997], %swap3A_1000 {strides = array<i32>} : memref<128x16xf32, #tpu.memory_space<vmem>>, vector<1x16xf32>,
    %broadcast_in_dim3A_1001 = arith.constant 1.000000e+00 : f32
    %broadcast_in_dim3A_1002 = vector.broadcast %broadcast_in_dim3A_1001 : f32 to vector<16xf32>
    %swap3A_1003 = arith.constant 125 : i32
    %swap3A_1004 = arith.index_cast %swap3A_1003 : i32 to index
    %swap3A_1005 = arith.constant 0 : index
    %swap3A_1006 = tpu.vector_load %arg8[%swap3A_1004, %swap3A_1005] {strides = array<i32>} : memref<128x16xf32, #tpu.memory_space<vmem>>, vector<1x16xf32>,
    %swap3A_1007 = vector.shape_cast %swap3A_1006 : vector<1x16xf32> to vector<16xf32>
    %swap3A_1008 = vector.shape_cast %broadcast_in_dim3A_1002 : vector<16xf32> to vector<1x16xf32>
    tpu.vector_store %arg8[%swap3A_1004, %swap3A_1005], %swap3A_1008 {strides = array<i32>} : memref<128x16xf32, #tpu.memory_space<vmem>>, vector<1x16xf32>,
    %broadcast_in_dim3A_1009 = arith.constant 1.000000e+00 : f32
    %broadcast_in_dim3A_1010 = vector.broadcast %broadcast_in_dim3A_1009 : f32 to vector<16xf32>
    %swap3A_1011 = arith.constant 126 : i32
    %swap3A_1012 = arith.index_cast %swap3A_1011 : i32 to index
    %swap3A_1013 = arith.constant 0 : index
    %swap3A_1014 = tpu.vector_load %arg8[%swap3A_1012, %swap3A_1013] {strides = array<i32>} : memref<128x16xf32, #tpu.memory_space<vmem>>, vector<1x16xf32>,
    %swap3A_1015 = vector.shape_cast %swap3A_1014 : vector<1x16xf32> to vector<16xf32>
    %swap3A_1016 = vector.shape_cast %broadcast_in_dim3A_1010 : vector<16xf32> to vector<1x16xf32>
    tpu.vector_store %arg8[%swap3A_1012, %swap3A_1013], %swap3A_1016 {strides = array<i32>} : memref<128x16xf32, #tpu.memory_space<vmem>>, vector<1x16xf32>,
    %broadcast_in_dim3A_1017 = arith.constant 1.000000e+00 : f32
    %broadcast_in_dim3A_1018 = vector.broadcast %broadcast_in_dim3A_1017 : f32 to vector<16xf32>
    %swap3A_1019 = arith.constant 127 : i32
    %swap3A_1020 = arith.index_cast %swap3A_1019 : i32 to index
    %swap3A_1021 = arith.constant 0 : index
    %swap3A_1022 = tpu.vector_load %arg8[%swap3A_1020, %swap3A_1021] {strides = array<i32>} : memref<128x16xf32, #tpu.memory_space<vmem>>, vector<1x16xf32>,
    %swap3A_1023 = vector.shape_cast %swap3A_1022 : vector<1x16xf32> to vector<16xf32>
    %swap3A_1024 = vector.shape_cast %broadcast_in_dim3A_1018 : vector<16xf32> to vector<1x16xf32>
    tpu.vector_store %arg8[%swap3A_1020, %swap3A_1021], %swap3A_1024 {strides = array<i32>} : memref<128x16xf32, #tpu.memory_space<vmem>>, vector<1x16xf32>,
    %barrier3A = arith.constant 0 : index
    tpu.barrier barrier_id(%barrier3A)
    %scan3A = arith.constant 0 : i32
    %scan3A_1025 = arith.constant 0 : i32
    %scan3A_1026 = arith.constant 40 : i32
    %scan3A_1027 = arith.addi %scan3A_1025, %scan3A_1026 : i32
    %scan3A_1028 = arith.constant 1 : i32
    scf.for %scan3A_1035 = %scan3A_1025 to %scan3A_1027 step %scan3A_1028  : i32 {
      %mul3A_1036 = arith.constant 2 : i32
      %mul3A_1037 = arith.muli %mul3A_1036, %scan3A_1035 : i32
      %add3A_1038 = arith.constant 0 : i32
      %add3A_1039 = arith.addi %mul3A_1037, %add3A_1038 : i32
      %dma_start3A = arith.constant 0 : i32
      %dma_start3A_1040 = tpu.memref_slice %arg6[%add3A_1039, %dma_start3A] : memref<80x128xi32, #tpu.memory_space<vmem>> -> memref<1x128xi32, #tpu.memory_space<vmem>>
      %dma_start3A_1041 = tpu.memref_squeeze %dma_start3A_1040 : memref<1x128xi32, #tpu.memory_space<vmem>> -> memref<128xi32, #tpu.memory_space<vmem>>
      %dma_start3A_1042 = arith.constant 0 : i32
      %dma_start3A_1043 = arith.constant 0 : i32
      %dma_start3A_1044 = tpu.memref_slice %arg7[%dma_start3A_1042, %dma_start3A_1043] : memref<10240x16xf32, #tpu.memory_space<vmem_shared>> -> memref<10240x16xf32, #tpu.memory_space<vmem_shared>>
      tpu.enqueue_indirect_dma source(%arg8 : memref<128x16xf32, #tpu.memory_space<vmem>>) target(%dma_start3A_1044 : memref<10240x16xf32, #tpu.memory_space<vmem_shared>>) offsets(%dma_start3A_1041 : memref<128xi32, #tpu.memory_space<vmem>>) semaphore(%arg12 : memref<!tpu.dma_semaphore, #tpu.memory_space<semaphore_mem>>) {add = true}
      %mul3A_1045 = arith.constant 2 : i32
      %mul3A_1046 = arith.muli %mul3A_1045, %scan3A_1035 : i32
      %add3A_1047 = arith.constant 1 : i32
      %add3A_1048 = arith.addi %mul3A_1046, %add3A_1047 : i32
      %dma_start3A_1049 = arith.constant 0 : i32
      %dma_start3A_1050 = tpu.memref_slice %arg6[%add3A_1048, %dma_start3A_1049] : memref<80x128xi32, #tpu.memory_space<vmem>> -> memref<1x128xi32, #tpu.memory_space<vmem>>
      %dma_start3A_1051 = tpu.memref_squeeze %dma_start3A_1050 : memref<1x128xi32, #tpu.memory_space<vmem>> -> memref<128xi32, #tpu.memory_space<vmem>>
      %dma_start3A_1052 = arith.constant 0 : i32
      %dma_start3A_1053 = arith.constant 0 : i32
      %dma_start3A_1054 = tpu.memref_slice %arg7[%dma_start3A_1052, %dma_start3A_1053] : memref<10240x16xf32, #tpu.memory_space<vmem_shared>> -> memref<10240x16xf32, #tpu.memory_space<vmem_shared>>
      tpu.enqueue_indirect_dma source(%arg8 : memref<128x16xf32, #tpu.memory_space<vmem>>) target(%dma_start3A_1054 : memref<10240x16xf32, #tpu.memory_space<vmem_shared>>) offsets(%dma_start3A_1051 : memref<128xi32, #tpu.memory_space<vmem>>) semaphore(%arg13 : memref<!tpu.dma_semaphore, #tpu.memory_space<semaphore_mem>>) {add = true}
      %mul3A_1055 = arith.constant 2 : i32
      %mul3A_1056 = arith.muli %mul3A_1055, %scan3A_1035 : i32
      %add3A_1057 = arith.constant 0 : i32
      %add3A_1058 = arith.addi %mul3A_1056, %add3A_1057 : i32
      %dma_wait3A = arith.constant 0 : i32
      %dma_wait3A_1059 = tpu.memref_slice %arg6[%add3A_1058, %dma_wait3A] : memref<80x128xi32, #tpu.memory_space<vmem>> -> memref<1x128xi32, #tpu.memory_space<vmem>>
      %dma_wait3A_1060 = tpu.memref_squeeze %dma_wait3A_1059 : memref<1x128xi32, #tpu.memory_space<vmem>> -> memref<128xi32, #tpu.memory_space<vmem>>
      %dma_wait3A_1061 = arith.constant 0 : i32
      %dma_wait3A_1062 = arith.constant 0 : i32
      %dma_wait3A_1063 = tpu.memref_slice %arg7[%dma_wait3A_1061, %dma_wait3A_1062] : memref<10240x16xf32, #tpu.memory_space<vmem_shared>> -> memref<10240x16xf32, #tpu.memory_space<vmem_shared>>
      tpu.wait_indirect_dma semaphore(%arg12 : memref<!tpu.dma_semaphore, #tpu.memory_space<semaphore_mem>>) src(%arg8 : memref<128x16xf32, #tpu.memory_space<vmem>>) dst(%dma_wait3A_1063 : memref<10240x16xf32, #tpu.memory_space<vmem_shared>>)
      %mul3A_1064 = arith.constant 2 : i32
      %mul3A_1065 = arith.muli %mul3A_1064, %scan3A_1035 : i32
      %add3A_1066 = arith.constant 1 : i32
      %add3A_1067 = arith.addi %mul3A_1065, %add3A_1066 : i32
      %dma_wait3A_1068 = arith.constant 0 : i32
      %dma_wait3A_1069 = tpu.memref_slice %arg6[%add3A_1067, %dma_wait3A_1068] : memref<80x128xi32, #tpu.memory_space<vmem>> -> memref<1x128xi32, #tpu.memory_space<vmem>>
      %dma_wait3A_1070 = tpu.memref_squeeze %dma_wait3A_1069 : memref<1x128xi32, #tpu.memory_space<vmem>> -> memref<128xi32, #tpu.memory_space<vmem>>
      %dma_wait3A_1071 = arith.constant 0 : i32
      %dma_wait3A_1072 = arith.constant 0 : i32
      %dma_wait3A_1073 = tpu.memref_slice %arg7[%dma_wait3A_1071, %dma_wait3A_1072] : memref<10240x16xf32, #tpu.memory_space<vmem_shared>> -> memref<10240x16xf32, #tpu.memory_space<vmem_shared>>
      tpu.wait_indirect_dma semaphore(%arg13 : memref<!tpu.dma_semaphore, #tpu.memory_space<semaphore_mem>>) src(%arg8 : memref<128x16xf32, #tpu.memory_space<vmem>>) dst(%dma_wait3A_1073 : memref<10240x16xf32, #tpu.memory_space<vmem_shared>>)
    }
    %scan3A_1029 = arith.constant 40 : i32
    %barrier3A_1030 = arith.constant 0 : index
    tpu.barrier barrier_id(%barrier3A_1030)
    %mul3A_1031 = arith.constant 640 : i32
    %mul3A_1032 = arith.muli %arg1, %mul3A_1031 : i32
    %mul3A_1033 = arith.constant 640 : i32
    %mul3A_1034 = arith.muli %arg1, %mul3A_1033 : i32
    "tpu.region"() ({
      %run_scoped3A_1035 = tpu.sem_alloc : memref<!tpu.dma_semaphore, #tpu.memory_space<semaphore_mem>>
      %dma_start3A = arith.constant 0 : i32
      %dma_start3A_1036 = tpu.memref_slice %arg5[%arg0, %mul3A_1034, %dma_start3A] : memref<2x10240x16xf32, #tpu.memory_space<hbm>> -> memref<1x640x16xf32, #tpu.memory_space<hbm>>
      %dma_start3A_1037 = tpu.memref_squeeze %dma_start3A_1036 : memref<1x640x16xf32, #tpu.memory_space<hbm>> -> memref<640x16xf32, #tpu.memory_space<hbm>>
      %dma_start3A_1038 = arith.constant 0 : i32
      %dma_start3A_1039 = tpu.memref_slice %arg7[%mul3A_1032, %dma_start3A_1038] : memref<10240x16xf32, #tpu.memory_space<vmem_shared>> -> memref<640x16xf32, #tpu.memory_space<vmem_shared>>
      tpu.enqueue_dma source(%dma_start3A_1039 : memref<640x16xf32, #tpu.memory_space<vmem_shared>>) target(%dma_start3A_1037 : memref<640x16xf32, #tpu.memory_space<hbm>>) target_semaphore(%run_scoped3A_1035 : memref<!tpu.dma_semaphore, #tpu.memory_space<semaphore_mem>>)
      %dma_wait3A = arith.constant 0 : i32
      %dma_wait3A_1040 = tpu.memref_slice %arg5[%arg0, %mul3A_1034, %dma_wait3A] : memref<2x10240x16xf32, #tpu.memory_space<hbm>> -> memref<1x640x16xf32, #tpu.memory_space<hbm>>
      %dma_wait3A_1041 = tpu.memref_squeeze %dma_wait3A_1040 : memref<1x640x16xf32, #tpu.memory_space<hbm>> -> memref<640x16xf32, #tpu.memory_space<hbm>>
      %dma_wait3A_1042 = arith.constant 0 : i32
      %dma_wait3A_1043 = tpu.memref_slice %arg7[%mul3A_1032, %dma_wait3A_1042] : memref<10240x16xf32, #tpu.memory_space<vmem_shared>> -> memref<640x16xf32, #tpu.memory_space<vmem_shared>>
      tpu.wait_dma2 semaphore(%run_scoped3A_1035 : memref<!tpu.dma_semaphore, #tpu.memory_space<semaphore_mem>>) src(%dma_wait3A_1043 : memref<640x16xf32, #tpu.memory_space<vmem_shared>>) dst(%dma_wait3A_1041 : memref<640x16xf32, #tpu.memory_space<hbm>>)
      tpu.yield
    }) : () -> ()
    return
  }
}

#map = affine_map<(d0, d1) -> (0, 0)>
#map1 = affine_map<(d0, d1) -> (0, 0, 0, 0)>
#map2 = affine_map<(d0, d1) -> (0, 0, 0)>
module attributes {stable_mosaic.version = 14 : i64} {
  func.func @scatter(%arg0: i32, %arg1: i32, %arg2: memref<10240x64xf32, #tpu.memory_space<hbm>>, %arg3: memref<2x32x80x128xi32, #tpu.memory_space<hbm>>, %arg4: memref<640x64xf32, #tpu.memory_space<hbm>>, %arg5: memref<2x10240x64xf32, #tpu.memory_space<hbm>>, %arg6: memref<80x128xi32, #tpu.memory_space<vmem>>, %arg7: memref<10240x64xf32, #tpu.memory_space<vmem_shared>>, %arg8: memref<80x128xi32, #tpu.memory_space<vmem>>, %arg9: memref<10240x64xf32, #tpu.memory_space<vmem_shared>>, %arg10: memref<128x64xf32, #tpu.memory_space<vmem>>, %arg11: memref<128x64xf32, #tpu.memory_space<vmem>>, %arg12: memref<!tpu.dma_semaphore, #tpu.memory_space<semaphore_mem>>, %arg13: memref<!tpu.dma_semaphore, #tpu.memory_space<semaphore_mem>>, %arg14: memref<!tpu.dma_semaphore, #tpu.memory_space<semaphore_mem>>, %arg15: memref<!tpu.dma_semaphore, #tpu.memory_space<semaphore_mem>>) attributes {dimension_semantics = [#tpu.dimension_semantics<core_parallel>, #tpu.dimension_semantics<subcore_parallel>], iteration_bounds = array<i64: 2, 16>, scalar_prefetch = 0 : i64, scratch_operands = 10 : i64, tpu.core_type = #tpu.core_type<sc_vector_subcore>, window_params = [{transform_indices = #map}, {transform_indices = #map1}, {transform_indices = #map}, {transform_indices = #map2}]} {
    %mul3A = arith.constant 16 : i32
    %mul3A_0 = arith.muli %arg0, %mul3A : i32
    %add3A = arith.addi %mul3A_0, %arg1 : i32
    %run_scoped3A = arith.constant 1 : i32
    "tpu.region"() ({
      %run_scoped3A_72 = tpu.sem_alloc : memref<!tpu.dma_semaphore, #tpu.memory_space<semaphore_mem>>
      %dma_start3A_73 = arith.constant 0 : i32
      %dma_start3A_74 = arith.constant 0 : i32
      %dma_start3A_75 = tpu.memref_slice %arg3[%run_scoped3A, %add3A, %dma_start3A_73, %dma_start3A_74] : memref<2x32x80x128xi32, #tpu.memory_space<hbm>> -> memref<1x1x80x128xi32, #tpu.memory_space<hbm>>
      %dma_start3A_76 = tpu.memref_squeeze %dma_start3A_75 : memref<1x1x80x128xi32, #tpu.memory_space<hbm>> -> memref<80x128xi32, #tpu.memory_space<hbm>>
      %dma_start3A_77 = arith.constant 0 : i32
      %dma_start3A_78 = arith.constant 0 : i32
      %dma_start3A_79 = tpu.memref_slice %arg3[%run_scoped3A, %add3A, %dma_start3A_77, %dma_start3A_78] : memref<2x32x80x128xi32, #tpu.memory_space<hbm>> -> memref<1x1x80x128xi32, #tpu.memory_space<hbm>>
      %dma_start3A_80 = tpu.memref_squeeze %dma_start3A_79 : memref<1x1x80x128xi32, #tpu.memory_space<hbm>> -> memref<80x128xi32, #tpu.memory_space<hbm>>
      tpu.enqueue_dma source(%dma_start3A_80 : memref<80x128xi32, #tpu.memory_space<hbm>>) target(%arg6 : memref<80x128xi32, #tpu.memory_space<vmem>>) target_semaphore(%run_scoped3A_72 : memref<!tpu.dma_semaphore, #tpu.memory_space<semaphore_mem>>)
      %dma_wait3A_81 = arith.constant 0 : i32
      %dma_wait3A_82 = arith.constant 0 : i32
      %dma_wait3A_83 = tpu.memref_slice %arg3[%run_scoped3A, %add3A, %dma_wait3A_81, %dma_wait3A_82] : memref<2x32x80x128xi32, #tpu.memory_space<hbm>> -> memref<1x1x80x128xi32, #tpu.memory_space<hbm>>
      %dma_wait3A_84 = tpu.memref_squeeze %dma_wait3A_83 : memref<1x1x80x128xi32, #tpu.memory_space<hbm>> -> memref<80x128xi32, #tpu.memory_space<hbm>>
      %dma_wait3A_85 = arith.constant 0 : i32
      %dma_wait3A_86 = arith.constant 0 : i32
      %dma_wait3A_87 = tpu.memref_slice %arg3[%run_scoped3A, %add3A, %dma_wait3A_85, %dma_wait3A_86] : memref<2x32x80x128xi32, #tpu.memory_space<hbm>> -> memref<1x1x80x128xi32, #tpu.memory_space<hbm>>
      %dma_wait3A_88 = tpu.memref_squeeze %dma_wait3A_87 : memref<1x1x80x128xi32, #tpu.memory_space<hbm>> -> memref<80x128xi32, #tpu.memory_space<hbm>>
      tpu.wait_dma2 semaphore(%run_scoped3A_72 : memref<!tpu.dma_semaphore, #tpu.memory_space<semaphore_mem>>) src(%dma_wait3A_88 : memref<80x128xi32, #tpu.memory_space<hbm>>) dst(%arg6 : memref<80x128xi32, #tpu.memory_space<vmem>>)
      tpu.yield
    }) : () -> ()
    %run_scoped3A_1 = arith.constant 0 : i32
    "tpu.region"() ({
      %run_scoped3A_72 = tpu.sem_alloc : memref<!tpu.dma_semaphore, #tpu.memory_space<semaphore_mem>>
      %dma_start3A_73 = arith.constant 0 : i32
      %dma_start3A_74 = arith.constant 0 : i32
      %dma_start3A_75 = tpu.memref_slice %arg3[%run_scoped3A_1, %add3A, %dma_start3A_73, %dma_start3A_74] : memref<2x32x80x128xi32, #tpu.memory_space<hbm>> -> memref<1x1x80x128xi32, #tpu.memory_space<hbm>>
      %dma_start3A_76 = tpu.memref_squeeze %dma_start3A_75 : memref<1x1x80x128xi32, #tpu.memory_space<hbm>> -> memref<80x128xi32, #tpu.memory_space<hbm>>
      %dma_start3A_77 = arith.constant 0 : i32
      %dma_start3A_78 = arith.constant 0 : i32
      %dma_start3A_79 = tpu.memref_slice %arg3[%run_scoped3A_1, %add3A, %dma_start3A_77, %dma_start3A_78] : memref<2x32x80x128xi32, #tpu.memory_space<hbm>> -> memref<1x1x80x128xi32, #tpu.memory_space<hbm>>
      %dma_start3A_80 = tpu.memref_squeeze %dma_start3A_79 : memref<1x1x80x128xi32, #tpu.memory_space<hbm>> -> memref<80x128xi32, #tpu.memory_space<hbm>>
      tpu.enqueue_dma source(%dma_start3A_80 : memref<80x128xi32, #tpu.memory_space<hbm>>) target(%arg8 : memref<80x128xi32, #tpu.memory_space<vmem>>) target_semaphore(%run_scoped3A_72 : memref<!tpu.dma_semaphore, #tpu.memory_space<semaphore_mem>>)
      %dma_wait3A_81 = arith.constant 0 : i32
      %dma_wait3A_82 = arith.constant 0 : i32
      %dma_wait3A_83 = tpu.memref_slice %arg3[%run_scoped3A_1, %add3A, %dma_wait3A_81, %dma_wait3A_82] : memref<2x32x80x128xi32, #tpu.memory_space<hbm>> -> memref<1x1x80x128xi32, #tpu.memory_space<hbm>>
      %dma_wait3A_84 = tpu.memref_squeeze %dma_wait3A_83 : memref<1x1x80x128xi32, #tpu.memory_space<hbm>> -> memref<80x128xi32, #tpu.memory_space<hbm>>
      %dma_wait3A_85 = arith.constant 0 : i32
      %dma_wait3A_86 = arith.constant 0 : i32
      %dma_wait3A_87 = tpu.memref_slice %arg3[%run_scoped3A_1, %add3A, %dma_wait3A_85, %dma_wait3A_86] : memref<2x32x80x128xi32, #tpu.memory_space<hbm>> -> memref<1x1x80x128xi32, #tpu.memory_space<hbm>>
      %dma_wait3A_88 = tpu.memref_squeeze %dma_wait3A_87 : memref<1x1x80x128xi32, #tpu.memory_space<hbm>> -> memref<80x128xi32, #tpu.memory_space<hbm>>
      tpu.wait_dma2 semaphore(%run_scoped3A_72 : memref<!tpu.dma_semaphore, #tpu.memory_space<semaphore_mem>>) src(%dma_wait3A_88 : memref<80x128xi32, #tpu.memory_space<hbm>>) dst(%arg8 : memref<80x128xi32, #tpu.memory_space<vmem>>)
      tpu.yield
    }) : () -> ()
    %mul3A_2 = arith.constant 640 : i32
    %mul3A_3 = arith.muli %arg1, %mul3A_2 : i32
    %mul3A_4 = arith.constant 640 : i32
    %mul3A_5 = arith.muli %arg1, %mul3A_4 : i32
    "tpu.region"() ({
      %run_scoped3A_72 = tpu.sem_alloc : memref<!tpu.dma_semaphore, #tpu.memory_space<semaphore_mem>>
      %dma_start3A_73 = arith.constant 0 : i32
      %dma_start3A_74 = tpu.memref_slice %arg9[%mul3A_5, %dma_start3A_73] : memref<10240x64xf32, #tpu.memory_space<vmem_shared>> -> memref<640x64xf32, #tpu.memory_space<vmem_shared>>
      %dma_start3A_75 = arith.constant 0 : i32
      %dma_start3A_76 = tpu.memref_slice %arg2[%mul3A_3, %dma_start3A_75] : memref<10240x64xf32, #tpu.memory_space<hbm>> -> memref<640x64xf32, #tpu.memory_space<hbm>>
      tpu.enqueue_dma source(%dma_start3A_76 : memref<640x64xf32, #tpu.memory_space<hbm>>) target(%dma_start3A_74 : memref<640x64xf32, #tpu.memory_space<vmem_shared>>) target_semaphore(%run_scoped3A_72 : memref<!tpu.dma_semaphore, #tpu.memory_space<semaphore_mem>>)
      %dma_wait3A_77 = arith.constant 0 : i32
      %dma_wait3A_78 = tpu.memref_slice %arg9[%mul3A_5, %dma_wait3A_77] : memref<10240x64xf32, #tpu.memory_space<vmem_shared>> -> memref<640x64xf32, #tpu.memory_space<vmem_shared>>
      %dma_wait3A_79 = arith.constant 0 : i32
      %dma_wait3A_80 = tpu.memref_slice %arg2[%mul3A_3, %dma_wait3A_79] : memref<10240x64xf32, #tpu.memory_space<hbm>> -> memref<640x64xf32, #tpu.memory_space<hbm>>
      tpu.wait_dma2 semaphore(%run_scoped3A_72 : memref<!tpu.dma_semaphore, #tpu.memory_space<semaphore_mem>>) src(%dma_wait3A_80 : memref<640x64xf32, #tpu.memory_space<hbm>>) dst(%dma_wait3A_78 : memref<640x64xf32, #tpu.memory_space<vmem_shared>>)
      tpu.yield
    }) : () -> ()
    %mul3A_6 = arith.constant 640 : i32
    %mul3A_7 = arith.muli %arg1, %mul3A_6 : i32
    "tpu.region"() ({
      %run_scoped3A_72 = tpu.sem_alloc : memref<!tpu.dma_semaphore, #tpu.memory_space<semaphore_mem>>
      %dma_start3A_73 = arith.constant 0 : i32
      %dma_start3A_74 = tpu.memref_slice %arg7[%mul3A_7, %dma_start3A_73] : memref<10240x64xf32, #tpu.memory_space<vmem_shared>> -> memref<640x64xf32, #tpu.memory_space<vmem_shared>>
      tpu.enqueue_dma source(%arg4 : memref<640x64xf32, #tpu.memory_space<hbm>>) target(%dma_start3A_74 : memref<640x64xf32, #tpu.memory_space<vmem_shared>>) target_semaphore(%run_scoped3A_72 : memref<!tpu.dma_semaphore, #tpu.memory_space<semaphore_mem>>)
      %dma_wait3A_75 = arith.constant 0 : i32
      %dma_wait3A_76 = tpu.memref_slice %arg7[%mul3A_7, %dma_wait3A_75] : memref<10240x64xf32, #tpu.memory_space<vmem_shared>> -> memref<640x64xf32, #tpu.memory_space<vmem_shared>>
      tpu.wait_dma2 semaphore(%run_scoped3A_72 : memref<!tpu.dma_semaphore, #tpu.memory_space<semaphore_mem>>) src(%arg4 : memref<640x64xf32, #tpu.memory_space<hbm>>) dst(%dma_wait3A_76 : memref<640x64xf32, #tpu.memory_space<vmem_shared>>)
      tpu.yield
    }) : () -> ()
    %barrier3A = arith.constant 0 : index
    tpu.barrier barrier_id(%barrier3A)
    %dma_start3A = arith.constant 0 : i32
    %dma_start3A_8 = arith.constant 0 : i32
    %dma_start3A_9 = tpu.memref_slice %arg8[%dma_start3A, %dma_start3A_8] : memref<80x128xi32, #tpu.memory_space<vmem>> -> memref<1x128xi32, #tpu.memory_space<vmem>>
    %dma_start3A_10 = tpu.memref_squeeze %dma_start3A_9 : memref<1x128xi32, #tpu.memory_space<vmem>> -> memref<128xi32, #tpu.memory_space<vmem>>
    %dma_start3A_11 = arith.constant 0 : i32
    %dma_start3A_12 = arith.constant 0 : i32
    %dma_start3A_13 = tpu.memref_slice %arg9[%dma_start3A_11, %dma_start3A_12] : memref<10240x64xf32, #tpu.memory_space<vmem_shared>> -> memref<10240x64xf32, #tpu.memory_space<vmem_shared>>
    tpu.enqueue_indirect_dma source(%dma_start3A_13 : memref<10240x64xf32, #tpu.memory_space<vmem_shared>>) target(%arg10 : memref<128x64xf32, #tpu.memory_space<vmem>>) offsets(%dma_start3A_10 : memref<128xi32, #tpu.memory_space<vmem>>) semaphore(%arg12 : memref<!tpu.dma_semaphore, #tpu.memory_space<semaphore_mem>>)
    %dma_start3A_14 = arith.constant 1 : i32
    %dma_start3A_15 = arith.constant 0 : i32
    %dma_start3A_16 = tpu.memref_slice %arg8[%dma_start3A_14, %dma_start3A_15] : memref<80x128xi32, #tpu.memory_space<vmem>> -> memref<1x128xi32, #tpu.memory_space<vmem>>
    %dma_start3A_17 = tpu.memref_squeeze %dma_start3A_16 : memref<1x128xi32, #tpu.memory_space<vmem>> -> memref<128xi32, #tpu.memory_space<vmem>>
    %dma_start3A_18 = arith.constant 0 : i32
    %dma_start3A_19 = arith.constant 0 : i32
    %dma_start3A_20 = tpu.memref_slice %arg9[%dma_start3A_18, %dma_start3A_19] : memref<10240x64xf32, #tpu.memory_space<vmem_shared>> -> memref<10240x64xf32, #tpu.memory_space<vmem_shared>>
    tpu.enqueue_indirect_dma source(%dma_start3A_20 : memref<10240x64xf32, #tpu.memory_space<vmem_shared>>) target(%arg11 : memref<128x64xf32, #tpu.memory_space<vmem>>) offsets(%dma_start3A_17 : memref<128xi32, #tpu.memory_space<vmem>>) semaphore(%arg13 : memref<!tpu.dma_semaphore, #tpu.memory_space<semaphore_mem>>)
    %scan3A = arith.constant 0 : i32
    %scan3A_21 = arith.constant 0 : i32
    %scan3A_22 = arith.constant 39 : i32
    %scan3A_23 = arith.addi %scan3A_21, %scan3A_22 : i32
    %scan3A_24 = arith.constant 1 : i32
    scf.for %scan3A_72 = %scan3A_21 to %scan3A_23 step %scan3A_24  : i32 {
      %mul3A_73 = arith.constant 2 : i32
      %mul3A_74 = arith.muli %mul3A_73, %scan3A_72 : i32
      %add3A_75 = arith.constant 0 : i32
      %add3A_76 = arith.addi %mul3A_74, %add3A_75 : i32
      %dma_wait3A_77 = arith.constant 0 : i32
      %dma_wait3A_78 = tpu.memref_slice %arg8[%add3A_76, %dma_wait3A_77] : memref<80x128xi32, #tpu.memory_space<vmem>> -> memref<1x128xi32, #tpu.memory_space<vmem>>
      %dma_wait3A_79 = tpu.memref_squeeze %dma_wait3A_78 : memref<1x128xi32, #tpu.memory_space<vmem>> -> memref<128xi32, #tpu.memory_space<vmem>>
      %dma_wait3A_80 = arith.constant 0 : i32
      %dma_wait3A_81 = arith.constant 0 : i32
      %dma_wait3A_82 = tpu.memref_slice %arg9[%dma_wait3A_80, %dma_wait3A_81] : memref<10240x64xf32, #tpu.memory_space<vmem_shared>> -> memref<10240x64xf32, #tpu.memory_space<vmem_shared>>
      tpu.wait_indirect_dma semaphore(%arg12 : memref<!tpu.dma_semaphore, #tpu.memory_space<semaphore_mem>>) src(%dma_wait3A_82 : memref<10240x64xf32, #tpu.memory_space<vmem_shared>>) dst(%arg10 : memref<128x64xf32, #tpu.memory_space<vmem>>)
      %dma_start3A_83 = arith.constant 0 : i32
      %dma_start3A_84 = tpu.memref_slice %arg6[%add3A_76, %dma_start3A_83] : memref<80x128xi32, #tpu.memory_space<vmem>> -> memref<1x128xi32, #tpu.memory_space<vmem>>
      %dma_start3A_85 = tpu.memref_squeeze %dma_start3A_84 : memref<1x128xi32, #tpu.memory_space<vmem>> -> memref<128xi32, #tpu.memory_space<vmem>>
      %dma_start3A_86 = arith.constant 0 : i32
      %dma_start3A_87 = arith.constant 0 : i32
      %dma_start3A_88 = tpu.memref_slice %arg7[%dma_start3A_86, %dma_start3A_87] : memref<10240x64xf32, #tpu.memory_space<vmem_shared>> -> memref<10240x64xf32, #tpu.memory_space<vmem_shared>>
      tpu.enqueue_indirect_dma source(%arg10 : memref<128x64xf32, #tpu.memory_space<vmem>>) target(%dma_start3A_88 : memref<10240x64xf32, #tpu.memory_space<vmem_shared>>) offsets(%dma_start3A_85 : memref<128xi32, #tpu.memory_space<vmem>>) semaphore(%arg14 : memref<!tpu.dma_semaphore, #tpu.memory_space<semaphore_mem>>) {add = true}
      %mul3A_89 = arith.constant 2 : i32
      %mul3A_90 = arith.muli %mul3A_89, %scan3A_72 : i32
      %add3A_91 = arith.constant 1 : i32
      %add3A_92 = arith.addi %mul3A_90, %add3A_91 : i32
      %dma_wait3A_93 = arith.constant 0 : i32
      %dma_wait3A_94 = tpu.memref_slice %arg8[%add3A_92, %dma_wait3A_93] : memref<80x128xi32, #tpu.memory_space<vmem>> -> memref<1x128xi32, #tpu.memory_space<vmem>>
      %dma_wait3A_95 = tpu.memref_squeeze %dma_wait3A_94 : memref<1x128xi32, #tpu.memory_space<vmem>> -> memref<128xi32, #tpu.memory_space<vmem>>
      %dma_wait3A_96 = arith.constant 0 : i32
      %dma_wait3A_97 = arith.constant 0 : i32
      %dma_wait3A_98 = tpu.memref_slice %arg9[%dma_wait3A_96, %dma_wait3A_97] : memref<10240x64xf32, #tpu.memory_space<vmem_shared>> -> memref<10240x64xf32, #tpu.memory_space<vmem_shared>>
      tpu.wait_indirect_dma semaphore(%arg13 : memref<!tpu.dma_semaphore, #tpu.memory_space<semaphore_mem>>) src(%dma_wait3A_98 : memref<10240x64xf32, #tpu.memory_space<vmem_shared>>) dst(%arg11 : memref<128x64xf32, #tpu.memory_space<vmem>>)
      %dma_start3A_99 = arith.constant 0 : i32
      %dma_start3A_100 = tpu.memref_slice %arg6[%add3A_92, %dma_start3A_99] : memref<80x128xi32, #tpu.memory_space<vmem>> -> memref<1x128xi32, #tpu.memory_space<vmem>>
      %dma_start3A_101 = tpu.memref_squeeze %dma_start3A_100 : memref<1x128xi32, #tpu.memory_space<vmem>> -> memref<128xi32, #tpu.memory_space<vmem>>
      %dma_start3A_102 = arith.constant 0 : i32
      %dma_start3A_103 = arith.constant 0 : i32
      %dma_start3A_104 = tpu.memref_slice %arg7[%dma_start3A_102, %dma_start3A_103] : memref<10240x64xf32, #tpu.memory_space<vmem_shared>> -> memref<10240x64xf32, #tpu.memory_space<vmem_shared>>
      tpu.enqueue_indirect_dma source(%arg11 : memref<128x64xf32, #tpu.memory_space<vmem>>) target(%dma_start3A_104 : memref<10240x64xf32, #tpu.memory_space<vmem_shared>>) offsets(%dma_start3A_101 : memref<128xi32, #tpu.memory_space<vmem>>) semaphore(%arg15 : memref<!tpu.dma_semaphore, #tpu.memory_space<semaphore_mem>>) {add = true}
      %mul3A_105 = arith.constant 2 : i32
      %mul3A_106 = arith.muli %mul3A_105, %scan3A_72 : i32
      %add3A_107 = arith.constant 0 : i32
      %add3A_108 = arith.addi %mul3A_106, %add3A_107 : i32
      %dma_wait3A_109 = arith.constant 0 : i32
      %dma_wait3A_110 = tpu.memref_slice %arg6[%add3A_108, %dma_wait3A_109] : memref<80x128xi32, #tpu.memory_space<vmem>> -> memref<1x128xi32, #tpu.memory_space<vmem>>
      %dma_wait3A_111 = tpu.memref_squeeze %dma_wait3A_110 : memref<1x128xi32, #tpu.memory_space<vmem>> -> memref<128xi32, #tpu.memory_space<vmem>>
      %dma_wait3A_112 = arith.constant 0 : i32
      %dma_wait3A_113 = arith.constant 0 : i32
      %dma_wait3A_114 = tpu.memref_slice %arg7[%dma_wait3A_112, %dma_wait3A_113] : memref<10240x64xf32, #tpu.memory_space<vmem_shared>> -> memref<10240x64xf32, #tpu.memory_space<vmem_shared>>
      tpu.wait_indirect_dma semaphore(%arg14 : memref<!tpu.dma_semaphore, #tpu.memory_space<semaphore_mem>>) src(%arg10 : memref<128x64xf32, #tpu.memory_space<vmem>>) dst(%dma_wait3A_114 : memref<10240x64xf32, #tpu.memory_space<vmem_shared>>)
      %add3A_115 = arith.constant 2 : i32
      %add3A_116 = arith.addi %add3A_108, %add3A_115 : i32
      %dma_start3A_117 = arith.constant 0 : i32
      %dma_start3A_118 = tpu.memref_slice %arg8[%add3A_116, %dma_start3A_117] : memref<80x128xi32, #tpu.memory_space<vmem>> -> memref<1x128xi32, #tpu.memory_space<vmem>>
      %dma_start3A_119 = tpu.memref_squeeze %dma_start3A_118 : memref<1x128xi32, #tpu.memory_space<vmem>> -> memref<128xi32, #tpu.memory_space<vmem>>
      %dma_start3A_120 = arith.constant 0 : i32
      %dma_start3A_121 = arith.constant 0 : i32
      %dma_start3A_122 = tpu.memref_slice %arg9[%dma_start3A_120, %dma_start3A_121] : memref<10240x64xf32, #tpu.memory_space<vmem_shared>> -> memref<10240x64xf32, #tpu.memory_space<vmem_shared>>
      tpu.enqueue_indirect_dma source(%dma_start3A_122 : memref<10240x64xf32, #tpu.memory_space<vmem_shared>>) target(%arg10 : memref<128x64xf32, #tpu.memory_space<vmem>>) offsets(%dma_start3A_119 : memref<128xi32, #tpu.memory_space<vmem>>) semaphore(%arg12 : memref<!tpu.dma_semaphore, #tpu.memory_space<semaphore_mem>>)
      %mul3A_123 = arith.constant 2 : i32
      %mul3A_124 = arith.muli %mul3A_123, %scan3A_72 : i32
      %add3A_125 = arith.constant 1 : i32
      %add3A_126 = arith.addi %mul3A_124, %add3A_125 : i32
      %dma_wait3A_127 = arith.constant 0 : i32
      %dma_wait3A_128 = tpu.memref_slice %arg6[%add3A_126, %dma_wait3A_127] : memref<80x128xi32, #tpu.memory_space<vmem>> -> memref<1x128xi32, #tpu.memory_space<vmem>>
      %dma_wait3A_129 = tpu.memref_squeeze %dma_wait3A_128 : memref<1x128xi32, #tpu.memory_space<vmem>> -> memref<128xi32, #tpu.memory_space<vmem>>
      %dma_wait3A_130 = arith.constant 0 : i32
      %dma_wait3A_131 = arith.constant 0 : i32
      %dma_wait3A_132 = tpu.memref_slice %arg7[%dma_wait3A_130, %dma_wait3A_131] : memref<10240x64xf32, #tpu.memory_space<vmem_shared>> -> memref<10240x64xf32, #tpu.memory_space<vmem_shared>>
      tpu.wait_indirect_dma semaphore(%arg15 : memref<!tpu.dma_semaphore, #tpu.memory_space<semaphore_mem>>) src(%arg11 : memref<128x64xf32, #tpu.memory_space<vmem>>) dst(%dma_wait3A_132 : memref<10240x64xf32, #tpu.memory_space<vmem_shared>>)
      %add3A_133 = arith.constant 2 : i32
      %add3A_134 = arith.addi %add3A_126, %add3A_133 : i32
      %dma_start3A_135 = arith.constant 0 : i32
      %dma_start3A_136 = tpu.memref_slice %arg8[%add3A_134, %dma_start3A_135] : memref<80x128xi32, #tpu.memory_space<vmem>> -> memref<1x128xi32, #tpu.memory_space<vmem>>
      %dma_start3A_137 = tpu.memref_squeeze %dma_start3A_136 : memref<1x128xi32, #tpu.memory_space<vmem>> -> memref<128xi32, #tpu.memory_space<vmem>>
      %dma_start3A_138 = arith.constant 0 : i32
      %dma_start3A_139 = arith.constant 0 : i32
      %dma_start3A_140 = tpu.memref_slice %arg9[%dma_start3A_138, %dma_start3A_139] : memref<10240x64xf32, #tpu.memory_space<vmem_shared>> -> memref<10240x64xf32, #tpu.memory_space<vmem_shared>>
      tpu.enqueue_indirect_dma source(%dma_start3A_140 : memref<10240x64xf32, #tpu.memory_space<vmem_shared>>) target(%arg11 : memref<128x64xf32, #tpu.memory_space<vmem>>) offsets(%dma_start3A_137 : memref<128xi32, #tpu.memory_space<vmem>>) semaphore(%arg13 : memref<!tpu.dma_semaphore, #tpu.memory_space<semaphore_mem>>)
    }
    %scan3A_25 = arith.constant 39 : i32
    %dma_wait3A = arith.constant 78 : i32
    %dma_wait3A_26 = arith.constant 0 : i32
    %dma_wait3A_27 = tpu.memref_slice %arg8[%dma_wait3A, %dma_wait3A_26] : memref<80x128xi32, #tpu.memory_space<vmem>> -> memref<1x128xi32, #tpu.memory_space<vmem>>
    %dma_wait3A_28 = tpu.memref_squeeze %dma_wait3A_27 : memref<1x128xi32, #tpu.memory_space<vmem>> -> memref<128xi32, #tpu.memory_space<vmem>>
    %dma_wait3A_29 = arith.constant 0 : i32
    %dma_wait3A_30 = arith.constant 0 : i32
    %dma_wait3A_31 = tpu.memref_slice %arg9[%dma_wait3A_29, %dma_wait3A_30] : memref<10240x64xf32, #tpu.memory_space<vmem_shared>> -> memref<10240x64xf32, #tpu.memory_space<vmem_shared>>
    tpu.wait_indirect_dma semaphore(%arg12 : memref<!tpu.dma_semaphore, #tpu.memory_space<semaphore_mem>>) src(%dma_wait3A_31 : memref<10240x64xf32, #tpu.memory_space<vmem_shared>>) dst(%arg10 : memref<128x64xf32, #tpu.memory_space<vmem>>)
    %dma_start3A_32 = arith.constant 78 : i32
    %dma_start3A_33 = arith.constant 0 : i32
    %dma_start3A_34 = tpu.memref_slice %arg6[%dma_start3A_32, %dma_start3A_33] : memref<80x128xi32, #tpu.memory_space<vmem>> -> memref<1x128xi32, #tpu.memory_space<vmem>>
    %dma_start3A_35 = tpu.memref_squeeze %dma_start3A_34 : memref<1x128xi32, #tpu.memory_space<vmem>> -> memref<128xi32, #tpu.memory_space<vmem>>
    %dma_start3A_36 = arith.constant 0 : i32
    %dma_start3A_37 = arith.constant 0 : i32
    %dma_start3A_38 = tpu.memref_slice %arg7[%dma_start3A_36, %dma_start3A_37] : memref<10240x64xf32, #tpu.memory_space<vmem_shared>> -> memref<10240x64xf32, #tpu.memory_space<vmem_shared>>
    tpu.enqueue_indirect_dma source(%arg10 : memref<128x64xf32, #tpu.memory_space<vmem>>) target(%dma_start3A_38 : memref<10240x64xf32, #tpu.memory_space<vmem_shared>>) offsets(%dma_start3A_35 : memref<128xi32, #tpu.memory_space<vmem>>) semaphore(%arg14 : memref<!tpu.dma_semaphore, #tpu.memory_space<semaphore_mem>>) {add = true}
    %dma_wait3A_39 = arith.constant 79 : i32
    %dma_wait3A_40 = arith.constant 0 : i32
    %dma_wait3A_41 = tpu.memref_slice %arg8[%dma_wait3A_39, %dma_wait3A_40] : memref<80x128xi32, #tpu.memory_space<vmem>> -> memref<1x128xi32, #tpu.memory_space<vmem>>
    %dma_wait3A_42 = tpu.memref_squeeze %dma_wait3A_41 : memref<1x128xi32, #tpu.memory_space<vmem>> -> memref<128xi32, #tpu.memory_space<vmem>>
    %dma_wait3A_43 = arith.constant 0 : i32
    %dma_wait3A_44 = arith.constant 0 : i32
    %dma_wait3A_45 = tpu.memref_slice %arg9[%dma_wait3A_43, %dma_wait3A_44] : memref<10240x64xf32, #tpu.memory_space<vmem_shared>> -> memref<10240x64xf32, #tpu.memory_space<vmem_shared>>
    tpu.wait_indirect_dma semaphore(%arg13 : memref<!tpu.dma_semaphore, #tpu.memory_space<semaphore_mem>>) src(%dma_wait3A_45 : memref<10240x64xf32, #tpu.memory_space<vmem_shared>>) dst(%arg11 : memref<128x64xf32, #tpu.memory_space<vmem>>)
    %dma_start3A_46 = arith.constant 79 : i32
    %dma_start3A_47 = arith.constant 0 : i32
    %dma_start3A_48 = tpu.memref_slice %arg6[%dma_start3A_46, %dma_start3A_47] : memref<80x128xi32, #tpu.memory_space<vmem>> -> memref<1x128xi32, #tpu.memory_space<vmem>>
    %dma_start3A_49 = tpu.memref_squeeze %dma_start3A_48 : memref<1x128xi32, #tpu.memory_space<vmem>> -> memref<128xi32, #tpu.memory_space<vmem>>
    %dma_start3A_50 = arith.constant 0 : i32
    %dma_start3A_51 = arith.constant 0 : i32
    %dma_start3A_52 = tpu.memref_slice %arg7[%dma_start3A_50, %dma_start3A_51] : memref<10240x64xf32, #tpu.memory_space<vmem_shared>> -> memref<10240x64xf32, #tpu.memory_space<vmem_shared>>
    tpu.enqueue_indirect_dma source(%arg11 : memref<128x64xf32, #tpu.memory_space<vmem>>) target(%dma_start3A_52 : memref<10240x64xf32, #tpu.memory_space<vmem_shared>>) offsets(%dma_start3A_49 : memref<128xi32, #tpu.memory_space<vmem>>) semaphore(%arg15 : memref<!tpu.dma_semaphore, #tpu.memory_space<semaphore_mem>>) {add = true}
    %dma_wait3A_53 = arith.constant 78 : i32
    %dma_wait3A_54 = arith.constant 0 : i32
    %dma_wait3A_55 = tpu.memref_slice %arg6[%dma_wait3A_53, %dma_wait3A_54] : memref<80x128xi32, #tpu.memory_space<vmem>> -> memref<1x128xi32, #tpu.memory_space<vmem>>
    %dma_wait3A_56 = tpu.memref_squeeze %dma_wait3A_55 : memref<1x128xi32, #tpu.memory_space<vmem>> -> memref<128xi32, #tpu.memory_space<vmem>>
    %dma_wait3A_57 = arith.constant 0 : i32
    %dma_wait3A_58 = arith.constant 0 : i32
    %dma_wait3A_59 = tpu.memref_slice %arg7[%dma_wait3A_57, %dma_wait3A_58] : memref<10240x64xf32, #tpu.memory_space<vmem_shared>> -> memref<10240x64xf32, #tpu.memory_space<vmem_shared>>
    tpu.wait_indirect_dma semaphore(%arg14 : memref<!tpu.dma_semaphore, #tpu.memory_space<semaphore_mem>>) src(%arg10 : memref<128x64xf32, #tpu.memory_space<vmem>>) dst(%dma_wait3A_59 : memref<10240x64xf32, #tpu.memory_space<vmem_shared>>)
    %dma_wait3A_60 = arith.constant 79 : i32
    %dma_wait3A_61 = arith.constant 0 : i32
    %dma_wait3A_62 = tpu.memref_slice %arg6[%dma_wait3A_60, %dma_wait3A_61] : memref<80x128xi32, #tpu.memory_space<vmem>> -> memref<1x128xi32, #tpu.memory_space<vmem>>
    %dma_wait3A_63 = tpu.memref_squeeze %dma_wait3A_62 : memref<1x128xi32, #tpu.memory_space<vmem>> -> memref<128xi32, #tpu.memory_space<vmem>>
    %dma_wait3A_64 = arith.constant 0 : i32
    %dma_wait3A_65 = arith.constant 0 : i32
    %dma_wait3A_66 = tpu.memref_slice %arg7[%dma_wait3A_64, %dma_wait3A_65] : memref<10240x64xf32, #tpu.memory_space<vmem_shared>> -> memref<10240x64xf32, #tpu.memory_space<vmem_shared>>
    tpu.wait_indirect_dma semaphore(%arg15 : memref<!tpu.dma_semaphore, #tpu.memory_space<semaphore_mem>>) src(%arg11 : memref<128x64xf32, #tpu.memory_space<vmem>>) dst(%dma_wait3A_66 : memref<10240x64xf32, #tpu.memory_space<vmem_shared>>)
    %barrier3A_67 = arith.constant 0 : index
    tpu.barrier barrier_id(%barrier3A_67)
    %mul3A_68 = arith.constant 640 : i32
    %mul3A_69 = arith.muli %arg1, %mul3A_68 : i32
    %mul3A_70 = arith.constant 640 : i32
    %mul3A_71 = arith.muli %arg1, %mul3A_70 : i32
    "tpu.region"() ({
      %run_scoped3A_72 = tpu.sem_alloc : memref<!tpu.dma_semaphore, #tpu.memory_space<semaphore_mem>>
      %dma_start3A_73 = arith.constant 0 : i32
      %dma_start3A_74 = tpu.memref_slice %arg5[%arg0, %mul3A_71, %dma_start3A_73] : memref<2x10240x64xf32, #tpu.memory_space<hbm>> -> memref<1x640x64xf32, #tpu.memory_space<hbm>>
      %dma_start3A_75 = tpu.memref_squeeze %dma_start3A_74 : memref<1x640x64xf32, #tpu.memory_space<hbm>> -> memref<640x64xf32, #tpu.memory_space<hbm>>
      %dma_start3A_76 = arith.constant 0 : i32
      %dma_start3A_77 = tpu.memref_slice %arg7[%mul3A_69, %dma_start3A_76] : memref<10240x64xf32, #tpu.memory_space<vmem_shared>> -> memref<640x64xf32, #tpu.memory_space<vmem_shared>>
      tpu.enqueue_dma source(%dma_start3A_77 : memref<640x64xf32, #tpu.memory_space<vmem_shared>>) target(%dma_start3A_75 : memref<640x64xf32, #tpu.memory_space<hbm>>) target_semaphore(%run_scoped3A_72 : memref<!tpu.dma_semaphore, #tpu.memory_space<semaphore_mem>>)
      %dma_wait3A_78 = arith.constant 0 : i32
      %dma_wait3A_79 = tpu.memref_slice %arg5[%arg0, %mul3A_71, %dma_wait3A_78] : memref<2x10240x64xf32, #tpu.memory_space<hbm>> -> memref<1x640x64xf32, #tpu.memory_space<hbm>>
      %dma_wait3A_80 = tpu.memref_squeeze %dma_wait3A_79 : memref<1x640x64xf32, #tpu.memory_space<hbm>> -> memref<640x64xf32, #tpu.memory_space<hbm>>
      %dma_wait3A_81 = arith.constant 0 : i32
      %dma_wait3A_82 = tpu.memref_slice %arg7[%mul3A_69, %dma_wait3A_81] : memref<10240x64xf32, #tpu.memory_space<vmem_shared>> -> memref<640x64xf32, #tpu.memory_space<vmem_shared>>
      tpu.wait_dma2 semaphore(%run_scoped3A_72 : memref<!tpu.dma_semaphore, #tpu.memory_space<semaphore_mem>>) src(%dma_wait3A_82 : memref<640x64xf32, #tpu.memory_space<vmem_shared>>) dst(%dma_wait3A_80 : memref<640x64xf32, #tpu.memory_space<hbm>>)
      tpu.yield
    }) : () -> ()
    return
  }
}

#map = affine_map<(d0, d1) -> (0, 0)>
#map1 = affine_map<(d0, d1) -> (0, 0, 0, 0)>
#map2 = affine_map<(d0, d1) -> (0, 0, 0)>
module attributes {stable_mosaic.version = 14 : i64} {
  func.func @scatter(%arg0: i32, %arg1: i32, %arg2: memref<10240x16xf32, #tpu.memory_space<hbm>>, %arg3: memref<2x32x80x128xi32, #tpu.memory_space<hbm>>, %arg4: memref<640x16xf32, #tpu.memory_space<hbm>>, %arg5: memref<2x10240x16xf32, #tpu.memory_space<hbm>>, %arg6: memref<80x128xi32, #tpu.memory_space<vmem>>, %arg7: memref<10240x16xf32, #tpu.memory_space<vmem_shared>>, %arg8: memref<80x128xi32, #tpu.memory_space<vmem>>, %arg9: memref<10240x16xf32, #tpu.memory_space<vmem_shared>>, %arg10: memref<128x16xf32, #tpu.memory_space<vmem>>, %arg11: memref<128x16xf32, #tpu.memory_space<vmem>>, %arg12: memref<!tpu.dma_semaphore, #tpu.memory_space<semaphore_mem>>, %arg13: memref<!tpu.dma_semaphore, #tpu.memory_space<semaphore_mem>>, %arg14: memref<!tpu.dma_semaphore, #tpu.memory_space<semaphore_mem>>, %arg15: memref<!tpu.dma_semaphore, #tpu.memory_space<semaphore_mem>>) attributes {dimension_semantics = [#tpu.dimension_semantics<core_parallel>, #tpu.dimension_semantics<subcore_parallel>], iteration_bounds = array<i64: 2, 16>, scalar_prefetch = 0 : i64, scratch_operands = 10 : i64, tpu.core_type = #tpu.core_type<sc_vector_subcore>, window_params = [{transform_indices = #map}, {transform_indices = #map1}, {transform_indices = #map}, {transform_indices = #map2}]} {
    %mul3A = arith.constant 16 : i32
    %mul3A_0 = arith.muli %arg0, %mul3A : i32
    %add3A = arith.addi %mul3A_0, %arg1 : i32
    %run_scoped3A = arith.constant 1 : i32
    "tpu.region"() ({
      %run_scoped3A_72 = tpu.sem_alloc : memref<!tpu.dma_semaphore, #tpu.memory_space<semaphore_mem>>
      %dma_start3A_73 = arith.constant 0 : i32
      %dma_start3A_74 = arith.constant 0 : i32
      %dma_start3A_75 = tpu.memref_slice %arg3[%run_scoped3A, %add3A, %dma_start3A_73, %dma_start3A_74] : memref<2x32x80x128xi32, #tpu.memory_space<hbm>> -> memref<1x1x80x128xi32, #tpu.memory_space<hbm>>
      %dma_start3A_76 = tpu.memref_squeeze %dma_start3A_75 : memref<1x1x80x128xi32, #tpu.memory_space<hbm>> -> memref<80x128xi32, #tpu.memory_space<hbm>>
      %dma_start3A_77 = arith.constant 0 : i32
      %dma_start3A_78 = arith.constant 0 : i32
      %dma_start3A_79 = tpu.memref_slice %arg3[%run_scoped3A, %add3A, %dma_start3A_77, %dma_start3A_78] : memref<2x32x80x128xi32, #tpu.memory_space<hbm>> -> memref<1x1x80x128xi32, #tpu.memory_space<hbm>>
      %dma_start3A_80 = tpu.memref_squeeze %dma_start3A_79 : memref<1x1x80x128xi32, #tpu.memory_space<hbm>> -> memref<80x128xi32, #tpu.memory_space<hbm>>
      tpu.enqueue_dma source(%dma_start3A_80 : memref<80x128xi32, #tpu.memory_space<hbm>>) target(%arg6 : memref<80x128xi32, #tpu.memory_space<vmem>>) target_semaphore(%run_scoped3A_72 : memref<!tpu.dma_semaphore, #tpu.memory_space<semaphore_mem>>)
      %dma_wait3A_81 = arith.constant 0 : i32
      %dma_wait3A_82 = arith.constant 0 : i32
      %dma_wait3A_83 = tpu.memref_slice %arg3[%run_scoped3A, %add3A, %dma_wait3A_81, %dma_wait3A_82] : memref<2x32x80x128xi32, #tpu.memory_space<hbm>> -> memref<1x1x80x128xi32, #tpu.memory_space<hbm>>
      %dma_wait3A_84 = tpu.memref_squeeze %dma_wait3A_83 : memref<1x1x80x128xi32, #tpu.memory_space<hbm>> -> memref<80x128xi32, #tpu.memory_space<hbm>>
      %dma_wait3A_85 = arith.constant 0 : i32
      %dma_wait3A_86 = arith.constant 0 : i32
      %dma_wait3A_87 = tpu.memref_slice %arg3[%run_scoped3A, %add3A, %dma_wait3A_85, %dma_wait3A_86] : memref<2x32x80x128xi32, #tpu.memory_space<hbm>> -> memref<1x1x80x128xi32, #tpu.memory_space<hbm>>
      %dma_wait3A_88 = tpu.memref_squeeze %dma_wait3A_87 : memref<1x1x80x128xi32, #tpu.memory_space<hbm>> -> memref<80x128xi32, #tpu.memory_space<hbm>>
      tpu.wait_dma2 semaphore(%run_scoped3A_72 : memref<!tpu.dma_semaphore, #tpu.memory_space<semaphore_mem>>) src(%dma_wait3A_88 : memref<80x128xi32, #tpu.memory_space<hbm>>) dst(%arg6 : memref<80x128xi32, #tpu.memory_space<vmem>>)
      tpu.yield
    }) : () -> ()
    %run_scoped3A_1 = arith.constant 0 : i32
    "tpu.region"() ({
      %run_scoped3A_72 = tpu.sem_alloc : memref<!tpu.dma_semaphore, #tpu.memory_space<semaphore_mem>>
      %dma_start3A_73 = arith.constant 0 : i32
      %dma_start3A_74 = arith.constant 0 : i32
      %dma_start3A_75 = tpu.memref_slice %arg3[%run_scoped3A_1, %add3A, %dma_start3A_73, %dma_start3A_74] : memref<2x32x80x128xi32, #tpu.memory_space<hbm>> -> memref<1x1x80x128xi32, #tpu.memory_space<hbm>>
      %dma_start3A_76 = tpu.memref_squeeze %dma_start3A_75 : memref<1x1x80x128xi32, #tpu.memory_space<hbm>> -> memref<80x128xi32, #tpu.memory_space<hbm>>
      %dma_start3A_77 = arith.constant 0 : i32
      %dma_start3A_78 = arith.constant 0 : i32
      %dma_start3A_79 = tpu.memref_slice %arg3[%run_scoped3A_1, %add3A, %dma_start3A_77, %dma_start3A_78] : memref<2x32x80x128xi32, #tpu.memory_space<hbm>> -> memref<1x1x80x128xi32, #tpu.memory_space<hbm>>
      %dma_start3A_80 = tpu.memref_squeeze %dma_start3A_79 : memref<1x1x80x128xi32, #tpu.memory_space<hbm>> -> memref<80x128xi32, #tpu.memory_space<hbm>>
      tpu.enqueue_dma source(%dma_start3A_80 : memref<80x128xi32, #tpu.memory_space<hbm>>) target(%arg8 : memref<80x128xi32, #tpu.memory_space<vmem>>) target_semaphore(%run_scoped3A_72 : memref<!tpu.dma_semaphore, #tpu.memory_space<semaphore_mem>>)
      %dma_wait3A_81 = arith.constant 0 : i32
      %dma_wait3A_82 = arith.constant 0 : i32
      %dma_wait3A_83 = tpu.memref_slice %arg3[%run_scoped3A_1, %add3A, %dma_wait3A_81, %dma_wait3A_82] : memref<2x32x80x128xi32, #tpu.memory_space<hbm>> -> memref<1x1x80x128xi32, #tpu.memory_space<hbm>>
      %dma_wait3A_84 = tpu.memref_squeeze %dma_wait3A_83 : memref<1x1x80x128xi32, #tpu.memory_space<hbm>> -> memref<80x128xi32, #tpu.memory_space<hbm>>
      %dma_wait3A_85 = arith.constant 0 : i32
      %dma_wait3A_86 = arith.constant 0 : i32
      %dma_wait3A_87 = tpu.memref_slice %arg3[%run_scoped3A_1, %add3A, %dma_wait3A_85, %dma_wait3A_86] : memref<2x32x80x128xi32, #tpu.memory_space<hbm>> -> memref<1x1x80x128xi32, #tpu.memory_space<hbm>>
      %dma_wait3A_88 = tpu.memref_squeeze %dma_wait3A_87 : memref<1x1x80x128xi32, #tpu.memory_space<hbm>> -> memref<80x128xi32, #tpu.memory_space<hbm>>
      tpu.wait_dma2 semaphore(%run_scoped3A_72 : memref<!tpu.dma_semaphore, #tpu.memory_space<semaphore_mem>>) src(%dma_wait3A_88 : memref<80x128xi32, #tpu.memory_space<hbm>>) dst(%arg8 : memref<80x128xi32, #tpu.memory_space<vmem>>)
      tpu.yield
    }) : () -> ()
    %mul3A_2 = arith.constant 640 : i32
    %mul3A_3 = arith.muli %arg1, %mul3A_2 : i32
    %mul3A_4 = arith.constant 640 : i32
    %mul3A_5 = arith.muli %arg1, %mul3A_4 : i32
    "tpu.region"() ({
      %run_scoped3A_72 = tpu.sem_alloc : memref<!tpu.dma_semaphore, #tpu.memory_space<semaphore_mem>>
      %dma_start3A_73 = arith.constant 0 : i32
      %dma_start3A_74 = tpu.memref_slice %arg9[%mul3A_5, %dma_start3A_73] : memref<10240x16xf32, #tpu.memory_space<vmem_shared>> -> memref<640x16xf32, #tpu.memory_space<vmem_shared>>
      %dma_start3A_75 = arith.constant 0 : i32
      %dma_start3A_76 = tpu.memref_slice %arg2[%mul3A_3, %dma_start3A_75] : memref<10240x16xf32, #tpu.memory_space<hbm>> -> memref<640x16xf32, #tpu.memory_space<hbm>>
      tpu.enqueue_dma source(%dma_start3A_76 : memref<640x16xf32, #tpu.memory_space<hbm>>) target(%dma_start3A_74 : memref<640x16xf32, #tpu.memory_space<vmem_shared>>) target_semaphore(%run_scoped3A_72 : memref<!tpu.dma_semaphore, #tpu.memory_space<semaphore_mem>>)
      %dma_wait3A_77 = arith.constant 0 : i32
      %dma_wait3A_78 = tpu.memref_slice %arg9[%mul3A_5, %dma_wait3A_77] : memref<10240x16xf32, #tpu.memory_space<vmem_shared>> -> memref<640x16xf32, #tpu.memory_space<vmem_shared>>
      %dma_wait3A_79 = arith.constant 0 : i32
      %dma_wait3A_80 = tpu.memref_slice %arg2[%mul3A_3, %dma_wait3A_79] : memref<10240x16xf32, #tpu.memory_space<hbm>> -> memref<640x16xf32, #tpu.memory_space<hbm>>
      tpu.wait_dma2 semaphore(%run_scoped3A_72 : memref<!tpu.dma_semaphore, #tpu.memory_space<semaphore_mem>>) src(%dma_wait3A_80 : memref<640x16xf32, #tpu.memory_space<hbm>>) dst(%dma_wait3A_78 : memref<640x16xf32, #tpu.memory_space<vmem_shared>>)
      tpu.yield
    }) : () -> ()
    %mul3A_6 = arith.constant 640 : i32
    %mul3A_7 = arith.muli %arg1, %mul3A_6 : i32
    "tpu.region"() ({
      %run_scoped3A_72 = tpu.sem_alloc : memref<!tpu.dma_semaphore, #tpu.memory_space<semaphore_mem>>
      %dma_start3A_73 = arith.constant 0 : i32
      %dma_start3A_74 = tpu.memref_slice %arg7[%mul3A_7, %dma_start3A_73] : memref<10240x16xf32, #tpu.memory_space<vmem_shared>> -> memref<640x16xf32, #tpu.memory_space<vmem_shared>>
      tpu.enqueue_dma source(%arg4 : memref<640x16xf32, #tpu.memory_space<hbm>>) target(%dma_start3A_74 : memref<640x16xf32, #tpu.memory_space<vmem_shared>>) target_semaphore(%run_scoped3A_72 : memref<!tpu.dma_semaphore, #tpu.memory_space<semaphore_mem>>)
      %dma_wait3A_75 = arith.constant 0 : i32
      %dma_wait3A_76 = tpu.memref_slice %arg7[%mul3A_7, %dma_wait3A_75] : memref<10240x16xf32, #tpu.memory_space<vmem_shared>> -> memref<640x16xf32, #tpu.memory_space<vmem_shared>>
      tpu.wait_dma2 semaphore(%run_scoped3A_72 : memref<!tpu.dma_semaphore, #tpu.memory_space<semaphore_mem>>) src(%arg4 : memref<640x16xf32, #tpu.memory_space<hbm>>) dst(%dma_wait3A_76 : memref<640x16xf32, #tpu.memory_space<vmem_shared>>)
      tpu.yield
    }) : () -> ()
    %barrier3A = arith.constant 0 : index
    tpu.barrier barrier_id(%barrier3A)
    %dma_start3A = arith.constant 0 : i32
    %dma_start3A_8 = arith.constant 0 : i32
    %dma_start3A_9 = tpu.memref_slice %arg8[%dma_start3A, %dma_start3A_8] : memref<80x128xi32, #tpu.memory_space<vmem>> -> memref<1x128xi32, #tpu.memory_space<vmem>>
    %dma_start3A_10 = tpu.memref_squeeze %dma_start3A_9 : memref<1x128xi32, #tpu.memory_space<vmem>> -> memref<128xi32, #tpu.memory_space<vmem>>
    %dma_start3A_11 = arith.constant 0 : i32
    %dma_start3A_12 = arith.constant 0 : i32
    %dma_start3A_13 = tpu.memref_slice %arg9[%dma_start3A_11, %dma_start3A_12] : memref<10240x16xf32, #tpu.memory_space<vmem_shared>> -> memref<10240x16xf32, #tpu.memory_space<vmem_shared>>
    tpu.enqueue_indirect_dma source(%dma_start3A_13 : memref<10240x16xf32, #tpu.memory_space<vmem_shared>>) target(%arg10 : memref<128x16xf32, #tpu.memory_space<vmem>>) offsets(%dma_start3A_10 : memref<128xi32, #tpu.memory_space<vmem>>) semaphore(%arg12 : memref<!tpu.dma_semaphore, #tpu.memory_space<semaphore_mem>>)
    %dma_start3A_14 = arith.constant 1 : i32
    %dma_start3A_15 = arith.constant 0 : i32
    %dma_start3A_16 = tpu.memref_slice %arg8[%dma_start3A_14, %dma_start3A_15] : memref<80x128xi32, #tpu.memory_space<vmem>> -> memref<1x128xi32, #tpu.memory_space<vmem>>
    %dma_start3A_17 = tpu.memref_squeeze %dma_start3A_16 : memref<1x128xi32, #tpu.memory_space<vmem>> -> memref<128xi32, #tpu.memory_space<vmem>>
    %dma_start3A_18 = arith.constant 0 : i32
    %dma_start3A_19 = arith.constant 0 : i32
    %dma_start3A_20 = tpu.memref_slice %arg9[%dma_start3A_18, %dma_start3A_19] : memref<10240x16xf32, #tpu.memory_space<vmem_shared>> -> memref<10240x16xf32, #tpu.memory_space<vmem_shared>>
    tpu.enqueue_indirect_dma source(%dma_start3A_20 : memref<10240x16xf32, #tpu.memory_space<vmem_shared>>) target(%arg11 : memref<128x16xf32, #tpu.memory_space<vmem>>) offsets(%dma_start3A_17 : memref<128xi32, #tpu.memory_space<vmem>>) semaphore(%arg13 : memref<!tpu.dma_semaphore, #tpu.memory_space<semaphore_mem>>)
    %scan3A = arith.constant 0 : i32
    %scan3A_21 = arith.constant 0 : i32
    %scan3A_22 = arith.constant 39 : i32
    %scan3A_23 = arith.addi %scan3A_21, %scan3A_22 : i32
    %scan3A_24 = arith.constant 1 : i32
    scf.for %scan3A_72 = %scan3A_21 to %scan3A_23 step %scan3A_24  : i32 {
      %mul3A_73 = arith.constant 2 : i32
      %mul3A_74 = arith.muli %mul3A_73, %scan3A_72 : i32
      %add3A_75 = arith.constant 0 : i32
      %add3A_76 = arith.addi %mul3A_74, %add3A_75 : i32
      %dma_wait3A_77 = arith.constant 0 : i32
      %dma_wait3A_78 = tpu.memref_slice %arg8[%add3A_76, %dma_wait3A_77] : memref<80x128xi32, #tpu.memory_space<vmem>> -> memref<1x128xi32, #tpu.memory_space<vmem>>
      %dma_wait3A_79 = tpu.memref_squeeze %dma_wait3A_78 : memref<1x128xi32, #tpu.memory_space<vmem>> -> memref<128xi32, #tpu.memory_space<vmem>>
      %dma_wait3A_80 = arith.constant 0 : i32
      %dma_wait3A_81 = arith.constant 0 : i32
      %dma_wait3A_82 = tpu.memref_slice %arg9[%dma_wait3A_80, %dma_wait3A_81] : memref<10240x16xf32, #tpu.memory_space<vmem_shared>> -> memref<10240x16xf32, #tpu.memory_space<vmem_shared>>
      tpu.wait_indirect_dma semaphore(%arg12 : memref<!tpu.dma_semaphore, #tpu.memory_space<semaphore_mem>>) src(%dma_wait3A_82 : memref<10240x16xf32, #tpu.memory_space<vmem_shared>>) dst(%arg10 : memref<128x16xf32, #tpu.memory_space<vmem>>)
      %dma_start3A_83 = arith.constant 0 : i32
      %dma_start3A_84 = tpu.memref_slice %arg6[%add3A_76, %dma_start3A_83] : memref<80x128xi32, #tpu.memory_space<vmem>> -> memref<1x128xi32, #tpu.memory_space<vmem>>
      %dma_start3A_85 = tpu.memref_squeeze %dma_start3A_84 : memref<1x128xi32, #tpu.memory_space<vmem>> -> memref<128xi32, #tpu.memory_space<vmem>>
      %dma_start3A_86 = arith.constant 0 : i32
      %dma_start3A_87 = arith.constant 0 : i32
      %dma_start3A_88 = tpu.memref_slice %arg7[%dma_start3A_86, %dma_start3A_87] : memref<10240x16xf32, #tpu.memory_space<vmem_shared>> -> memref<10240x16xf32, #tpu.memory_space<vmem_shared>>
      tpu.enqueue_indirect_dma source(%arg10 : memref<128x16xf32, #tpu.memory_space<vmem>>) target(%dma_start3A_88 : memref<10240x16xf32, #tpu.memory_space<vmem_shared>>) offsets(%dma_start3A_85 : memref<128xi32, #tpu.memory_space<vmem>>) semaphore(%arg14 : memref<!tpu.dma_semaphore, #tpu.memory_space<semaphore_mem>>) {add = true}
      %mul3A_89 = arith.constant 2 : i32
      %mul3A_90 = arith.muli %mul3A_89, %scan3A_72 : i32
      %add3A_91 = arith.constant 1 : i32
      %add3A_92 = arith.addi %mul3A_90, %add3A_91 : i32
      %dma_wait3A_93 = arith.constant 0 : i32
      %dma_wait3A_94 = tpu.memref_slice %arg8[%add3A_92, %dma_wait3A_93] : memref<80x128xi32, #tpu.memory_space<vmem>> -> memref<1x128xi32, #tpu.memory_space<vmem>>
      %dma_wait3A_95 = tpu.memref_squeeze %dma_wait3A_94 : memref<1x128xi32, #tpu.memory_space<vmem>> -> memref<128xi32, #tpu.memory_space<vmem>>
      %dma_wait3A_96 = arith.constant 0 : i32
      %dma_wait3A_97 = arith.constant 0 : i32
      %dma_wait3A_98 = tpu.memref_slice %arg9[%dma_wait3A_96, %dma_wait3A_97] : memref<10240x16xf32, #tpu.memory_space<vmem_shared>> -> memref<10240x16xf32, #tpu.memory_space<vmem_shared>>
      tpu.wait_indirect_dma semaphore(%arg13 : memref<!tpu.dma_semaphore, #tpu.memory_space<semaphore_mem>>) src(%dma_wait3A_98 : memref<10240x16xf32, #tpu.memory_space<vmem_shared>>) dst(%arg11 : memref<128x16xf32, #tpu.memory_space<vmem>>)
      %dma_start3A_99 = arith.constant 0 : i32
      %dma_start3A_100 = tpu.memref_slice %arg6[%add3A_92, %dma_start3A_99] : memref<80x128xi32, #tpu.memory_space<vmem>> -> memref<1x128xi32, #tpu.memory_space<vmem>>
      %dma_start3A_101 = tpu.memref_squeeze %dma_start3A_100 : memref<1x128xi32, #tpu.memory_space<vmem>> -> memref<128xi32, #tpu.memory_space<vmem>>
      %dma_start3A_102 = arith.constant 0 : i32
      %dma_start3A_103 = arith.constant 0 : i32
      %dma_start3A_104 = tpu.memref_slice %arg7[%dma_start3A_102, %dma_start3A_103] : memref<10240x16xf32, #tpu.memory_space<vmem_shared>> -> memref<10240x16xf32, #tpu.memory_space<vmem_shared>>
      tpu.enqueue_indirect_dma source(%arg11 : memref<128x16xf32, #tpu.memory_space<vmem>>) target(%dma_start3A_104 : memref<10240x16xf32, #tpu.memory_space<vmem_shared>>) offsets(%dma_start3A_101 : memref<128xi32, #tpu.memory_space<vmem>>) semaphore(%arg15 : memref<!tpu.dma_semaphore, #tpu.memory_space<semaphore_mem>>) {add = true}
      %mul3A_105 = arith.constant 2 : i32
      %mul3A_106 = arith.muli %mul3A_105, %scan3A_72 : i32
      %add3A_107 = arith.constant 0 : i32
      %add3A_108 = arith.addi %mul3A_106, %add3A_107 : i32
      %dma_wait3A_109 = arith.constant 0 : i32
      %dma_wait3A_110 = tpu.memref_slice %arg6[%add3A_108, %dma_wait3A_109] : memref<80x128xi32, #tpu.memory_space<vmem>> -> memref<1x128xi32, #tpu.memory_space<vmem>>
      %dma_wait3A_111 = tpu.memref_squeeze %dma_wait3A_110 : memref<1x128xi32, #tpu.memory_space<vmem>> -> memref<128xi32, #tpu.memory_space<vmem>>
      %dma_wait3A_112 = arith.constant 0 : i32
      %dma_wait3A_113 = arith.constant 0 : i32
      %dma_wait3A_114 = tpu.memref_slice %arg7[%dma_wait3A_112, %dma_wait3A_113] : memref<10240x16xf32, #tpu.memory_space<vmem_shared>> -> memref<10240x16xf32, #tpu.memory_space<vmem_shared>>
      tpu.wait_indirect_dma semaphore(%arg14 : memref<!tpu.dma_semaphore, #tpu.memory_space<semaphore_mem>>) src(%arg10 : memref<128x16xf32, #tpu.memory_space<vmem>>) dst(%dma_wait3A_114 : memref<10240x16xf32, #tpu.memory_space<vmem_shared>>)
      %add3A_115 = arith.constant 2 : i32
      %add3A_116 = arith.addi %add3A_108, %add3A_115 : i32
      %dma_start3A_117 = arith.constant 0 : i32
      %dma_start3A_118 = tpu.memref_slice %arg8[%add3A_116, %dma_start3A_117] : memref<80x128xi32, #tpu.memory_space<vmem>> -> memref<1x128xi32, #tpu.memory_space<vmem>>
      %dma_start3A_119 = tpu.memref_squeeze %dma_start3A_118 : memref<1x128xi32, #tpu.memory_space<vmem>> -> memref<128xi32, #tpu.memory_space<vmem>>
      %dma_start3A_120 = arith.constant 0 : i32
      %dma_start3A_121 = arith.constant 0 : i32
      %dma_start3A_122 = tpu.memref_slice %arg9[%dma_start3A_120, %dma_start3A_121] : memref<10240x16xf32, #tpu.memory_space<vmem_shared>> -> memref<10240x16xf32, #tpu.memory_space<vmem_shared>>
      tpu.enqueue_indirect_dma source(%dma_start3A_122 : memref<10240x16xf32, #tpu.memory_space<vmem_shared>>) target(%arg10 : memref<128x16xf32, #tpu.memory_space<vmem>>) offsets(%dma_start3A_119 : memref<128xi32, #tpu.memory_space<vmem>>) semaphore(%arg12 : memref<!tpu.dma_semaphore, #tpu.memory_space<semaphore_mem>>)
      %mul3A_123 = arith.constant 2 : i32
      %mul3A_124 = arith.muli %mul3A_123, %scan3A_72 : i32
      %add3A_125 = arith.constant 1 : i32
      %add3A_126 = arith.addi %mul3A_124, %add3A_125 : i32
      %dma_wait3A_127 = arith.constant 0 : i32
      %dma_wait3A_128 = tpu.memref_slice %arg6[%add3A_126, %dma_wait3A_127] : memref<80x128xi32, #tpu.memory_space<vmem>> -> memref<1x128xi32, #tpu.memory_space<vmem>>
      %dma_wait3A_129 = tpu.memref_squeeze %dma_wait3A_128 : memref<1x128xi32, #tpu.memory_space<vmem>> -> memref<128xi32, #tpu.memory_space<vmem>>
      %dma_wait3A_130 = arith.constant 0 : i32
      %dma_wait3A_131 = arith.constant 0 : i32
      %dma_wait3A_132 = tpu.memref_slice %arg7[%dma_wait3A_130, %dma_wait3A_131] : memref<10240x16xf32, #tpu.memory_space<vmem_shared>> -> memref<10240x16xf32, #tpu.memory_space<vmem_shared>>
      tpu.wait_indirect_dma semaphore(%arg15 : memref<!tpu.dma_semaphore, #tpu.memory_space<semaphore_mem>>) src(%arg11 : memref<128x16xf32, #tpu.memory_space<vmem>>) dst(%dma_wait3A_132 : memref<10240x16xf32, #tpu.memory_space<vmem_shared>>)
      %add3A_133 = arith.constant 2 : i32
      %add3A_134 = arith.addi %add3A_126, %add3A_133 : i32
      %dma_start3A_135 = arith.constant 0 : i32
      %dma_start3A_136 = tpu.memref_slice %arg8[%add3A_134, %dma_start3A_135] : memref<80x128xi32, #tpu.memory_space<vmem>> -> memref<1x128xi32, #tpu.memory_space<vmem>>
      %dma_start3A_137 = tpu.memref_squeeze %dma_start3A_136 : memref<1x128xi32, #tpu.memory_space<vmem>> -> memref<128xi32, #tpu.memory_space<vmem>>
      %dma_start3A_138 = arith.constant 0 : i32
      %dma_start3A_139 = arith.constant 0 : i32
      %dma_start3A_140 = tpu.memref_slice %arg9[%dma_start3A_138, %dma_start3A_139] : memref<10240x16xf32, #tpu.memory_space<vmem_shared>> -> memref<10240x16xf32, #tpu.memory_space<vmem_shared>>
      tpu.enqueue_indirect_dma source(%dma_start3A_140 : memref<10240x16xf32, #tpu.memory_space<vmem_shared>>) target(%arg11 : memref<128x16xf32, #tpu.memory_space<vmem>>) offsets(%dma_start3A_137 : memref<128xi32, #tpu.memory_space<vmem>>) semaphore(%arg13 : memref<!tpu.dma_semaphore, #tpu.memory_space<semaphore_mem>>)
    }
    %scan3A_25 = arith.constant 39 : i32
    %dma_wait3A = arith.constant 78 : i32
    %dma_wait3A_26 = arith.constant 0 : i32
    %dma_wait3A_27 = tpu.memref_slice %arg8[%dma_wait3A, %dma_wait3A_26] : memref<80x128xi32, #tpu.memory_space<vmem>> -> memref<1x128xi32, #tpu.memory_space<vmem>>
    %dma_wait3A_28 = tpu.memref_squeeze %dma_wait3A_27 : memref<1x128xi32, #tpu.memory_space<vmem>> -> memref<128xi32, #tpu.memory_space<vmem>>
    %dma_wait3A_29 = arith.constant 0 : i32
    %dma_wait3A_30 = arith.constant 0 : i32
    %dma_wait3A_31 = tpu.memref_slice %arg9[%dma_wait3A_29, %dma_wait3A_30] : memref<10240x16xf32, #tpu.memory_space<vmem_shared>> -> memref<10240x16xf32, #tpu.memory_space<vmem_shared>>
    tpu.wait_indirect_dma semaphore(%arg12 : memref<!tpu.dma_semaphore, #tpu.memory_space<semaphore_mem>>) src(%dma_wait3A_31 : memref<10240x16xf32, #tpu.memory_space<vmem_shared>>) dst(%arg10 : memref<128x16xf32, #tpu.memory_space<vmem>>)
    %dma_start3A_32 = arith.constant 78 : i32
    %dma_start3A_33 = arith.constant 0 : i32
    %dma_start3A_34 = tpu.memref_slice %arg6[%dma_start3A_32, %dma_start3A_33] : memref<80x128xi32, #tpu.memory_space<vmem>> -> memref<1x128xi32, #tpu.memory_space<vmem>>
    %dma_start3A_35 = tpu.memref_squeeze %dma_start3A_34 : memref<1x128xi32, #tpu.memory_space<vmem>> -> memref<128xi32, #tpu.memory_space<vmem>>
    %dma_start3A_36 = arith.constant 0 : i32
    %dma_start3A_37 = arith.constant 0 : i32
    %dma_start3A_38 = tpu.memref_slice %arg7[%dma_start3A_36, %dma_start3A_37] : memref<10240x16xf32, #tpu.memory_space<vmem_shared>> -> memref<10240x16xf32, #tpu.memory_space<vmem_shared>>
    tpu.enqueue_indirect_dma source(%arg10 : memref<128x16xf32, #tpu.memory_space<vmem>>) target(%dma_start3A_38 : memref<10240x16xf32, #tpu.memory_space<vmem_shared>>) offsets(%dma_start3A_35 : memref<128xi32, #tpu.memory_space<vmem>>) semaphore(%arg14 : memref<!tpu.dma_semaphore, #tpu.memory_space<semaphore_mem>>) {add = true}
    %dma_wait3A_39 = arith.constant 79 : i32
    %dma_wait3A_40 = arith.constant 0 : i32
    %dma_wait3A_41 = tpu.memref_slice %arg8[%dma_wait3A_39, %dma_wait3A_40] : memref<80x128xi32, #tpu.memory_space<vmem>> -> memref<1x128xi32, #tpu.memory_space<vmem>>
    %dma_wait3A_42 = tpu.memref_squeeze %dma_wait3A_41 : memref<1x128xi32, #tpu.memory_space<vmem>> -> memref<128xi32, #tpu.memory_space<vmem>>
    %dma_wait3A_43 = arith.constant 0 : i32
    %dma_wait3A_44 = arith.constant 0 : i32
    %dma_wait3A_45 = tpu.memref_slice %arg9[%dma_wait3A_43, %dma_wait3A_44] : memref<10240x16xf32, #tpu.memory_space<vmem_shared>> -> memref<10240x16xf32, #tpu.memory_space<vmem_shared>>
    tpu.wait_indirect_dma semaphore(%arg13 : memref<!tpu.dma_semaphore, #tpu.memory_space<semaphore_mem>>) src(%dma_wait3A_45 : memref<10240x16xf32, #tpu.memory_space<vmem_shared>>) dst(%arg11 : memref<128x16xf32, #tpu.memory_space<vmem>>)
    %dma_start3A_46 = arith.constant 79 : i32
    %dma_start3A_47 = arith.constant 0 : i32
    %dma_start3A_48 = tpu.memref_slice %arg6[%dma_start3A_46, %dma_start3A_47] : memref<80x128xi32, #tpu.memory_space<vmem>> -> memref<1x128xi32, #tpu.memory_space<vmem>>
    %dma_start3A_49 = tpu.memref_squeeze %dma_start3A_48 : memref<1x128xi32, #tpu.memory_space<vmem>> -> memref<128xi32, #tpu.memory_space<vmem>>
    %dma_start3A_50 = arith.constant 0 : i32
    %dma_start3A_51 = arith.constant 0 : i32
    %dma_start3A_52 = tpu.memref_slice %arg7[%dma_start3A_50, %dma_start3A_51] : memref<10240x16xf32, #tpu.memory_space<vmem_shared>> -> memref<10240x16xf32, #tpu.memory_space<vmem_shared>>
    tpu.enqueue_indirect_dma source(%arg11 : memref<128x16xf32, #tpu.memory_space<vmem>>) target(%dma_start3A_52 : memref<10240x16xf32, #tpu.memory_space<vmem_shared>>) offsets(%dma_start3A_49 : memref<128xi32, #tpu.memory_space<vmem>>) semaphore(%arg15 : memref<!tpu.dma_semaphore, #tpu.memory_space<semaphore_mem>>) {add = true}
    %dma_wait3A_53 = arith.constant 78 : i32
    %dma_wait3A_54 = arith.constant 0 : i32
    %dma_wait3A_55 = tpu.memref_slice %arg6[%dma_wait3A_53, %dma_wait3A_54] : memref<80x128xi32, #tpu.memory_space<vmem>> -> memref<1x128xi32, #tpu.memory_space<vmem>>
    %dma_wait3A_56 = tpu.memref_squeeze %dma_wait3A_55 : memref<1x128xi32, #tpu.memory_space<vmem>> -> memref<128xi32, #tpu.memory_space<vmem>>
    %dma_wait3A_57 = arith.constant 0 : i32
    %dma_wait3A_58 = arith.constant 0 : i32
    %dma_wait3A_59 = tpu.memref_slice %arg7[%dma_wait3A_57, %dma_wait3A_58] : memref<10240x16xf32, #tpu.memory_space<vmem_shared>> -> memref<10240x16xf32, #tpu.memory_space<vmem_shared>>
    tpu.wait_indirect_dma semaphore(%arg14 : memref<!tpu.dma_semaphore, #tpu.memory_space<semaphore_mem>>) src(%arg10 : memref<128x16xf32, #tpu.memory_space<vmem>>) dst(%dma_wait3A_59 : memref<10240x16xf32, #tpu.memory_space<vmem_shared>>)
    %dma_wait3A_60 = arith.constant 79 : i32
    %dma_wait3A_61 = arith.constant 0 : i32
    %dma_wait3A_62 = tpu.memref_slice %arg6[%dma_wait3A_60, %dma_wait3A_61] : memref<80x128xi32, #tpu.memory_space<vmem>> -> memref<1x128xi32, #tpu.memory_space<vmem>>
    %dma_wait3A_63 = tpu.memref_squeeze %dma_wait3A_62 : memref<1x128xi32, #tpu.memory_space<vmem>> -> memref<128xi32, #tpu.memory_space<vmem>>
    %dma_wait3A_64 = arith.constant 0 : i32
    %dma_wait3A_65 = arith.constant 0 : i32
    %dma_wait3A_66 = tpu.memref_slice %arg7[%dma_wait3A_64, %dma_wait3A_65] : memref<10240x16xf32, #tpu.memory_space<vmem_shared>> -> memref<10240x16xf32, #tpu.memory_space<vmem_shared>>
    tpu.wait_indirect_dma semaphore(%arg15 : memref<!tpu.dma_semaphore, #tpu.memory_space<semaphore_mem>>) src(%arg11 : memref<128x16xf32, #tpu.memory_space<vmem>>) dst(%dma_wait3A_66 : memref<10240x16xf32, #tpu.memory_space<vmem_shared>>)
    %barrier3A_67 = arith.constant 0 : index
    tpu.barrier barrier_id(%barrier3A_67)
    %mul3A_68 = arith.constant 640 : i32
    %mul3A_69 = arith.muli %arg1, %mul3A_68 : i32
    %mul3A_70 = arith.constant 640 : i32
    %mul3A_71 = arith.muli %arg1, %mul3A_70 : i32
    "tpu.region"() ({
      %run_scoped3A_72 = tpu.sem_alloc : memref<!tpu.dma_semaphore, #tpu.memory_space<semaphore_mem>>
      %dma_start3A_73 = arith.constant 0 : i32
      %dma_start3A_74 = tpu.memref_slice %arg5[%arg0, %mul3A_71, %dma_start3A_73] : memref<2x10240x16xf32, #tpu.memory_space<hbm>> -> memref<1x640x16xf32, #tpu.memory_space<hbm>>
      %dma_start3A_75 = tpu.memref_squeeze %dma_start3A_74 : memref<1x640x16xf32, #tpu.memory_space<hbm>> -> memref<640x16xf32, #tpu.memory_space<hbm>>
      %dma_start3A_76 = arith.constant 0 : i32
      %dma_start3A_77 = tpu.memref_slice %arg7[%mul3A_69, %dma_start3A_76] : memref<10240x16xf32, #tpu.memory_space<vmem_shared>> -> memref<640x16xf32, #tpu.memory_space<vmem_shared>>
      tpu.enqueue_dma source(%dma_start3A_77 : memref<640x16xf32, #tpu.memory_space<vmem_shared>>) target(%dma_start3A_75 : memref<640x16xf32, #tpu.memory_space<hbm>>) target_semaphore(%run_scoped3A_72 : memref<!tpu.dma_semaphore, #tpu.memory_space<semaphore_mem>>)
      %dma_wait3A_78 = arith.constant 0 : i32
      %dma_wait3A_79 = tpu.memref_slice %arg5[%arg0, %mul3A_71, %dma_wait3A_78] : memref<2x10240x16xf32, #tpu.memory_space<hbm>> -> memref<1x640x16xf32, #tpu.memory_space<hbm>>
      %dma_wait3A_80 = tpu.memref_squeeze %dma_wait3A_79 : memref<1x640x16xf32, #tpu.memory_space<hbm>> -> memref<640x16xf32, #tpu.memory_space<hbm>>
      %dma_wait3A_81 = arith.constant 0 : i32
      %dma_wait3A_82 = tpu.memref_slice %arg7[%mul3A_69, %dma_wait3A_81] : memref<10240x16xf32, #tpu.memory_space<vmem_shared>> -> memref<640x16xf32, #tpu.memory_space<vmem_shared>>
      tpu.wait_dma2 semaphore(%run_scoped3A_72 : memref<!tpu.dma_semaphore, #tpu.memory_space<semaphore_mem>>) src(%dma_wait3A_82 : memref<640x16xf32, #tpu.memory_space<vmem_shared>>) dst(%dma_wait3A_80 : memref<640x16xf32, #tpu.memory_space<hbm>>)
      tpu.yield
    }) : () -> ()
    return
  }
}

module attributes {stable_mosaic.version = 14 : i64} {
  func.func @_k0_body(%arg0: memref<10240x128xf32, #tpu.memory_space<vmem>>, %arg1: memref<2x10240x16xf32, #tpu.memory_space<vmem>>, %arg2: memref<128x64xf32, #tpu.memory_space<vmem>>, %arg3: memref<10240x64xf32, #tpu.memory_space<vmem>>, %arg4: memref<10240x64xf32, #tpu.memory_space<vmem>>, %arg5: memref<10240x1xf32, #tpu.memory_space<vmem>>, %arg6: memref<10240x1xf32, #tpu.memory_space<vmem>>) attributes {dimension_semantics = [], scalar_prefetch = 0 : i64, scratch_operands = 0 : i64, tpu.core_type = #tpu.core_type<tc>} {
    %get3A = arith.constant 0 : index
    %get3A_0 = arith.constant 0 : index
    %get3A_1 = arith.constant 0 : index
    %get3A_2 = vector.load %arg1[%get3A, %get3A_0, %get3A_1] : memref<2x10240x16xf32, #tpu.memory_space<vmem>>, vector<1x10240x1xf32>
    %get3A_3 = vector.shape_cast %get3A_2 : vector<1x10240x1xf32> to vector<10240x1xf32>
    %get3A_4 = arith.constant 1 : index
    %get3A_5 = arith.constant 0 : index
    %get3A_6 = arith.constant 0 : index
    %get3A_7 = vector.load %arg1[%get3A_4, %get3A_5, %get3A_6] : memref<2x10240x16xf32, #tpu.memory_space<vmem>>, vector<1x10240x1xf32>
    %get3A_8 = vector.shape_cast %get3A_7 : vector<1x10240x1xf32> to vector<10240x1xf32>
    %add3A = arith.addf %get3A_3, %get3A_8 : vector<10240x1xf32>
    %add3A_9 = arith.constant 1.000000e+00 : f32
    %add3A_10 = vector.broadcast %add3A_9 : f32 to vector<10240x1xf32>
    %add3A_11 = arith.addf %add3A, %add3A_10 : vector<10240x1xf32>
    %rsqrt3A = math.rsqrt %add3A_11 : vector<10240x1xf32>
    %div3A = arith.constant 1.000000e+00 : f32
    %div3A_12 = vector.broadcast %div3A : f32 to vector<10240x1xf32>
    %div3A_13 = arith.divf %div3A_12, %add3A_11 : vector<10240x1xf32>
    %get3A_14 = arith.constant 0 : index
    %get3A_15 = arith.constant 0 : index
    %get3A_16 = vector.load %arg0[%get3A_14, %get3A_15] : memref<10240x128xf32, #tpu.memory_space<vmem>>, vector<10240x128xf32>
    %get3A_17 = arith.constant 0 : index
    %get3A_18 = arith.constant 0 : index
    %get3A_19 = vector.load %arg2[%get3A_17, %get3A_18] : memref<128x64xf32, #tpu.memory_space<vmem>>, vector<128x64xf32>
    %dot_general3A = arith.constant dense<0.000000e+00> : vector<10240x64xf32>
    %dot_general3A_20 = tpu.matmul %get3A_16, %get3A_19, %dot_general3A {dimension_numbers = #tpu.dot_dimension_numbers<[1], [0], [0], [1], [0, 0, 1, 1], [], []>, transpose_lhs_hint = false} : vector<10240x128xf32>, vector<128x64xf32>, vector<10240x64xf32> -> vector<10240x64xf32>
    %swap3A = arith.constant 0 : index
    %swap3A_21 = arith.constant 0 : index
    %swap3A_22 = vector.load %arg3[%swap3A, %swap3A_21] : memref<10240x64xf32, #tpu.memory_space<vmem>>, vector<10240x64xf32>
    tpu.vector_store %arg3[%swap3A, %swap3A_21], %dot_general3A_20 {strides = array<i32>} : memref<10240x64xf32, #tpu.memory_space<vmem>>, vector<10240x64xf32>,
    %mul3A = vector.broadcast %rsqrt3A : vector<10240x1xf32> to vector<10240x64xf32>
    %mul3A_23 = arith.mulf %dot_general3A_20, %mul3A : vector<10240x64xf32>
    %swap3A_24 = arith.constant 0 : index
    %swap3A_25 = arith.constant 0 : index
    %swap3A_26 = vector.load %arg4[%swap3A_24, %swap3A_25] : memref<10240x64xf32, #tpu.memory_space<vmem>>, vector<10240x64xf32>
    tpu.vector_store %arg4[%swap3A_24, %swap3A_25], %mul3A_23 {strides = array<i32>} : memref<10240x64xf32, #tpu.memory_space<vmem>>, vector<10240x64xf32>,
    %swap3A_27 = arith.constant 0 : index
    %swap3A_28 = arith.constant 0 : index
    %swap3A_29 = vector.load %arg5[%swap3A_27, %swap3A_28] : memref<10240x1xf32, #tpu.memory_space<vmem>>, vector<10240x1xf32>
    tpu.vector_store %arg5[%swap3A_27, %swap3A_28], %rsqrt3A {strides = array<i32>} : memref<10240x1xf32, #tpu.memory_space<vmem>>, vector<10240x1xf32>,
    %swap3A_30 = arith.constant 0 : index
    %swap3A_31 = arith.constant 0 : index
    %swap3A_32 = vector.load %arg6[%swap3A_30, %swap3A_31] : memref<10240x1xf32, #tpu.memory_space<vmem>>, vector<10240x1xf32>
    tpu.vector_store %arg6[%swap3A_30, %swap3A_31], %div3A_13 {strides = array<i32>} : memref<10240x1xf32, #tpu.memory_space<vmem>>, vector<10240x1xf32>,
    return
  }
}

module attributes {stable_mosaic.version = 14 : i64} {
  func.func @_mid_body(%arg0: memref<2x10240x64xf32, #tpu.memory_space<vmem>>, %arg1: memref<10240x64xf32, #tpu.memory_space<vmem>>, %arg2: memref<10240x1xf32, #tpu.memory_space<vmem>>, %arg3: memref<10240x1xf32, #tpu.memory_space<vmem>>, %arg4: memref<1x64xf32, #tpu.memory_space<vmem>>, %arg5: memref<64x64xf32, #tpu.memory_space<vmem>>, %arg6: memref<10240x64xf32, #tpu.memory_space<vmem>>, %arg7: memref<10240x64xf32, #tpu.memory_space<vmem>>) attributes {dimension_semantics = [], scalar_prefetch = 0 : i64, scratch_operands = 0 : i64, tpu.core_type = #tpu.core_type<tc>} {
    %get3A = arith.constant 0 : index
    %get3A_0 = arith.constant 0 : index
    %get3A_1 = vector.load %arg2[%get3A, %get3A_0] : memref<10240x1xf32, #tpu.memory_space<vmem>>, vector<10240x1xf32>
    %get3A_2 = arith.constant 0 : index
    %get3A_3 = arith.constant 0 : index
    %get3A_4 = arith.constant 0 : index
    %get3A_5 = vector.load %arg0[%get3A_2, %get3A_3, %get3A_4] : memref<2x10240x64xf32, #tpu.memory_space<vmem>>, vector<1x10240x64xf32>
    %get3A_6 = vector.shape_cast %get3A_5 : vector<1x10240x64xf32> to vector<10240x64xf32>
    %get3A_7 = arith.constant 1 : index
    %get3A_8 = arith.constant 0 : index
    %get3A_9 = arith.constant 0 : index
    %get3A_10 = vector.load %arg0[%get3A_7, %get3A_8, %get3A_9] : memref<2x10240x64xf32, #tpu.memory_space<vmem>>, vector<1x10240x64xf32>
    %get3A_11 = vector.shape_cast %get3A_10 : vector<1x10240x64xf32> to vector<10240x64xf32>
    %add3A = arith.addf %get3A_6, %get3A_11 : vector<10240x64xf32>
    %mul3A = vector.broadcast %get3A_1 : vector<10240x1xf32> to vector<10240x64xf32>
    %mul3A_12 = arith.mulf %mul3A, %add3A : vector<10240x64xf32>
    %get3A_13 = arith.constant 0 : index
    %get3A_14 = arith.constant 0 : index
    %get3A_15 = vector.load %arg3[%get3A_13, %get3A_14] : memref<10240x1xf32, #tpu.memory_space<vmem>>, vector<10240x1xf32>
    %get3A_16 = arith.constant 0 : index
    %get3A_17 = arith.constant 0 : index
    %get3A_18 = vector.load %arg1[%get3A_16, %get3A_17] : memref<10240x64xf32, #tpu.memory_space<vmem>>, vector<10240x64xf32>
    %mul3A_19 = vector.broadcast %get3A_15 : vector<10240x1xf32> to vector<10240x64xf32>
    %mul3A_20 = arith.mulf %mul3A_19, %get3A_18 : vector<10240x64xf32>
    %add3A_21 = arith.addf %mul3A_12, %mul3A_20 : vector<10240x64xf32>
    %get3A_22 = arith.constant 0 : index
    %get3A_23 = arith.constant 0 : index
    %get3A_24 = vector.load %arg4[%get3A_22, %get3A_23] : memref<1x64xf32, #tpu.memory_space<vmem>>, vector<1x64xf32>
    %add3A_25 = vector.broadcast %get3A_24 : vector<1x64xf32> to vector<10240x64xf32>
    %add3A_26 = arith.addf %add3A_21, %add3A_25 : vector<10240x64xf32>
    %max3A = arith.constant 0.000000e+00 : f32
    %max3A_27 = vector.broadcast %max3A : f32 to vector<10240x64xf32>
    %max3A_28 = arith.maximumf %add3A_26, %max3A_27 : vector<10240x64xf32>
    %get3A_29 = arith.constant 0 : index
    %get3A_30 = arith.constant 0 : index
    %get3A_31 = vector.load %arg5[%get3A_29, %get3A_30] : memref<64x64xf32, #tpu.memory_space<vmem>>, vector<64x64xf32>
    %dot_general3A = arith.constant dense<0.000000e+00> : vector<10240x64xf32>
    %dot_general3A_32 = tpu.matmul %max3A_28, %get3A_31, %dot_general3A {dimension_numbers = #tpu.dot_dimension_numbers<[1], [0], [0], [1], [0, 0, 1, 1], [], []>, transpose_lhs_hint = false} : vector<10240x64xf32>, vector<64x64xf32>, vector<10240x64xf32> -> vector<10240x64xf32>
    %swap3A = arith.constant 0 : index
    %swap3A_33 = arith.constant 0 : index
    %swap3A_34 = vector.load %arg6[%swap3A, %swap3A_33] : memref<10240x64xf32, #tpu.memory_space<vmem>>, vector<10240x64xf32>
    tpu.vector_store %arg6[%swap3A, %swap3A_33], %dot_general3A_32 {strides = array<i32>} : memref<10240x64xf32, #tpu.memory_space<vmem>>, vector<10240x64xf32>,
    %mul3A_35 = vector.broadcast %get3A_1 : vector<10240x1xf32> to vector<10240x64xf32>
    %mul3A_36 = arith.mulf %dot_general3A_32, %mul3A_35 : vector<10240x64xf32>
    %swap3A_37 = arith.constant 0 : index
    %swap3A_38 = arith.constant 0 : index
    %swap3A_39 = vector.load %arg7[%swap3A_37, %swap3A_38] : memref<10240x64xf32, #tpu.memory_space<vmem>>, vector<10240x64xf32>
    tpu.vector_store %arg7[%swap3A_37, %swap3A_38], %mul3A_36 {strides = array<i32>} : memref<10240x64xf32, #tpu.memory_space<vmem>>, vector<10240x64xf32>,
    return
  }
}

module attributes {stable_mosaic.version = 14 : i64} {
  func.func @_mid_body(%arg0: memref<2x10240x64xf32, #tpu.memory_space<vmem>>, %arg1: memref<10240x64xf32, #tpu.memory_space<vmem>>, %arg2: memref<10240x1xf32, #tpu.memory_space<vmem>>, %arg3: memref<10240x1xf32, #tpu.memory_space<vmem>>, %arg4: memref<1x64xf32, #tpu.memory_space<vmem>>, %arg5: memref<64x16xf32, #tpu.memory_space<vmem>>, %arg6: memref<10240x16xf32, #tpu.memory_space<vmem>>, %arg7: memref<10240x16xf32, #tpu.memory_space<vmem>>) attributes {dimension_semantics = [], scalar_prefetch = 0 : i64, scratch_operands = 0 : i64, tpu.core_type = #tpu.core_type<tc>} {
    %get3A = arith.constant 0 : index
    %get3A_0 = arith.constant 0 : index
    %get3A_1 = vector.load %arg2[%get3A, %get3A_0] : memref<10240x1xf32, #tpu.memory_space<vmem>>, vector<10240x1xf32>
    %get3A_2 = arith.constant 0 : index
    %get3A_3 = arith.constant 0 : index
    %get3A_4 = arith.constant 0 : index
    %get3A_5 = vector.load %arg0[%get3A_2, %get3A_3, %get3A_4] : memref<2x10240x64xf32, #tpu.memory_space<vmem>>, vector<1x10240x64xf32>
    %get3A_6 = vector.shape_cast %get3A_5 : vector<1x10240x64xf32> to vector<10240x64xf32>
    %get3A_7 = arith.constant 1 : index
    %get3A_8 = arith.constant 0 : index
    %get3A_9 = arith.constant 0 : index
    %get3A_10 = vector.load %arg0[%get3A_7, %get3A_8, %get3A_9] : memref<2x10240x64xf32, #tpu.memory_space<vmem>>, vector<1x10240x64xf32>
    %get3A_11 = vector.shape_cast %get3A_10 : vector<1x10240x64xf32> to vector<10240x64xf32>
    %add3A = arith.addf %get3A_6, %get3A_11 : vector<10240x64xf32>
    %mul3A = vector.broadcast %get3A_1 : vector<10240x1xf32> to vector<10240x64xf32>
    %mul3A_12 = arith.mulf %mul3A, %add3A : vector<10240x64xf32>
    %get3A_13 = arith.constant 0 : index
    %get3A_14 = arith.constant 0 : index
    %get3A_15 = vector.load %arg3[%get3A_13, %get3A_14] : memref<10240x1xf32, #tpu.memory_space<vmem>>, vector<10240x1xf32>
    %get3A_16 = arith.constant 0 : index
    %get3A_17 = arith.constant 0 : index
    %get3A_18 = vector.load %arg1[%get3A_16, %get3A_17] : memref<10240x64xf32, #tpu.memory_space<vmem>>, vector<10240x64xf32>
    %mul3A_19 = vector.broadcast %get3A_15 : vector<10240x1xf32> to vector<10240x64xf32>
    %mul3A_20 = arith.mulf %mul3A_19, %get3A_18 : vector<10240x64xf32>
    %add3A_21 = arith.addf %mul3A_12, %mul3A_20 : vector<10240x64xf32>
    %get3A_22 = arith.constant 0 : index
    %get3A_23 = arith.constant 0 : index
    %get3A_24 = vector.load %arg4[%get3A_22, %get3A_23] : memref<1x64xf32, #tpu.memory_space<vmem>>, vector<1x64xf32>
    %add3A_25 = vector.broadcast %get3A_24 : vector<1x64xf32> to vector<10240x64xf32>
    %add3A_26 = arith.addf %add3A_21, %add3A_25 : vector<10240x64xf32>
    %max3A = arith.constant 0.000000e+00 : f32
    %max3A_27 = vector.broadcast %max3A : f32 to vector<10240x64xf32>
    %max3A_28 = arith.maximumf %add3A_26, %max3A_27 : vector<10240x64xf32>
    %get3A_29 = arith.constant 0 : index
    %get3A_30 = arith.constant 0 : index
    %get3A_31 = vector.load %arg5[%get3A_29, %get3A_30] : memref<64x16xf32, #tpu.memory_space<vmem>>, vector<64x16xf32>
    %dot_general3A = arith.constant dense<0.000000e+00> : vector<10240x16xf32>
    %dot_general3A_32 = tpu.matmul %max3A_28, %get3A_31, %dot_general3A {dimension_numbers = #tpu.dot_dimension_numbers<[1], [0], [0], [1], [0, 0, 1, 1], [], []>, transpose_lhs_hint = false} : vector<10240x64xf32>, vector<64x16xf32>, vector<10240x16xf32> -> vector<10240x16xf32>
    %swap3A = arith.constant 0 : index
    %swap3A_33 = arith.constant 0 : index
    %swap3A_34 = vector.load %arg6[%swap3A, %swap3A_33] : memref<10240x16xf32, #tpu.memory_space<vmem>>, vector<10240x16xf32>
    tpu.vector_store %arg6[%swap3A, %swap3A_33], %dot_general3A_32 {strides = array<i32>} : memref<10240x16xf32, #tpu.memory_space<vmem>>, vector<10240x16xf32>,
    %mul3A_35 = vector.broadcast %get3A_1 : vector<10240x1xf32> to vector<10240x16xf32>
    %mul3A_36 = arith.mulf %dot_general3A_32, %mul3A_35 : vector<10240x16xf32>
    %swap3A_37 = arith.constant 0 : index
    %swap3A_38 = arith.constant 0 : index
    %swap3A_39 = vector.load %arg7[%swap3A_37, %swap3A_38] : memref<10240x16xf32, #tpu.memory_space<vmem>>, vector<10240x16xf32>
    tpu.vector_store %arg7[%swap3A_37, %swap3A_38], %mul3A_36 {strides = array<i32>} : memref<10240x16xf32, #tpu.memory_space<vmem>>, vector<10240x16xf32>,
    return
  }
}

module attributes {stable_mosaic.version = 14 : i64} {
  func.func @_k3_body(%arg0: memref<2x10240x16xf32, #tpu.memory_space<vmem>>, %arg1: memref<10240x16xf32, #tpu.memory_space<vmem>>, %arg2: memref<10240x1xf32, #tpu.memory_space<vmem>>, %arg3: memref<10240x1xf32, #tpu.memory_space<vmem>>, %arg4: memref<1x16xf32, #tpu.memory_space<vmem>>, %arg5: memref<10240x16xf32, #tpu.memory_space<vmem>>) attributes {dimension_semantics = [], scalar_prefetch = 0 : i64, scratch_operands = 0 : i64, tpu.core_type = #tpu.core_type<tc>} {
    %get3A = arith.constant 0 : index
    %get3A_0 = arith.constant 0 : index
    %get3A_1 = vector.load %arg2[%get3A, %get3A_0] : memref<10240x1xf32, #tpu.memory_space<vmem>>, vector<10240x1xf32>
    %get3A_2 = arith.constant 0 : index
    %get3A_3 = arith.constant 0 : index
    %get3A_4 = arith.constant 0 : index
    %get3A_5 = vector.load %arg0[%get3A_2, %get3A_3, %get3A_4] : memref<2x10240x16xf32, #tpu.memory_space<vmem>>, vector<1x10240x16xf32>
    %get3A_6 = vector.shape_cast %get3A_5 : vector<1x10240x16xf32> to vector<10240x16xf32>
    %get3A_7 = arith.constant 1 : index
    %get3A_8 = arith.constant 0 : index
    %get3A_9 = arith.constant 0 : index
    %get3A_10 = vector.load %arg0[%get3A_7, %get3A_8, %get3A_9] : memref<2x10240x16xf32, #tpu.memory_space<vmem>>, vector<1x10240x16xf32>
    %get3A_11 = vector.shape_cast %get3A_10 : vector<1x10240x16xf32> to vector<10240x16xf32>
    %add3A = arith.addf %get3A_6, %get3A_11 : vector<10240x16xf32>
    %mul3A = vector.broadcast %get3A_1 : vector<10240x1xf32> to vector<10240x16xf32>
    %mul3A_12 = arith.mulf %mul3A, %add3A : vector<10240x16xf32>
    %get3A_13 = arith.constant 0 : index
    %get3A_14 = arith.constant 0 : index
    %get3A_15 = vector.load %arg3[%get3A_13, %get3A_14] : memref<10240x1xf32, #tpu.memory_space<vmem>>, vector<10240x1xf32>
    %get3A_16 = arith.constant 0 : index
    %get3A_17 = arith.constant 0 : index
    %get3A_18 = vector.load %arg1[%get3A_16, %get3A_17] : memref<10240x16xf32, #tpu.memory_space<vmem>>, vector<10240x16xf32>
    %mul3A_19 = vector.broadcast %get3A_15 : vector<10240x1xf32> to vector<10240x16xf32>
    %mul3A_20 = arith.mulf %mul3A_19, %get3A_18 : vector<10240x16xf32>
    %add3A_21 = arith.addf %mul3A_12, %mul3A_20 : vector<10240x16xf32>
    %get3A_22 = arith.constant 0 : index
    %get3A_23 = arith.constant 0 : index
    %get3A_24 = vector.load %arg4[%get3A_22, %get3A_23] : memref<1x16xf32, #tpu.memory_space<vmem>>, vector<1x16xf32>
    %add3A_25 = vector.broadcast %get3A_24 : vector<1x16xf32> to vector<10240x16xf32>
    %add3A_26 = arith.addf %add3A_21, %add3A_25 : vector<10240x16xf32>
    %swap3A = arith.constant 0 : index
    %swap3A_27 = arith.constant 0 : index
    %swap3A_28 = vector.load %arg5[%swap3A, %swap3A_27] : memref<10240x16xf32, #tpu.memory_space<vmem>>, vector<10240x16xf32>
    tpu.vector_store %arg5[%swap3A, %swap3A_27], %add3A_26 {strides = array<i32>} : memref<10240x16xf32, #tpu.memory_space<vmem>>, vector<10240x16xf32>,
    return
  }
}

</mosaic_0001>

<sc_bundles>
// kernel: kernel.10.cloned.1.call-start
scs
__scs_entry_jumppad:
0x0: {  	(pc) =	sbr.rel $0x88, $3  }
0x1: {  	(tag) =	ssettag $0x0;
	lr =	simm.s32 $0x1  }
0x2: {  	[smem:$0x3F99] =	sst lr;
	_ =	strace $0xD0000000  }
0x3: {  	_ = 	snop  }
0x4: {  	_ = 	snop  }
0x5: {  	_ = 	snop  }
0x6: {  	_ = 	snop  }
0x7: {  	_ = 	snop  }
__scs_overlays_trampoline_lowered:
0x8: {  	[smem:$0x3FA8] =	sst s0  }
0x9: {  	[smem:$0x3FA9] =	sst s1  }
0xa: {  	[smem:$0x3FAA] =	sst s2  }
0xb: {  	[smem:$0x3FAB] =	sst s3  }
0xc: {  	[smem:$0x3FAC] =	sst s4  }
0xd: {  	[smem:$0x3FAD] =	sst s5  }
0xe: {  	[smem:$0x3FAE] =	sst s6  }
0xf: {  	[smem:$0x3FAF] =	sst s7  }
0x10: {  	[smem:$0x3FB0] =	sst s8  }
0x11: {  	[smem:$0x3FB1] =	sst s9;
	s0 =	simm.s32 @!p0 $0x0  }
0x12: {  	s1 =	sld [smem:$0x3F97];
	s0 =	simm.s32 @p0 $0x1  }
0x13: {  	[smem:$0x3FB2] =	sst s0;
	s0 =	simm.s32 @!p1 $0x0  }
0x14: {  	s2 =	sld [smem:$0x3F96];
	s0 =	simm.s32 @p1 $0x1  }
0x15: {  	[smem:$0x3FB3] =	sst s0;
	s0 =	simm.s32 @!p2 $0x0  }
0x16: {  	s3 =	sld [smem:$0x3FDB];
	s0 =	simm.s32 @p2 $0x1  }
0x17: {  	s4 =	simm.s32 $0x1BF5;
	[smem:$0x3FB5] =	sst s0  }
0x18: {  	s0 =	sld [smem:$0x3F98];
	_ =	swait.ge [sflag:s4], $0x0  }
0x19: {  	s7 =	sld [smem:$0x3F99]  }
0x1a: {  	s8 =	sadd.s32 $0xFFFFE003, lr  }
0x1b: {  	s9 =	sadd.s32 $0xFFFFFEF7, lr;
	s5 =	simm.s32 $0xFFFFFFFF;
	p2 =	slt.u32 s8, $0xFFFFF086  }
0x1c: {  	p1 =	slt.u32 s9, $0xF7A;
	s5 =	simm.s32 @!p2 $0x0  }
0x1d: {  	s5 =	simm.s32 @p1 $0x1;
	p0 =	seq.s32 s7, s2  }
0x1e: {  	s7 =	smul.u32 @!p0 $0xF7A, s2;
	p2 =	seq.s32 @!p0 s5, $0x0  }
0x1f: {  	s9 =	smul.u32 $0xF7A, s1;
	s8 =	simm.s32 @!p0 $0x1BF5;
	p2 =	por !p2, p0  }
0x20: {  	[sflag:s8] =	ssyncset.s32 @!p0 $0xFFFFF086;
	s6 =	sadd.s32 @!p0 s3, s7;
	s7 =	simm.s32 @!p0 $0x108  }
0x21: {  	s3 =	sadd.s32 s3, s9;
	s6 =	sadd.s32 @!p0 $0x88, s6;
	s7 =	simm.s32 @p2 $0x1082  }
0x22: {  	[simem:s7], [sflag:s8] =	dma.local @!p0 [hbm:s6], $0xF7A  }
0x23: {  	s9 =	sor.u32 $0xD0000000, s2;
	s6 =	simm.s32 $0x108;
	_ =	swait.ge @!p0 [sflag:s8], $0x0  }
0x24: {  	s3 =	sadd.s32 $0x88, s3;
	s6 =	simm.s32 @!p1 $0x1082;
	[sflag:s4] =	ssyncset.s32 $0xFFFFF086  }
0x25: {  	[simem:s6], [sflag:s4] =	dma.local [hbm:s3], $0xF7A  }
0x26: {  	[smem:$0x3F99] =	sst s1;
	(tag) =	ssettag s2;
	_ =	strace s9  }
0x27: {  	s1 =	sld [smem:$0x3FA9]  }
0x28: {  	s2 =	sld [smem:$0x3FAA]  }
0x29: {  	s4 =	sld [smem:$0x3FAC]  }
0x2a: {  	p0 =	seq.s32 s5, $0x0;
	s5 =	sld [smem:$0x3FAD]  }
0x2b: {  	s6 =	sld [smem:$0x3FAE]  }
0x2c: {  	s7 =	sld [smem:$0x3FAF]  }
0x2d: {  	s3 =	simm.s32 $0x108;
	s8 =	sld [smem:$0x3FB0]  }
0x2e: {  	s3 =	simm.s32 @!p0 $0x1082;
	s9 =	sld [smem:$0x3FB1]  }
0x2f: {  	lr =	sadd.s32 s0, s3;
	s0 =	sld [smem:$0x3FA8]  }
0x30: {  	s3 =	sld [smem:$0x3FAB]  }
0x31: {  	[smem:$0x3FB4] =	sst s10  }
0x32: {  	s10 =	sld [smem:$0x3FB2];
	_ =	sdelay $0x3  }
0x33: {  	p0 =	seq.s32 s10, $0x1;
	s10 =	sld [smem:$0x3FB4];
	_ =	sdelay $0x3  }
0x34: {  	[smem:$0x3FB4] =	sst s10  }
0x35: {  	s10 =	sld [smem:$0x3FB3];
	_ =	sdelay $0x3  }
0x36: {  	p1 =	seq.s32 s10, $0x1;
	s10 =	sld [smem:$0x3FB4];
	_ =	sdelay $0x3  }
0x37: {  	[smem:$0x3FB4] =	sst s10  }
0x38: {  	s10 =	sld [smem:$0x3FB5]  }
0x39: {  	_ = 	snop;
	(pc) =	sbr.ind lr, $3  }
0x3a: {  	_ = 	snop  }
0x3b: {  	_ = 	snop  }
0x3c: {  	p2 =	seq.s32 s10, $0x1;
	s10 =	sld [smem:$0x3FB4]  }
0x3d: {  	_ =	shalt  }
0x3e: {  	_ =	shalt  }
0x3f: {  	_ =	shalt  }
0x40: {  	_ =	shalt  }
0x41: {  	_ =	shalt  }
0x42: {  	_ =	shalt  }
0x43: {  	_ =	shalt  }
0x44: {  	_ =	shalt  }
0x45: {  	_ =	shalt  }
0x46: {  	_ =	shalt  }
0x47: {  	_ =	shalt  }
0x48: {  	_ =	shalt  }
0x49: {  	_ =	shalt  }
0x4a: {  	_ =	shalt  }
0x4b: {  	_ =	shalt  }
0x4c: {  	_ =	shalt  }
0x4d: {  	_ =	shalt  }
0x4e: {  	_ =	shalt  }
0x4f: {  	_ =	shalt  }
0x50: {  	_ =	shalt  }
0x51: {  	_ =	shalt  }
0x52: {  	_ =	shalt  }
0x53: {  	_ =	shalt  }
0x54: {  	_ =	shalt  }
0x55: {  	_ =	shalt  }
0x56: {  	_ =	shalt  }
0x57: {  	_ =	shalt  }
0x58: {  	_ =	shalt  }
0x59: {  	_ =	shalt  }
0x5a: {  	_ =	shalt  }
0x5b: {  	_ =	shalt  }
0x5c: {  	_ =	shalt  }
0x5d: {  	_ =	shalt  }
0x5e: {  	_ =	shalt  }
0x5f: {  	_ =	shalt  }
0x60: {  	_ =	shalt  }
0x61: {  	_ =	shalt  }
0x62: {  	_ =	shalt  }
0x63: {  	_ =	shalt  }
0x64: {  	_ =	shalt  }
0x65: {  	_ =	shalt  }
0x66: {  	_ =	shalt  }
0x67: {  	_ =	shalt  }
0x68: {  	_ =	shalt  }
0x69: {  	_ =	shalt  }
0x6a: {  	_ =	shalt  }
0x6b: {  	_ =	shalt  }
0x6c: {  	_ =	shalt  }
0x6d: {  	_ =	shalt  }
0x6e: {  	_ =	shalt  }
0x6f: {  	_ =	shalt  }
0x70: {  	_ =	shalt  }
0x71: {  	_ =	shalt  }
0x72: {  	_ =	shalt  }
0x73: {  	_ =	shalt  }
0x74: {  	_ =	shalt  }
0x75: {  	_ =	shalt  }
0x76: {  	_ =	shalt  }
0x77: {  	_ =	shalt  }
0x78: {  	_ =	shalt  }
0x79: {  	_ =	shalt  }
0x7a: {  	_ =	shalt  }
0x7b: {  	_ =	shalt  }
0x7c: {  	_ =	shalt  }
0x7d: {  	_ =	shalt  }
0x7e: {  	_ =	shalt  }
0x7f: {  	_ =	shalt  }
0x80: {  	_ =	shalt  }
0x81: {  	_ =	shalt  }
0x82: {  	_ =	shalt  }
0x83: {  	_ =	shalt  }
0x84: {  	_ =	shalt  }
0x85: {  	_ =	shalt  }
0x86: {  	_ =	shalt  }
0x87: {  	_ =	shalt  }
.Lfunc_end0:
.L_simem_size_0:
called_computation_lowered:
.L_overlay_start_0:
0x88: {  	s2 =	sld [smem:$0x3FD9]  }
0x89: {  	s3 =	sld [smem:$0x3FFE];
	_ =	sdelay $0x1  }
0x8a: {  	s1 =	srdreg.scid  }
0x8b: {  	s0 =	sand.u32 $0x1, s1  }
0x8c: {  	s16 =	sshll.u32 s0, $0xA;
	s2 =	sadd.s32 s3, s2  }
0x8d: {  	s2 =	sadd.s32 s2, s16  }
0x8e: {  	[smem:$0x3FC0] =	sst s2  }
0x8f: {  	_ = 	snop  }
0x90: {  	(tm) =	ssettm $0x1  }
0x91: {  	s17 =	sld [smem:$0x3FFB];
	_ =	sdelay $0x3  }
0x92: {  	_ =	strace s17  }
0x93: {  	s2 =	sld [smem:$0x3FFC];
	_ =	sdelay $0x3  }
0x94: {  	_ =	strace s2  }
0x95: {  	s2 =	sld [smem:$0x3FFD];
	_ =	sdelay $0x3  }
0x96: {  	_ =	strace s2  }
0x97: {  	_ =	strace $0x8FFFFFFF  }
0x98: {  	s18 =	sld [smem:$0x3FDB];
	_ =	sdelay $0x1  }
0x99: {  	s19 =	simm.s32 $_scs_section_size  }
0x9a: {  	s4 =	simm.s32 $_size__tile_overlayer_lowered;
	s5 =	simm.s32 $_tile_overlayer_lowered  }
0x9b: {  	s22 =	simm.s32 $0x1BFF;
	s21 =	sshll.u32 s5, $0x1;
	s2 =	sadd.s32 s19, s18  }
0x9c: {  	s6 =	simm.s32 $0x0;
	s20 =	sshll.u32 s4, $0x1;
	s4 =	sadd.s32 s21, s2  }
0x9d: {  	[timem:s6], [sflag:s22] =	dma.local [hbm:s4], s20  }
0x9e: {  	_ =	swait.ge [sflag:s22], s20  }
0x9f: {  	s3 =	ssub.s32 $0x0, s20;
	[sflag:s22] =	ssyncset.done $0x0  }
0xa0: {  	[sflag:s22] =	ssyncadd.s32 s3;
	_ =	sdelay $0x1  }
0xa1: {  	s23 =	simm.s32 $0x1B8B  }
0xa2: {  	_ =	swait.ge [sflag:s23], $0x1  }
0xa3: {  	[sflag:s23] =	ssyncset.done $0x0  }
0xa4: {  	s25 =	simm.s32 $0x1B8E;
	s24 =	sld [smem:$0x3FFE];
	[sflag:s23] =	ssyncadd.s32 $0xFFFFFFFF  }
0xa5: {  	s26 =	simm.s32 $execute0_lowered;
	[smem:$0x3FD2] =	sst s25  }
0xa6: {  	s4 =	sshll.u32 s26, $0x1;
	_ =	strace $0x80000046;
	[dreg:$0x1] =	wrdreg $0xFFFFFFFF  }
0xa7: {  	s28 =	simm.s32 $_size_execute0_lowered;
	s2 =	sadd.s32 s2, s4;
	[dreg:$0x0] =	wrdreg $0x0  }
0xa8: {  	s4 =	sshll.u32 s28, $0x1;
	[dreg:$0x2] =	wrdreg s2  }
0xa9: {  	[dreg:$0x3] =	wrdreg s4  }
0xaa: {  	[dreg:$0x4] =	wrdreg $0xC0  }
0xab: {  	_ =	task [dreg:s6], $0x5FFFF  }
0xac: {  	[dreg:$0x1] =	wrdreg $0xFFFFFFFF  }
0xad: {  	[dreg:$0x0] =	wrdreg $0x60  }
0xae: {  	[dreg:$0x2] =	wrdreg s24  }
0xaf: {  	[dreg:$0x3] =	wrdreg $0x28000  }
0xb0: {  	[dreg:$0x4] =	wrdreg $0x9  }
0xb1: {  	_ =	task.clear_ibuf [dreg:s6], $0x5FFFF;
	_ =	strace $0x90000046  }
0xb2: {  	s29 =	simm.s32 $0x9;
	_ =	strace $0x80000048  }
0xb3: {  	_ =	swait.ge [sflag:s29], $0x1  }
0xb4: {  	[sflag:s29] =	ssyncadd.s32 $0xFFFFFFFF  }
0xb5: {  	_ =	strace $0x90000048  }
0xb6: {  	_ =	sfence  }
0xb7: {  	s30 =	sld [smem:$0x0];
	_ =	sdelay $0x2  }
0xb8: {  	s31 =	sshll.u32 s1, $0xD;
	s1 =	sshrl.u32 s1, $0x2  }
0xb9: {  	s3 =	sand.u32 $0x4000, s31;
	s1 =	sadd.s32 s1, s30  }
0xba: {  	s0 =	sor.u32 s3, s0;
	s1 =	sshll.u32 s1, $0x11  }
0xbb: {  	s0 =	sor.u32 s1, s0  }
0xbc: {  	s0 =	sadd.s32 $0x8F2B, s0  }
0xbd: {  	[sflag:s0] =	ssyncadd.remote.s32 $0x1  }
0xbe: {  	_ =	sfence.sel $0xFFFF  }
0xbf: {  	[dreg:$0x0] =	wrdreg $0xFFFFFFFF;
	(pc) =	sbr.abs _section_cstart, $3  }
0xc0: {  	[dreg:$0x1] =	wrdreg $0xFFFFFFFF  }
0xc1: {  	_ =	task.clear_ibuf [dreg:s6], $0x2FFFF;
	_ =	strace $0x9FFFFFFF  }
0xc2: {  	(tm) =	ssettm $0x7FFFFFFF  }
0xc3: {  	_ =	shalt  }
tec
execute0_lowered:
.L_overlay_start_1:
0x0: {  	(tag) =	ssettag $0x1  }
0x1: {  	s5 =	rddreg [dreg:$0x0]  }
0x2: {  	s0 =	srdreg.scid;
	s2 =	rddreg [dreg:$0x1]  }
0x3: {  	s1 =	stileid.u32;
	s3 =	simm.s32 $0x0;
	s12 =	simm.s32 $0x5000  }
0x4: {  	s13 =	simm.s32 $0x1;
	s14 =	simm.s32 $0x2;
	s15 =	simm.s32 $0x0  }
0x5: {  	s6 =	sand.u32 $0x1, s0;
	s0 =	rddreg [dreg:$0x2];
	s7 =	smul.u32 $0x2800, s1  }
0x6: {  	[smem:$0x7FF] =	sst s3;
	s31 =	sshll.u32 s1, $0x6;
	s4 =	sshll.u32 s6, $0x4  }
0x7: {  	s8 =	smul.u32 $0x28000, s6;
	_ =	strace $0x80000047;
	s6 =	ssub.s32 $0x2, s6  }
0x8: {  	s4 =	sor.u32 s1, s4;
	s10 =	sshrl.u32 s6, $0x1;
	s11 =	sadd.s32 s7, s2  }
0x9: {  	s9 =	smul.u32 $0x2800, s4;
	s8 =	sadd.s32 s7, s8;
	s10 =	ssub.s32 s6, s10  }
0xa: {  	s4 =	sadd.s32 $0x17400, s5;
	s8 =	sshrl.u32 s8, $0x3;
	s7 =	smax.u32 s10, $0x1  }
0xb: {  	s10 =	sshrl.u32 s11, $0x3;
	s9 =	sshrl.u32 s9, $0x3;
	s8 =	sadd.s32 s8, s5  }
0xc: {  	s11 =	simm.s32 $0x80;
	s9 =	sadd.s32 s5, s9;
	s6 =	sadd.s32 $0x1CA00, s8  }
0xd: {  	v0 =	vimm.f32 $1.000000000e+00;
	s8 =	simm.s32 $0x3;
	s5 =	sadd.s32 $0xD400, s9;
	s9 =	sor.u32 $0x1C03, s31  }
.LBB2_1:
0xe: {  	[tilespmem:s3], [sflag:$0x3] =	stream.linear.gather [hbm4b:s5+s3], $0x2800, $0x38;
	[tilespmem:$0x5800] =	vst v63  }
0xf: {  	_ =	swait.ge [sflag:s8], $0x2800  }
0x10: {  	[sflag:s8] =	ssyncset.done $0x0  }
0x11: {  	[sflag:s8] =	ssyncadd.s32 $0xFFFFD800  }
0x12: {  	[spmem:s10], [sflag:s9] =	dma.local [hbm:s4], $0x500  }
0x13: {  	_ =	swait.ge [sflag:s8], $0x500  }
0x14: {  	[sflag:s8] =	ssyncset.done $0x0  }
0x15: {  	[sflag:s8] =	ssyncadd.s32 $0xFFFFFB00  }
0x16: {  	[tilespmem:$0x5000] =	vst v0  }
0x17: {  	[tilespmem:$0x5010] =	vst v0  }
0x18: {  	[tilespmem:$0x5020] =	vst v0  }
0x19: {  	[tilespmem:$0x5030] =	vst v0  }
0x1a: {  	[tilespmem:$0x5040] =	vst v0  }
0x1b: {  	[tilespmem:$0x5050] =	vst v0  }
0x1c: {  	[tilespmem:$0x5060] =	vst v0  }
0x1d: {  	[tilespmem:$0x5070] =	vst v0  }
0x1e: {  	[tilespmem:$0x5080] =	vst v0  }
0x1f: {  	[tilespmem:$0x5090] =	vst v0  }
0x20: {  	[tilespmem:$0x50A0] =	vst v0  }
0x21: {  	[tilespmem:$0x50B0] =	vst v0  }
0x22: {  	[tilespmem:$0x50C0] =	vst v0  }
0x23: {  	[tilespmem:$0x50D0] =	vst v0  }
0x24: {  	[tilespmem:$0x50E0] =	vst v0  }
0x25: {  	[tilespmem:$0x50F0] =	vst v0  }
0x26: {  	[tilespmem:$0x5100] =	vst v0  }
0x27: {  	[tilespmem:$0x5110] =	vst v0  }
0x28: {  	[tilespmem:$0x5120] =	vst v0  }
0x29: {  	[tilespmem:$0x5130] =	vst v0  }
0x2a: {  	[tilespmem:$0x5140] =	vst v0  }
0x2b: {  	[tilespmem:$0x5150] =	vst v0  }
0x2c: {  	[tilespmem:$0x5160] =	vst v0  }
0x2d: {  	[tilespmem:$0x5170] =	vst v0  }
0x2e: {  	[tilespmem:$0x5180] =	vst v0  }
0x2f: {  	[tilespmem:$0x5190] =	vst v0  }
0x30: {  	[tilespmem:$0x51A0] =	vst v0  }
0x31: {  	[tilespmem:$0x51B0] =	vst v0  }
0x32: {  	[tilespmem:$0x51C0] =	vst v0  }
0x33: {  	[tilespmem:$0x51D0] =	vst v0  }
0x34: {  	[tilespmem:$0x51E0] =	vst v0  }
0x35: {  	[tilespmem:$0x51F0] =	vst v0  }
0x36: {  	[tilespmem:$0x5200] =	vst v0  }
0x37: {  	[tilespmem:$0x5210] =	vst v0  }
0x38: {  	[tilespmem:$0x5220] =	vst v0  }
0x39: {  	[tilespmem:$0x5230] =	vst v0  }
0x3a: {  	[tilespmem:$0x5240] =	vst v0  }
0x3b: {  	[tilespmem:$0x5250] =	vst v0  }
0x3c: {  	[tilespmem:$0x5260] =	vst v0  }
0x3d: {  	[tilespmem:$0x5270] =	vst v0  }
0x3e: {  	[tilespmem:$0x5280] =	vst v0  }
0x3f: {  	[tilespmem:$0x5290] =	vst v0  }
0x40: {  	[tilespmem:$0x52A0] =	vst v0  }
0x41: {  	[tilespmem:$0x52B0] =	vst v0  }
0x42: {  	[tilespmem:$0x52C0] =	vst v0  }
0x43: {  	[tilespmem:$0x52D0] =	vst v0  }
0x44: {  	[tilespmem:$0x52E0] =	vst v0  }
0x45: {  	[tilespmem:$0x52F0] =	vst v0  }
0x46: {  	[tilespmem:$0x5300] =	vst v0  }
0x47: {  	[tilespmem:$0x5310] =	vst v0  }
0x48: {  	[tilespmem:$0x5320] =	vst v0  }
0x49: {  	[tilespmem:$0x5330] =	vst v0  }
0x4a: {  	[tilespmem:$0x5340] =	vst v0  }
0x4b: {  	[tilespmem:$0x5350] =	vst v0  }
0x4c: {  	[tilespmem:$0x5360] =	vst v0  }
0x4d: {  	[tilespmem:$0x5370] =	vst v0  }
0x4e: {  	[tilespmem:$0x5380] =	vst v0  }
0x4f: {  	[tilespmem:$0x5390] =	vst v0  }
0x50: {  	[tilespmem:$0x53A0] =	vst v0  }
0x51: {  	[tilespmem:$0x53B0] =	vst v0  }
0x52: {  	[tilespmem:$0x53C0] =	vst v0  }
0x53: {  	[tilespmem:$0x53D0] =	vst v0  }
0x54: {  	[tilespmem:$0x53E0] =	vst v0  }
0x55: {  	[tilespmem:$0x53F0] =	vst v0  }
0x56: {  	[tilespmem:$0x5400] =	vst v0  }
0x57: {  	[tilespmem:$0x5410] =	vst v0  }
0x58: {  	[tilespmem:$0x5420] =	vst v0  }
0x59: {  	[tilespmem:$0x5430] =	vst v0  }
0x5a: {  	[tilespmem:$0x5440] =	vst v0  }
0x5b: {  	[tilespmem:$0x5450] =	vst v0  }
0x5c: {  	[tilespmem:$0x5460] =	vst v0  }
0x5d: {  	[tilespmem:$0x5470] =	vst v0  }
0x5e: {  	[tilespmem:$0x5480] =	vst v0  }
0x5f: {  	[tilespmem:$0x5490] =	vst v0  }
0x60: {  	[tilespmem:$0x54A0] =	vst v0  }
0x61: {  	[tilespmem:$0x54B0] =	vst v0  }
0x62: {  	[tilespmem:$0x54C0] =	vst v0  }
0x63: {  	[tilespmem:$0x54D0] =	vst v0  }
0x64: {  	[tilespmem:$0x54E0] =	vst v0  }
0x65: {  	[tilespmem:$0x54F0] =	vst v0  }
0x66: {  	[tilespmem:$0x5500] =	vst v0  }
0x67: {  	[tilespmem:$0x5510] =	vst v0  }
0x68: {  	[tilespmem:$0x5520] =	vst v0  }
0x69: {  	[tilespmem:$0x5530] =	vst v0  }
0x6a: {  	[tilespmem:$0x5540] =	vst v0  }
0x6b: {  	[tilespmem:$0x5550] =	vst v0  }
0x6c: {  	[tilespmem:$0x5560] =	vst v0  }
0x6d: {  	[tilespmem:$0x5570] =	vst v0  }
0x6e: {  	[tilespmem:$0x5580] =	vst v0  }
0x6f: {  	[tilespmem:$0x5590] =	vst v0  }
0x70: {  	[tilespmem:$0x55A0] =	vst v0  }
0x71: {  	[tilespmem:$0x55B0] =	vst v0  }
0x72: {  	[tilespmem:$0x55C0] =	vst v0  }
0x73: {  	[tilespmem:$0x55D0] =	vst v0  }
0x74: {  	[tilespmem:$0x55E0] =	vst v0  }
0x75: {  	[tilespmem:$0x55F0] =	vst v0  }
0x76: {  	[tilespmem:$0x5600] =	vst v0  }
0x77: {  	[tilespmem:$0x5610] =	vst v0  }
0x78: {  	[tilespmem:$0x5620] =	vst v0  }
0x79: {  	[tilespmem:$0x5630] =	vst v0  }
0x7a: {  	[tilespmem:$0x5640] =	vst v0  }
0x7b: {  	[tilespmem:$0x5650] =	vst v0  }
0x7c: {  	[tilespmem:$0x5660] =	vst v0  }
0x7d: {  	[tilespmem:$0x5670] =	vst v0  }
0x7e: {  	[tilespmem:$0x5680] =	vst v0  }
0x7f: {  	[tilespmem:$0x5690] =	vst v0  }
0x80: {  	[tilespmem:$0x56A0] =	vst v0  }
0x81: {  	[tilespmem:$0x56B0] =	vst v0  }
0x82: {  	[tilespmem:$0x56C0] =	vst v0  }
0x83: {  	[tilespmem:$0x56D0] =	vst v0  }
0x84: {  	[tilespmem:$0x56E0] =	vst v0  }
0x85: {  	[tilespmem:$0x56F0] =	vst v0  }
0x86: {  	[tilespmem:$0x5700] =	vst v0  }
0x87: {  	[tilespmem:$0x5710] =	vst v0  }
0x88: {  	[tilespmem:$0x5720] =	vst v0  }
0x89: {  	[tilespmem:$0x5730] =	vst v0  }
0x8a: {  	[tilespmem:$0x5740] =	vst v0  }
0x8b: {  	[tilespmem:$0x5750] =	vst v0  }
0x8c: {  	[tilespmem:$0x5760] =	vst v0  }
0x8d: {  	[tilespmem:$0x5770] =	vst v0  }
0x8e: {  	[tilespmem:$0x5780] =	vst v0  }
0x8f: {  	[tilespmem:$0x5790] =	vst v0  }
0x90: {  	[tilespmem:$0x57A0] =	vst v0  }
0x91: {  	[tilespmem:$0x57B0] =	vst v0  }
0x92: {  	[tilespmem:$0x57C0] =	vst v0  }
0x93: {  	[tilespmem:$0x57D0] =	vst v0  }
0x94: {  	[tilespmem:$0x57E0] =	vst v0  }
0x95: {  	[tilespmem:$0x57F0] =	vst v0  }
0x96: {  	s16 =	simm.s32 $0x0;
	[bflag:$0x0] =	sbarrier.arrive $0xFFFF  }
0x97: {  	[spmem:s2] =	stream.indirect.scatter.add.f32 [tilespmem:s12], [sflag:$0x1], $0x10, s16, s11, $0xb8;
	[tilespmem:$0x5800] =	vst v63  }
0x98: {  	s31 =	simm.s32 $0x80  }
0x99: {  	[spmem:s2] =	stream.indirect.scatter.add.f32 [tilespmem:s12], [sflag:$0x2], $0x10, s31, s11, $0xb8;
	[tilespmem:$0x5800] =	vst v63  }
0x9a: {  	_ =	swait.ge [sflag:s13], $0x800  }
0x9b: {  	[sflag:s13] =	ssyncset.done $0x0  }
0x9c: {  	[sflag:s13] =	ssyncadd.s32 $0xFFFFF800  }
0x9d: {  	_ =	swait.ge [sflag:s14], $0x800  }
0x9e: {  	s17 =	simm.s32 $0x800;
	s16 =	simm.s32 $0x400;
	[sflag:s14] =	ssyncset.done $0x0  }
.LBB2_2:
0x9f: {  	s18 =	sshra.s32 s16, $0x2  }
0xa0: {  	[sflag:s14] =	ssyncadd.s32 $0xFFFFF800;
	s16 =	smov.u32 s17;
	s19 =	sadd.s32 $0x400, s17  }
0xa1: {  	[spmem:s2] =	stream.indirect.scatter.add.f32 [tilespmem:s12], [sflag:$0x1], $0x10, s18, s11, $0xb8;
	[tilespmem:$0x5800] =	vst v63  }
0xa2: {  	p0 =	sne.s32 s17, $0x9C00;
	s17 =	sadd.s32 $0x80, s18  }
0xa3: {  	[spmem:s2] =	stream.indirect.scatter.add.f32 [tilespmem:s12], [sflag:$0x2], $0x10, s17, s11, $0xb8;
	[tilespmem:$0x5800] =	vst v63  }
.Ltmp0:
0xa4: {  	_ =	swait.ge [sflag:s13], $0x800;
	(pc) =	sbr.rel @p0 .LBB2_2-.Ltmp0, $4  }
0xa5: {  	[sflag:s13] =	ssyncset.done $0x0  }
0xa6: {  	[sflag:s13] =	ssyncadd.s32 $0xFFFFF800  }
0xa7: {  	_ =	swait.ge [sflag:s14], $0x800  }
0xa8: {  	s17 =	smov.u32 s19;
	[sflag:s14] =	ssyncset.done $0x0  }
0xa9: {  	s16 =	sshra.s32 s16, $0x2;
	[sflag:s14] =	ssyncadd.s32 $0xFFFFF800  }
0xaa: {  	[spmem:s2] =	stream.indirect.scatter.add.f32 [tilespmem:s12], [sflag:$0x1], $0x10, s16, s11, $0xb8;
	[tilespmem:$0x5800] =	vst v63  }
0xab: {  	s16 =	sadd.s32 $0x80, s16  }
0xac: {  	[spmem:s2] =	stream.indirect.scatter.add.f32 [tilespmem:s12], [sflag:$0x2], $0x10, s16, s11, $0xb8;
	[tilespmem:$0x5800] =	vst v63  }
0xad: {  	_ =	swait.ge [sflag:s13], $0x800  }
0xae: {  	[sflag:s13] =	ssyncset.done $0x0  }
0xaf: {  	[sflag:s13] =	ssyncadd.s32 $0xFFFFF800  }
0xb0: {  	_ =	swait.ge [sflag:s14], $0x800  }
0xb1: {  	s15 =	sadd.s32 $0x1, s15;
	[sflag:s14] =	ssyncset.done $0x0  }
0xb2: {  	p0 =	sne.s32 s15, s7;
	[sflag:s14] =	ssyncadd.s32 $0xFFFFF800  }
.Ltmp1:
0xb3: {  	[bflag:$0x0] =	sbarrier.arrive $0xFFFF;
	(pc) =	sbr.rel @p0 .LBB2_1-.Ltmp1, $4  }
0xb4: {  	[hbm:s6], [sflag:s9] =	dma.local [spmem:s10], $0x500  }
0xb5: {  	_ =	swait.ge [sflag:s8], $0x500  }
0xb6: {  	[sflag:s8] =	ssyncset.done $0x0  }
0xb7: {  	[sflag:s8] =	ssyncadd.s32 $0xFFFFFB00  }
0xb8: {  	_ =	sfence.sel $0x180000  }
0xb9: {  	[bflag:$0x0] =	sbarrier.arrive $0xFFFF  }
0xba: {  	p0 =	sne.s32 s1, $0x0;
	_ =	strace $0x90000047  }
0xbb: {  	s0 =	sadd.s32 @!p0 $0x100000, s0;
	[bflag:$0x2] =	sbarrier.arrive $0xFFFF  }
0xbc: {  	[sflag:s0] =	ssyncadd.tile.s32 @!p0 $0x1;
	_ =	shalt  }
.Lfunc_end2:
_tile_overlayer_lowered:
.L_overlay_start_2:
0xbd: {  	(tag) =	ssettag $0x2  }
0xbe: {  	s0 =	rddreg [dreg:$0x0];
	s2 =	stileid.u32  }
0xbf: {  	s1 =	rddreg [dreg:$0x1];
	p0 =	sne.s32 s2, $0x0  }
0xc0: {  	s3 =	rddreg [dreg:$0x2];
	[bflag:$0x3] =	sbarrier.arrive $0xFFFF;
	s2 =	simm.s32 @!p0 $0x1C03  }
0xc1: {  	[timem:s3], [sflag:s2] =	dma.local @!p0 [hbm:s0], s1  }
0xc2: {  	s0 =	simm.s32 @!p0 $0x3  }
0xc3: {  	_ =	swait.ge @!p0 [sflag:s0], s1  }
0xc4: {  	s1 =	ssub.s32 @!p0 $0x0, s1;
	[sflag:s0] =	ssyncset.done @!p0 $0x0  }
0xc5: {  	[sflag:s0] =	ssyncadd.s32 @!p0 s1  }
0xc6: {  	[bflag:$0x3] =	sbarrier.arrive $0xFFFF  }
0xc7: {  	_ =	shalt  }

// kernel: kernel.13.cloned.1.call-start
scs
__scs_entry_jumppad:
0x0: {  	(pc) =	sbr.rel $0x88, $3  }
0x1: {  	(tag) =	ssettag $0x0;
	lr =	simm.s32 $0x1  }
0x2: {  	[smem:$0x3F99] =	sst lr;
	_ =	strace $0xD0000000  }
0x3: {  	_ = 	snop  }
0x4: {  	_ = 	snop  }
0x5: {  	_ = 	snop  }
0x6: {  	_ = 	snop  }
0x7: {  	_ = 	snop  }
__scs_overlays_trampoline_lowered:
0x8: {  	[smem:$0x3FA8] =	sst s0  }
0x9: {  	[smem:$0x3FA9] =	sst s1  }
0xa: {  	[smem:$0x3FAA] =	sst s2  }
0xb: {  	[smem:$0x3FAB] =	sst s3  }
0xc: {  	[smem:$0x3FAC] =	sst s4  }
0xd: {  	[smem:$0x3FAD] =	sst s5  }
0xe: {  	[smem:$0x3FAE] =	sst s6  }
0xf: {  	[smem:$0x3FAF] =	sst s7  }
0x10: {  	[smem:$0x3FB0] =	sst s8  }
0x11: {  	[smem:$0x3FB1] =	sst s9;
	s0 =	simm.s32 @!p0 $0x0  }
0x12: {  	s1 =	sld [smem:$0x3F97];
	s0 =	simm.s32 @p0 $0x1  }
0x13: {  	[smem:$0x3FB2] =	sst s0;
	s0 =	simm.s32 @!p1 $0x0  }
0x14: {  	s2 =	sld [smem:$0x3F96];
	s0 =	simm.s32 @p1 $0x1  }
0x15: {  	[smem:$0x3FB3] =	sst s0;
	s0 =	simm.s32 @!p2 $0x0  }
0x16: {  	s3 =	sld [smem:$0x3FDB];
	s0 =	simm.s32 @p2 $0x1  }
0x17: {  	s4 =	simm.s32 $0x1BF5;
	[smem:$0x3FB5] =	sst s0  }
0x18: {  	s0 =	sld [smem:$0x3F98];
	_ =	swait.ge [sflag:s4], $0x0  }
0x19: {  	s7 =	sld [smem:$0x3F99]  }
0x1a: {  	s8 =	sadd.s32 $0xFFFFE003, lr  }
0x1b: {  	s9 =	sadd.s32 $0xFFFFFEF7, lr;
	s5 =	simm.s32 $0xFFFFFFFF;
	p2 =	slt.u32 s8, $0xFFFFF086  }
0x1c: {  	p1 =	slt.u32 s9, $0xF7A;
	s5 =	simm.s32 @!p2 $0x0  }
0x1d: {  	s5 =	simm.s32 @p1 $0x1;
	p0 =	seq.s32 s7, s2  }
0x1e: {  	s7 =	smul.u32 @!p0 $0xF7A, s2;
	p2 =	seq.s32 @!p0 s5, $0x0  }
0x1f: {  	s9 =	smul.u32 $0xF7A, s1;
	s8 =	simm.s32 @!p0 $0x1BF5;
	p2 =	por !p2, p0  }
0x20: {  	[sflag:s8] =	ssyncset.s32 @!p0 $0xFFFFF086;
	s6 =	sadd.s32 @!p0 s3, s7;
	s7 =	simm.s32 @!p0 $0x108  }
0x21: {  	s3 =	sadd.s32 s3, s9;
	s6 =	sadd.s32 @!p0 $0x88, s6;
	s7 =	simm.s32 @p2 $0x1082  }
0x22: {  	[simem:s7], [sflag:s8] =	dma.local @!p0 [hbm:s6], $0xF7A  }
0x23: {  	s9 =	sor.u32 $0xD0000000, s2;
	s6 =	simm.s32 $0x108;
	_ =	swait.ge @!p0 [sflag:s8], $0x0  }
0x24: {  	s3 =	sadd.s32 $0x88, s3;
	s6 =	simm.s32 @!p1 $0x1082;
	[sflag:s4] =	ssyncset.s32 $0xFFFFF086  }
0x25: {  	[simem:s6], [sflag:s4] =	dma.local [hbm:s3], $0xF7A  }
0x26: {  	[smem:$0x3F99] =	sst s1;
	(tag) =	ssettag s2;
	_ =	strace s9  }
0x27: {  	s1 =	sld [smem:$0x3FA9]  }
0x28: {  	s2 =	sld [smem:$0x3FAA]  }
0x29: {  	s4 =	sld [smem:$0x3FAC]  }
0x2a: {  	p0 =	seq.s32 s5, $0x0;
	s5 =	sld [smem:$0x3FAD]  }
0x2b: {  	s6 =	sld [smem:$0x3FAE]  }
0x2c: {  	s7 =	sld [smem:$0x3FAF]  }
0x2d: {  	s3 =	simm.s32 $0x108;
	s8 =	sld [smem:$0x3FB0]  }
0x2e: {  	s3 =	simm.s32 @!p0 $0x1082;
	s9 =	sld [smem:$0x3FB1]  }
0x2f: {  	lr =	sadd.s32 s0, s3;
	s0 =	sld [smem:$0x3FA8]  }
0x30: {  	s3 =	sld [smem:$0x3FAB]  }
0x31: {  	[smem:$0x3FB4] =	sst s10  }
0x32: {  	s10 =	sld [smem:$0x3FB2];
	_ =	sdelay $0x3  }
0x33: {  	p0 =	seq.s32 s10, $0x1;
	s10 =	sld [smem:$0x3FB4];
	_ =	sdelay $0x3  }
0x34: {  	[smem:$0x3FB4] =	sst s10  }
0x35: {  	s10 =	sld [smem:$0x3FB3];
	_ =	sdelay $0x3  }
0x36: {  	p1 =	seq.s32 s10, $0x1;
	s10 =	sld [smem:$0x3FB4];
	_ =	sdelay $0x3  }
0x37: {  	[smem:$0x3FB4] =	sst s10  }
0x38: {  	s10 =	sld [smem:$0x3FB5]  }
0x39: {  	_ = 	snop;
	(pc) =	sbr.ind lr, $3  }
0x3a: {  	_ = 	snop  }
0x3b: {  	_ = 	snop  }
0x3c: {  	p2 =	seq.s32 s10, $0x1;
	s10 =	sld [smem:$0x3FB4]  }
0x3d: {  	_ =	shalt  }
0x3e: {  	_ =	shalt  }
0x3f: {  	_ =	shalt  }
0x40: {  	_ =	shalt  }
0x41: {  	_ =	shalt  }
0x42: {  	_ =	shalt  }
0x43: {  	_ =	shalt  }
0x44: {  	_ =	shalt  }
0x45: {  	_ =	shalt  }
0x46: {  	_ =	shalt  }
0x47: {  	_ =	shalt  }
0x48: {  	_ =	shalt  }
0x49: {  	_ =	shalt  }
0x4a: {  	_ =	shalt  }
0x4b: {  	_ =	shalt  }
0x4c: {  	_ =	shalt  }
0x4d: {  	_ =	shalt  }
0x4e: {  	_ =	shalt  }
0x4f: {  	_ =	shalt  }
0x50: {  	_ =	shalt  }
0x51: {  	_ =	shalt  }
0x52: {  	_ =	shalt  }
0x53: {  	_ =	shalt  }
0x54: {  	_ =	shalt  }
0x55: {  	_ =	shalt  }
0x56: {  	_ =	shalt  }
0x57: {  	_ =	shalt  }
0x58: {  	_ =	shalt  }
0x59: {  	_ =	shalt  }
0x5a: {  	_ =	shalt  }
0x5b: {  	_ =	shalt  }
0x5c: {  	_ =	shalt  }
0x5d: {  	_ =	shalt  }
0x5e: {  	_ =	shalt  }
0x5f: {  	_ =	shalt  }
0x60: {  	_ =	shalt  }
0x61: {  	_ =	shalt  }
0x62: {  	_ =	shalt  }
0x63: {  	_ =	shalt  }
0x64: {  	_ =	shalt  }
0x65: {  	_ =	shalt  }
0x66: {  	_ =	shalt  }
0x67: {  	_ =	shalt  }
0x68: {  	_ =	shalt  }
0x69: {  	_ =	shalt  }
0x6a: {  	_ =	shalt  }
0x6b: {  	_ =	shalt  }
0x6c: {  	_ =	shalt  }
0x6d: {  	_ =	shalt  }
0x6e: {  	_ =	shalt  }
0x6f: {  	_ =	shalt  }
0x70: {  	_ =	shalt  }
0x71: {  	_ =	shalt  }
0x72: {  	_ =	shalt  }
0x73: {  	_ =	shalt  }
0x74: {  	_ =	shalt  }
0x75: {  	_ =	shalt  }
0x76: {  	_ =	shalt  }
0x77: {  	_ =	shalt  }
0x78: {  	_ =	shalt  }
0x79: {  	_ =	shalt  }
0x7a: {  	_ =	shalt  }
0x7b: {  	_ =	shalt  }
0x7c: {  	_ =	shalt  }
0x7d: {  	_ =	shalt  }
0x7e: {  	_ =	shalt  }
0x7f: {  	_ =	shalt  }
0x80: {  	_ =	shalt  }
0x81: {  	_ =	shalt  }
0x82: {  	_ =	shalt  }
0x83: {  	_ =	shalt  }
0x84: {  	_ =	shalt  }
0x85: {  	_ =	shalt  }
0x86: {  	_ =	shalt  }
0x87: {  	_ =	shalt  }
.Lfunc_end0:
.L_simem_size_0:
called_computation.1_lowered:
.L_overlay_start_0:
0x88: {  	s2 =	sld [smem:$0x3FD9]  }
0x89: {  	s3 =	sld [smem:$0x3FFE];
	_ =	sdelay $0x1  }
0x8a: {  	s1 =	srdreg.scid  }
0x8b: {  	s0 =	sand.u32 $0x1, s1  }
0x8c: {  	s17 =	sshll.u32 s0, $0xA;
	s2 =	sadd.s32 s3, s2  }
0x8d: {  	s2 =	sadd.s32 s2, s17  }
0x8e: {  	[smem:$0x3FC0] =	sst s2  }
0x8f: {  	_ = 	snop  }
0x90: {  	s2 =	sld [smem:$0x3FD0];
	(tm) =	ssettm $0x1  }
0x91: {  	s18 =	sld [smem:$0x3FFB];
	_ =	sdelay $0x3  }
0x92: {  	_ =	strace s18  }
0x93: {  	s3 =	sld [smem:$0x3FFC];
	_ =	sdelay $0x3  }
0x94: {  	_ =	strace s3  }
0x95: {  	s3 =	sld [smem:$0x3FFD];
	_ =	sdelay $0x3  }
0x96: {  	_ =	strace s3  }
0x97: {  	_ =	strace $0x8FFFFFFF  }
0x98: {  	s19 =	sld [smem:$0x3FDB];
	_ =	sdelay $0x1  }
0x99: {  	s4 =	simm.s32 $_scs_section_size  }
0x9a: {  	s5 =	simm.s32 $_size__tile_overlayer_lowered;
	s6 =	simm.s32 $_tile_overlayer_lowered  }
0x9b: {  	s22 =	simm.s32 $0x1BFF;
	s21 =	sshll.u32 s6, $0x1;
	s3 =	sadd.s32 s4, s19  }
0x9c: {  	s7 =	simm.s32 $0x0;
	s20 =	sshll.u32 s5, $0x1;
	s5 =	sadd.s32 s21, s3  }
0x9d: {  	[timem:s7], [sflag:s22] =	dma.local [hbm:s5], s20  }
0x9e: {  	_ =	swait.ge [sflag:s22], s20  }
0x9f: {  	s4 =	ssub.s32 $0x0, s20;
	[sflag:s22] =	ssyncset.done $0x0  }
0xa0: {  	[sflag:s22] =	ssyncadd.s32 s4;
	_ =	sdelay $0x1  }
0xa1: {  	s23 =	simm.s32 $0x1B8B  }
0xa2: {  	_ =	swait.ge [sflag:s23], $0x1  }
0xa3: {  	[sflag:s23] =	ssyncset.done $0x0  }
0xa4: {  	s25 =	simm.s32 $0x1B8E;
	s24 =	sld [smem:$0x3FFE];
	[sflag:s23] =	ssyncadd.s32 $0xFFFFFFFF  }
0xa5: {  	s26 =	simm.s32 $execute0_lowered;
	[smem:$0x3FD2] =	sst s25  }
0xa6: {  	s5 =	sshll.u32 s26, $0x1;
	_ =	strace $0x80000049;
	[dreg:$0x1] =	wrdreg $0xFFFFFFFF  }
0xa7: {  	s28 =	simm.s32 $_size_execute0_lowered;
	s3 =	sadd.s32 s3, s5;
	[dreg:$0x0] =	wrdreg $0x0  }
0xa8: {  	s5 =	sshll.u32 s28, $0x1;
	[dreg:$0x2] =	wrdreg s3  }
0xa9: {  	[dreg:$0x3] =	wrdreg s5  }
0xaa: {  	[dreg:$0x4] =	wrdreg $0xC0  }
0xab: {  	_ =	task [dreg:s7], $0x5FFFF  }
0xac: {  	[dreg:$0x1] =	wrdreg $0xFFFFFFFF  }
0xad: {  	[dreg:$0x0] =	wrdreg $0x60  }
0xae: {  	[dreg:$0x2] =	wrdreg s24  }
0xaf: {  	[dreg:$0x3] =	wrdreg s2  }
0xb0: {  	[dreg:$0x4] =	wrdreg $0xF0000  }
0xb1: {  	[dreg:$0x5] =	wrdreg $0x28000  }
0xb2: {  	[dreg:$0x6] =	wrdreg $0x9  }
0xb3: {  	_ =	task.clear_ibuf [dreg:s7], $0x7FFFF;
	_ =	strace $0x90000049  }
0xb4: {  	s29 =	simm.s32 $0x9;
	_ =	strace $0x8000004B  }
0xb5: {  	_ =	swait.ge [sflag:s29], $0x1  }
0xb6: {  	[sflag:s29] =	ssyncadd.s32 $0xFFFFFFFF  }
0xb7: {  	_ =	strace $0x9000004B  }
0xb8: {  	_ =	sfence  }
0xb9: {  	s30 =	sld [smem:$0x0];
	_ =	sdelay $0x2  }
0xba: {  	s31 =	sshll.u32 s1, $0xD;
	s1 =	sshrl.u32 s1, $0x2  }
0xbb: {  	s3 =	sand.u32 $0x4000, s31;
	s1 =	sadd.s32 s1, s30  }
0xbc: {  	s0 =	sor.u32 s3, s0;
	s1 =	sshll.u32 s1, $0x11  }
0xbd: {  	s0 =	sor.u32 s1, s0  }
0xbe: {  	s0 =	sadd.s32 $0x8F2B, s0  }
0xbf: {  	[sflag:s0] =	ssyncadd.remote.s32 $0x1  }
0xc0: {  	_ =	sfence.sel $0xFFFF  }
0xc1: {  	[dreg:$0x0] =	wrdreg $0xFFFFFFFF;
	(pc) =	sbr.abs _section_cstart, $3  }
0xc2: {  	[dreg:$0x1] =	wrdreg $0xFFFFFFFF  }
0xc3: {  	_ =	task.clear_ibuf [dreg:s7], $0x2FFFF;
	_ =	strace $0x9FFFFFFF  }
0xc4: {  	(tm) =	ssettm $0x7FFFFFFF  }
0xc5: {  	_ =	shalt  }
tec
execute0_lowered:
.L_overlay_start_1:
0x0: {  	(tag) =	ssettag $0x1  }
0x1: {  	s6 =	rddreg [dreg:$0x0]  }
0x2: {  	s1 =	rddreg [dreg:$0x1]  }
0x3: {  	s3 =	rddreg [dreg:$0x2]  }
0x4: {  	s4 =	rddreg [dreg:$0x3];
	s5 =	srdreg.scid  }
0x5: {  	s0 =	rddreg [dreg:$0x4];
	s2 =	stileid.u32;
	s16 =	simm.s32 $0x80  }
0x6: {  	s17 =	simm.s32 $0x19000;
	s18 =	simm.s32 $0xC880;
	s19 =	simm.s32 $0x1B000  }
0x7: {  	s20 =	simm.s32 $0x1;
	s21 =	simm.s32 $0x2;
	s22 =	simm.s32 $0x3  }
0x8: {  	s23 =	simm.s32 $0x4;
	s24 =	simm.s32 $0x2700;
	s25 =	simm.s32 $0x2780  }
0x9: {  	s26 =	simm.s32 $0x0;
	s7 =	sand.u32 $0x1, s5;
	s5 =	simm.s32 $0x0  }
0xa: {  	s9 =	smul.u32 $0xA000, s2;
	s13 =	sshll.u32 s2, $0x6;
	s8 =	sshll.u32 s7, $0x4  }
0xb: {  	[smem:$0x7FF] =	sst s5;
	s10 =	smul.u32 $0xA0000, s7;
	s7 =	ssub.s32 $0x2, s7  }
0xc: {  	s13 =	sor.u32 $0x1C05, s13;
	s8 =	sor.u32 s2, s8;
	_ =	strace $0x8000004A  }
0xd: {  	s11 =	sshrl.u32 s9, $0x3;
	s12 =	sshrl.u32 s7, $0x1;
	s14 =	sadd.s32 s9, s3  }
0xe: {  	s15 =	sadd.s32 s9, s4;
	s8 =	smul.u32 $0x2800, s8;
	s10 =	sadd.s32 s9, s10  }
0xf: {  	s11 =	sadd.s32 s11, s6;
	s12 =	ssub.s32 s7, s12;
	s10 =	sshrl.u32 s10, $0x3  }
0x10: {  	s14 =	sshrl.u32 s14, $0x3;
	s8 =	sshrl.u32 s8, $0x3;
	s10 =	sadd.s32 s10, s6  }
0x11: {  	s15 =	sshrl.u32 s15, $0x3;
	s8 =	sadd.s32 s8, s6;
	s9 =	sadd.s32 $0x53A00, s10  }
0x12: {  	s10 =	smax.u32 s12, $0x1;
	s12 =	simm.s32 $0xC800;
	s6 =	sadd.s32 $0xD400, s8  }
0x13: {  	s7 =	sadd.s32 $0x3400, s8;
	s8 =	sadd.s32 $0x3FA00, s11;
	s11 =	simm.s32 $0x5  }
.LBB2_1:
0x14: {  	[tilespmem:s5], [sflag:$0x5] =	stream.linear.gather [hbm4b:s6+s5], $0x2800, $0x38;
	[tilespmem:$0x1D000] =	vst v63  }
0x15: {  	_ =	swait.ge [sflag:s11], $0x2800  }
0x16: {  	[sflag:s11] =	ssyncset.done $0x0  }
0x17: {  	[sflag:s11] =	ssyncadd.s32 $0xFFFFD800  }
0x18: {  	[tilespmem:s12], [sflag:$0x5] =	stream.linear.gather [hbm4b:s7+s5], $0x2800, $0x38;
	[tilespmem:$0x1D000] =	vst v63  }
0x19: {  	_ =	swait.ge [sflag:s11], $0x2800  }
0x1a: {  	[sflag:s11] =	ssyncset.done $0x0  }
0x1b: {  	[sflag:s11] =	ssyncadd.s32 $0xFFFFD800  }
0x1c: {  	[spmem:s14], [sflag:s13] =	dma.local [hbm:s8], $0x1400  }
0x1d: {  	_ =	swait.ge [sflag:s11], $0x1400  }
0x1e: {  	[sflag:s11] =	ssyncset.done $0x0  }
0x1f: {  	[sflag:s11] =	ssyncadd.s32 $0xFFFFEC00  }
0x20: {  	[spmem:s15], [sflag:s13] =	dma.local [hbm:s1], $0x1400  }
0x21: {  	_ =	swait.ge [sflag:s11], $0x1400  }
0x22: {  	[sflag:s11] =	ssyncset.done $0x0  }
0x23: {  	[sflag:s11] =	ssyncadd.s32 $0xFFFFEC00  }
0x24: {  	[bflag:$0x0] =	sbarrier.arrive $0xFFFF  }
0x25: {  	[tilespmem:s17], [sflag:$0x1] =	stream.indirect.gather [spmem:s3], $0x40, s12, s16, $0xb8;
	[tilespmem:$0x1D000] =	vst v63  }
0x26: {  	_ = 	snop  }
0x27: {  	[tilespmem:s19], [sflag:$0x2] =	stream.indirect.gather [spmem:s3], $0x40, s18, s16, $0xb8;
	[tilespmem:$0x1D000] =	vst v63  }
0x28: {  	_ =	swait.ge [sflag:s20], $0x2000  }
0x29: {  	[sflag:s20] =	ssyncset.done $0x0  }
0x2a: {  	s28 =	simm.s32 $0x0;
	[sflag:s20] =	ssyncadd.s32 $0xFFFFE000  }
0x2b: {  	[spmem:s4] =	stream.indirect.scatter.add.f32 [tilespmem:s17], [sflag:$0x3], $0x40, s28, s16, $0xb8;
	[tilespmem:$0x1D000] =	vst v63  }
0x2c: {  	_ =	swait.ge [sflag:s21], $0x2000  }
0x2d: {  	[sflag:s21] =	ssyncset.done $0x0  }
0x2e: {  	s28 =	simm.s32 $0x80;
	[sflag:s21] =	ssyncadd.s32 $0xFFFFE000  }
0x2f: {  	[spmem:s4] =	stream.indirect.scatter.add.f32 [tilespmem:s19], [sflag:$0x4], $0x40, s28, s16, $0xb8;
	[tilespmem:$0x1D000] =	vst v63  }
0x30: {  	_ =	swait.ge [sflag:s22], $0x2000  }
0x31: {  	[sflag:s22] =	ssyncset.done $0x0  }
0x32: {  	s28 =	simm.s32 $0xC900;
	[sflag:s22] =	ssyncadd.s32 $0xFFFFE000  }
0x33: {  	[tilespmem:s17], [sflag:$0x1] =	stream.indirect.gather [spmem:s3], $0x40, s28, s16, $0xb8;
	[tilespmem:$0x1D000] =	vst v63  }
0x34: {  	_ =	swait.ge [sflag:s23], $0x2000  }
0x35: {  	[sflag:s23] =	ssyncset.done $0x0  }
0x36: {  	s29 =	simm.s32 $0xC980;
	s28 =	simm.s32 $0x400;
	[sflag:s23] =	ssyncadd.s32 $0xFFFFE000  }
.LBB2_2:
0x37: {  	[tilespmem:s19], [sflag:$0x2] =	stream.indirect.gather [spmem:s3], $0x40, s29, s16, $0xb8;
	[tilespmem:$0x1D000] =	vst v63  }
0x38: {  	s29 =	smov.u32 s28  }
0x39: {  	p0 =	sne.s32 s28, $0x9800;
	s28 =	sadd.s32 $0x400, s28;
	_ =	swait.ge [sflag:s20], $0x2000  }
0x3a: {  	[sflag:s20] =	ssyncset.done $0x0  }
0x3b: {  	s29 =	sshra.s32 s29, $0x2;
	[sflag:s20] =	ssyncadd.s32 $0xFFFFE000  }
0x3c: {  	[spmem:s4] =	stream.indirect.scatter.add.f32 [tilespmem:s17], [sflag:$0x3], $0x40, s29, s16, $0xb8;
	[tilespmem:$0x1D000] =	vst v63  }
0x3d: {  	_ =	swait.ge [sflag:s21], $0x2000  }
0x3e: {  	[sflag:s21] =	ssyncset.done $0x0  }
0x3f: {  	s30 =	sadd.s32 $0x80, s29;
	[sflag:s21] =	ssyncadd.s32 $0xFFFFE000  }
0x40: {  	[spmem:s4] =	stream.indirect.scatter.add.f32 [tilespmem:s19], [sflag:$0x4], $0x40, s30, s16, $0xb8;
	[tilespmem:$0x1D000] =	vst v63  }
0x41: {  	_ =	swait.ge [sflag:s22], $0x2000  }
0x42: {  	[sflag:s22] =	ssyncset.done $0x0  }
.Ltmp0:
0x43: {  	s30 =	sadd.s32 $0xC900, s29;
	[sflag:s22] =	ssyncadd.s32 $0xFFFFE000;
	(pc) =	sbr.rel @p0 .LBB2_2-.Ltmp0, $4  }
0x44: {  	[tilespmem:s17], [sflag:$0x1] =	stream.indirect.gather [spmem:s3], $0x40, s30, s16, $0xb8;
	[tilespmem:$0x1D000] =	vst v63  }
0x45: {  	_ =	swait.ge [sflag:s23], $0x2000  }
0x46: {  	[sflag:s23] =	ssyncset.done $0x0  }
0x47: {  	s29 =	sadd.s32 $0xC980, s29;
	[sflag:s23] =	ssyncadd.s32 $0xFFFFE000  }
0x48: {  	[tilespmem:s19], [sflag:$0x2] =	stream.indirect.gather [spmem:s3], $0x40, s29, s16, $0xb8;
	[tilespmem:$0x1D000] =	vst v63  }
0x49: {  	_ =	swait.ge [sflag:s20], $0x2000  }
0x4a: {  	[sflag:s20] =	ssyncset.done $0x0  }
0x4b: {  	[sflag:s20] =	ssyncadd.s32 $0xFFFFE000  }
0x4c: {  	[spmem:s4] =	stream.indirect.scatter.add.f32 [tilespmem:s17], [sflag:$0x3], $0x40, s24, s16, $0xb8;
	[tilespmem:$0x1D000] =	vst v63  }
0x4d: {  	_ =	swait.ge [sflag:s21], $0x2000  }
0x4e: {  	[sflag:s21] =	ssyncset.done $0x0  }
0x4f: {  	[sflag:s21] =	ssyncadd.s32 $0xFFFFE000  }
0x50: {  	[spmem:s4] =	stream.indirect.scatter.add.f32 [tilespmem:s19], [sflag:$0x4], $0x40, s25, s16, $0xb8;
	[tilespmem:$0x1D000] =	vst v63  }
0x51: {  	_ =	swait.ge [sflag:s22], $0x2000  }
0x52: {  	[sflag:s22] =	ssyncset.done $0x0  }
0x53: {  	[sflag:s22] =	ssyncadd.s32 $0xFFFFE000  }
0x54: {  	_ =	swait.ge [sflag:s23], $0x2000  }
0x55: {  	s26 =	sadd.s32 $0x1, s26;
	[sflag:s23] =	ssyncset.done $0x0  }
0x56: {  	p0 =	sne.s32 s26, s10;
	[sflag:s23] =	ssyncadd.s32 $0xFFFFE000  }
.Ltmp1:
0x57: {  	[bflag:$0x0] =	sbarrier.arrive $0xFFFF;
	(pc) =	sbr.rel @p0 .LBB2_1-.Ltmp1, $4  }
0x58: {  	[hbm:s9], [sflag:s13] =	dma.local [spmem:s15], $0x1400  }
0x59: {  	_ =	swait.ge [sflag:s11], $0x1400  }
0x5a: {  	[sflag:s11] =	ssyncset.done $0x0  }
0x5b: {  	[sflag:s11] =	ssyncadd.s32 $0xFFFFEC00  }
0x5c: {  	_ =	sfence.sel $0x180000  }
0x5d: {  	[bflag:$0x0] =	sbarrier.arrive $0xFFFF  }
0x5e: {  	p0 =	sne.s32 s2, $0x0;
	_ =	strace $0x9000004A  }
0x5f: {  	s0 =	sadd.s32 @!p0 $0x100000, s0;
	[bflag:$0x2] =	sbarrier.arrive $0xFFFF  }
0x60: {  	[sflag:s0] =	ssyncadd.tile.s32 @!p0 $0x1;
	_ =	shalt  }
.Lfunc_end2:
_tile_overlayer_lowered:
.L_overlay_start_2:
0x61: {  	(tag) =	ssettag $0x2  }
0x62: {  	s0 =	rddreg [dreg:$0x0];
	s2 =	stileid.u32  }
0x63: {  	s1 =	rddreg [dreg:$0x1];
	p0 =	sne.s32 s2, $0x0  }
0x64: {  	s3 =	rddreg [dreg:$0x2];
	[bflag:$0x3] =	sbarrier.arrive $0xFFFF;
	s2 =	simm.s32 @!p0 $0x1C05  }
0x65: {  	[timem:s3], [sflag:s2] =	dma.local @!p0 [hbm:s0], s1  }
0x66: {  	s0 =	simm.s32 @!p0 $0x5  }
0x67: {  	_ =	swait.ge @!p0 [sflag:s0], s1  }
0x68: {  	s1 =	ssub.s32 @!p0 $0x0, s1;
	[sflag:s0] =	ssyncset.done @!p0 $0x0  }
0x69: {  	[sflag:s0] =	ssyncadd.s32 @!p0 s1  }
0x6a: {  	[bflag:$0x3] =	sbarrier.arrive $0xFFFF  }
0x6b: {  	_ =	shalt  }

// kernel: kernel.16.cloned.1.call-start
scs
__scs_entry_jumppad:
0x0: {  	(pc) =	sbr.rel $0x88, $3  }
0x1: {  	(tag) =	ssettag $0x0;
	lr =	simm.s32 $0x1  }
0x2: {  	[smem:$0x3F99] =	sst lr;
	_ =	strace $0xD0000000  }
0x3: {  	_ = 	snop  }
0x4: {  	_ = 	snop  }
0x5: {  	_ = 	snop  }
0x6: {  	_ = 	snop  }
0x7: {  	_ = 	snop  }
__scs_overlays_trampoline_lowered:
0x8: {  	[smem:$0x3FA8] =	sst s0  }
0x9: {  	[smem:$0x3FA9] =	sst s1  }
0xa: {  	[smem:$0x3FAA] =	sst s2  }
0xb: {  	[smem:$0x3FAB] =	sst s3  }
0xc: {  	[smem:$0x3FAC] =	sst s4  }
0xd: {  	[smem:$0x3FAD] =	sst s5  }
0xe: {  	[smem:$0x3FAE] =	sst s6  }
0xf: {  	[smem:$0x3FAF] =	sst s7  }
0x10: {  	[smem:$0x3FB0] =	sst s8  }
0x11: {  	[smem:$0x3FB1] =	sst s9;
	s0 =	simm.s32 @!p0 $0x0  }
0x12: {  	s1 =	sld [smem:$0x3F97];
	s0 =	simm.s32 @p0 $0x1  }
0x13: {  	[smem:$0x3FB2] =	sst s0;
	s0 =	simm.s32 @!p1 $0x0  }
0x14: {  	s2 =	sld [smem:$0x3F96];
	s0 =	simm.s32 @p1 $0x1  }
0x15: {  	[smem:$0x3FB3] =	sst s0;
	s0 =	simm.s32 @!p2 $0x0  }
0x16: {  	s3 =	sld [smem:$0x3FDB];
	s0 =	simm.s32 @p2 $0x1  }
0x17: {  	s4 =	simm.s32 $0x1BF5;
	[smem:$0x3FB5] =	sst s0  }
0x18: {  	s0 =	sld [smem:$0x3F98];
	_ =	swait.ge [sflag:s4], $0x0  }
0x19: {  	s7 =	sld [smem:$0x3F99]  }
0x1a: {  	s8 =	sadd.s32 $0xFFFFE003, lr  }
0x1b: {  	s9 =	sadd.s32 $0xFFFFFEF7, lr;
	s5 =	simm.s32 $0xFFFFFFFF;
	p2 =	slt.u32 s8, $0xFFFFF086  }
0x1c: {  	p1 =	slt.u32 s9, $0xF7A;
	s5 =	simm.s32 @!p2 $0x0  }
0x1d: {  	s5 =	simm.s32 @p1 $0x1;
	p0 =	seq.s32 s7, s2  }
0x1e: {  	s7 =	smul.u32 @!p0 $0xF7A, s2;
	p2 =	seq.s32 @!p0 s5, $0x0  }
0x1f: {  	s9 =	smul.u32 $0xF7A, s1;
	s8 =	simm.s32 @!p0 $0x1BF5;
	p2 =	por !p2, p0  }
0x20: {  	[sflag:s8] =	ssyncset.s32 @!p0 $0xFFFFF086;
	s6 =	sadd.s32 @!p0 s3, s7;
	s7 =	simm.s32 @!p0 $0x108  }
0x21: {  	s3 =	sadd.s32 s3, s9;
	s6 =	sadd.s32 @!p0 $0x88, s6;
	s7 =	simm.s32 @p2 $0x1082  }
0x22: {  	[simem:s7], [sflag:s8] =	dma.local @!p0 [hbm:s6], $0xF7A  }
0x23: {  	s9 =	sor.u32 $0xD0000000, s2;
	s6 =	simm.s32 $0x108;
	_ =	swait.ge @!p0 [sflag:s8], $0x0  }
0x24: {  	s3 =	sadd.s32 $0x88, s3;
	s6 =	simm.s32 @!p1 $0x1082;
	[sflag:s4] =	ssyncset.s32 $0xFFFFF086  }
0x25: {  	[simem:s6], [sflag:s4] =	dma.local [hbm:s3], $0xF7A  }
0x26: {  	[smem:$0x3F99] =	sst s1;
	(tag) =	ssettag s2;
	_ =	strace s9  }
0x27: {  	s1 =	sld [smem:$0x3FA9]  }
0x28: {  	s2 =	sld [smem:$0x3FAA]  }
0x29: {  	s4 =	sld [smem:$0x3FAC]  }
0x2a: {  	p0 =	seq.s32 s5, $0x0;
	s5 =	sld [smem:$0x3FAD]  }
0x2b: {  	s6 =	sld [smem:$0x3FAE]  }
0x2c: {  	s7 =	sld [smem:$0x3FAF]  }
0x2d: {  	s3 =	simm.s32 $0x108;
	s8 =	sld [smem:$0x3FB0]  }
0x2e: {  	s3 =	simm.s32 @!p0 $0x1082;
	s9 =	sld [smem:$0x3FB1]  }
0x2f: {  	lr =	sadd.s32 s0, s3;
	s0 =	sld [smem:$0x3FA8]  }
0x30: {  	s3 =	sld [smem:$0x3FAB]  }
0x31: {  	[smem:$0x3FB4] =	sst s10  }
0x32: {  	s10 =	sld [smem:$0x3FB2];
	_ =	sdelay $0x3  }
0x33: {  	p0 =	seq.s32 s10, $0x1;
	s10 =	sld [smem:$0x3FB4];
	_ =	sdelay $0x3  }
0x34: {  	[smem:$0x3FB4] =	sst s10  }
0x35: {  	s10 =	sld [smem:$0x3FB3];
	_ =	sdelay $0x3  }
0x36: {  	p1 =	seq.s32 s10, $0x1;
	s10 =	sld [smem:$0x3FB4];
	_ =	sdelay $0x3  }
0x37: {  	[smem:$0x3FB4] =	sst s10  }
0x38: {  	s10 =	sld [smem:$0x3FB5]  }
0x39: {  	_ = 	snop;
	(pc) =	sbr.ind lr, $3  }
0x3a: {  	_ = 	snop  }
0x3b: {  	_ = 	snop  }
0x3c: {  	p2 =	seq.s32 s10, $0x1;
	s10 =	sld [smem:$0x3FB4]  }
0x3d: {  	_ =	shalt  }
0x3e: {  	_ =	shalt  }
0x3f: {  	_ =	shalt  }
0x40: {  	_ =	shalt  }
0x41: {  	_ =	shalt  }
0x42: {  	_ =	shalt  }
0x43: {  	_ =	shalt  }
0x44: {  	_ =	shalt  }
0x45: {  	_ =	shalt  }
0x46: {  	_ =	shalt  }
0x47: {  	_ =	shalt  }
0x48: {  	_ =	shalt  }
0x49: {  	_ =	shalt  }
0x4a: {  	_ =	shalt  }
0x4b: {  	_ =	shalt  }
0x4c: {  	_ =	shalt  }
0x4d: {  	_ =	shalt  }
0x4e: {  	_ =	shalt  }
0x4f: {  	_ =	shalt  }
0x50: {  	_ =	shalt  }
0x51: {  	_ =	shalt  }
0x52: {  	_ =	shalt  }
0x53: {  	_ =	shalt  }
0x54: {  	_ =	shalt  }
0x55: {  	_ =	shalt  }
0x56: {  	_ =	shalt  }
0x57: {  	_ =	shalt  }
0x58: {  	_ =	shalt  }
0x59: {  	_ =	shalt  }
0x5a: {  	_ =	shalt  }
0x5b: {  	_ =	shalt  }
0x5c: {  	_ =	shalt  }
0x5d: {  	_ =	shalt  }
0x5e: {  	_ =	shalt  }
0x5f: {  	_ =	shalt  }
0x60: {  	_ =	shalt  }
0x61: {  	_ =	shalt  }
0x62: {  	_ =	shalt  }
0x63: {  	_ =	shalt  }
0x64: {  	_ =	shalt  }
0x65: {  	_ =	shalt  }
0x66: {  	_ =	shalt  }
0x67: {  	_ =	shalt  }
0x68: {  	_ =	shalt  }
0x69: {  	_ =	shalt  }
0x6a: {  	_ =	shalt  }
0x6b: {  	_ =	shalt  }
0x6c: {  	_ =	shalt  }
0x6d: {  	_ =	shalt  }
0x6e: {  	_ =	shalt  }
0x6f: {  	_ =	shalt  }
0x70: {  	_ =	shalt  }
0x71: {  	_ =	shalt  }
0x72: {  	_ =	shalt  }
0x73: {  	_ =	shalt  }
0x74: {  	_ =	shalt  }
0x75: {  	_ =	shalt  }
0x76: {  	_ =	shalt  }
0x77: {  	_ =	shalt  }
0x78: {  	_ =	shalt  }
0x79: {  	_ =	shalt  }
0x7a: {  	_ =	shalt  }
0x7b: {  	_ =	shalt  }
0x7c: {  	_ =	shalt  }
0x7d: {  	_ =	shalt  }
0x7e: {  	_ =	shalt  }
0x7f: {  	_ =	shalt  }
0x80: {  	_ =	shalt  }
0x81: {  	_ =	shalt  }
0x82: {  	_ =	shalt  }
0x83: {  	_ =	shalt  }
0x84: {  	_ =	shalt  }
0x85: {  	_ =	shalt  }
0x86: {  	_ =	shalt  }
0x87: {  	_ =	shalt  }
.Lfunc_end0:
.L_simem_size_0:
called_computation.2_lowered:
.L_overlay_start_0:
0x88: {  	s2 =	sld [smem:$0x3FD9]  }
0x89: {  	s3 =	sld [smem:$0x3FFE];
	_ =	sdelay $0x1  }
0x8a: {  	s1 =	srdreg.scid  }
0x8b: {  	s0 =	sand.u32 $0x1, s1  }
0x8c: {  	s17 =	sshll.u32 s0, $0xA;
	s2 =	sadd.s32 s3, s2  }
0x8d: {  	s2 =	sadd.s32 s2, s17  }
0x8e: {  	[smem:$0x3FC0] =	sst s2  }
0x8f: {  	_ = 	snop  }
0x90: {  	s2 =	sld [smem:$0x3FD0];
	(tm) =	ssettm $0x1  }
0x91: {  	s18 =	sld [smem:$0x3FFB];
	_ =	sdelay $0x3  }
0x92: {  	_ =	strace s18  }
0x93: {  	s3 =	sld [smem:$0x3FFC];
	_ =	sdelay $0x3  }
0x94: {  	_ =	strace s3  }
0x95: {  	s3 =	sld [smem:$0x3FFD];
	_ =	sdelay $0x3  }
0x96: {  	_ =	strace s3  }
0x97: {  	_ =	strace $0x8FFFFFFF  }
0x98: {  	s19 =	sld [smem:$0x3FDB];
	_ =	sdelay $0x1  }
0x99: {  	s4 =	simm.s32 $_scs_section_size  }
0x9a: {  	s5 =	simm.s32 $_size__tile_overlayer_lowered;
	s6 =	simm.s32 $_tile_overlayer_lowered  }
0x9b: {  	s22 =	simm.s32 $0x1BFF;
	s21 =	sshll.u32 s6, $0x1;
	s3 =	sadd.s32 s4, s19  }
0x9c: {  	s7 =	simm.s32 $0x0;
	s20 =	sshll.u32 s5, $0x1;
	s5 =	sadd.s32 s21, s3  }
0x9d: {  	[timem:s7], [sflag:s22] =	dma.local [hbm:s5], s20  }
0x9e: {  	_ =	swait.ge [sflag:s22], s20  }
0x9f: {  	s4 =	ssub.s32 $0x0, s20;
	[sflag:s22] =	ssyncset.done $0x0  }
0xa0: {  	[sflag:s22] =	ssyncadd.s32 s4;
	_ =	sdelay $0x1  }
0xa1: {  	s23 =	simm.s32 $0x1B8B  }
0xa2: {  	_ =	swait.ge [sflag:s23], $0x1  }
0xa3: {  	[sflag:s23] =	ssyncset.done $0x0  }
0xa4: {  	s25 =	simm.s32 $0x1B8E;
	s24 =	sld [smem:$0x3FFE];
	[sflag:s23] =	ssyncadd.s32 $0xFFFFFFFF  }
0xa5: {  	s26 =	simm.s32 $execute0_lowered;
	[smem:$0x3FD2] =	sst s25  }
0xa6: {  	s5 =	sshll.u32 s26, $0x1;
	_ =	strace $0x8000004C;
	[dreg:$0x1] =	wrdreg $0xFFFFFFFF  }
0xa7: {  	s28 =	simm.s32 $_size_execute0_lowered;
	s3 =	sadd.s32 s3, s5;
	[dreg:$0x0] =	wrdreg $0x0  }
0xa8: {  	s5 =	sshll.u32 s28, $0x1;
	[dreg:$0x2] =	wrdreg s3  }
0xa9: {  	[dreg:$0x3] =	wrdreg s5  }
0xaa: {  	[dreg:$0x4] =	wrdreg $0xC0  }
0xab: {  	_ =	task [dreg:s7], $0x5FFFF  }
0xac: {  	[dreg:$0x1] =	wrdreg $0xFFFFFFFF  }
0xad: {  	[dreg:$0x0] =	wrdreg $0x60  }
0xae: {  	[dreg:$0x2] =	wrdreg s24  }
0xaf: {  	[dreg:$0x3] =	wrdreg s2  }
0xb0: {  	[dreg:$0x4] =	wrdreg $0xF0000  }
0xb1: {  	[dreg:$0x5] =	wrdreg $0x28000  }
0xb2: {  	[dreg:$0x6] =	wrdreg $0x9  }
0xb3: {  	_ =	task.clear_ibuf [dreg:s7], $0x7FFFF;
	_ =	strace $0x9000004C  }
0xb4: {  	s29 =	simm.s32 $0x9;
	_ =	strace $0x8000004E  }
0xb5: {  	_ =	swait.ge [sflag:s29], $0x1  }
0xb6: {  	[sflag:s29] =	ssyncadd.s32 $0xFFFFFFFF  }
0xb7: {  	_ =	strace $0x9000004E  }
0xb8: {  	_ =	sfence  }
0xb9: {  	s30 =	sld [smem:$0x0];
	_ =	sdelay $0x2  }
0xba: {  	s31 =	sshll.u32 s1, $0xD;
	s1 =	sshrl.u32 s1, $0x2  }
0xbb: {  	s3 =	sand.u32 $0x4000, s31;
	s1 =	sadd.s32 s1, s30  }
0xbc: {  	s0 =	sor.u32 s3, s0;
	s1 =	sshll.u32 s1, $0x11  }
0xbd: {  	s0 =	sor.u32 s1, s0  }
0xbe: {  	s0 =	sadd.s32 $0x8F2B, s0  }
0xbf: {  	[sflag:s0] =	ssyncadd.remote.s32 $0x1  }
0xc0: {  	_ =	sfence.sel $0xFFFF  }
0xc1: {  	[dreg:$0x0] =	wrdreg $0xFFFFFFFF;
	(pc) =	sbr.abs _section_cstart, $3  }
0xc2: {  	[dreg:$0x1] =	wrdreg $0xFFFFFFFF  }
0xc3: {  	_ =	task.clear_ibuf [dreg:s7], $0x2FFFF;
	_ =	strace $0x9FFFFFFF  }
0xc4: {  	(tm) =	ssettm $0x7FFFFFFF  }
0xc5: {  	_ =	shalt  }
tec
execute0_lowered:
.L_overlay_start_1:
0x0: {  	(tag) =	ssettag $0x1  }
0x1: {  	s6 =	rddreg [dreg:$0x0]  }
0x2: {  	s1 =	rddreg [dreg:$0x1]  }
0x3: {  	s3 =	rddreg [dreg:$0x2]  }
0x4: {  	s4 =	rddreg [dreg:$0x3];
	s5 =	srdreg.scid  }
0x5: {  	s0 =	rddreg [dreg:$0x4];
	s2 =	stileid.u32;
	s16 =	simm.s32 $0x80  }
0x6: {  	s17 =	simm.s32 $0x19000;
	s18 =	simm.s32 $0xC880;
	s19 =	simm.s32 $0x1B000  }
0x7: {  	s20 =	simm.s32 $0x1;
	s21 =	simm.s32 $0x2;
	s22 =	simm.s32 $0x3  }
0x8: {  	s23 =	simm.s32 $0x4;
	s24 =	simm.s32 $0x2700;
	s25 =	simm.s32 $0x2780  }
0x9: {  	s26 =	simm.s32 $0x0;
	s7 =	sand.u32 $0x1, s5;
	s5 =	simm.s32 $0x0  }
0xa: {  	s9 =	smul.u32 $0xA000, s2;
	s13 =	sshll.u32 s2, $0x6;
	s8 =	sshll.u32 s7, $0x4  }
0xb: {  	[smem:$0x7FF] =	sst s5;
	s10 =	smul.u32 $0xA0000, s7;
	s7 =	ssub.s32 $0x2, s7  }
0xc: {  	s13 =	sor.u32 $0x1C05, s13;
	s8 =	sor.u32 s2, s8;
	_ =	strace $0x8000004D  }
0xd: {  	s11 =	sshrl.u32 s9, $0x3;
	s12 =	sshrl.u32 s7, $0x1;
	s14 =	sadd.s32 s9, s3  }
0xe: {  	s15 =	sadd.s32 s9, s4;
	s8 =	smul.u32 $0x2800, s8;
	s10 =	sadd.s32 s9, s10  }
0xf: {  	s11 =	sadd.s32 s11, s6;
	s12 =	ssub.s32 s7, s12;
	s10 =	sshrl.u32 s10, $0x3  }
0x10: {  	s14 =	sshrl.u32 s14, $0x3;
	s8 =	sshrl.u32 s8, $0x3;
	s10 =	sadd.s32 s10, s6  }
0x11: {  	s15 =	sshrl.u32 s15, $0x3;
	s8 =	sadd.s32 s8, s6;
	s9 =	sadd.s32 $0x53A00, s10  }
0x12: {  	s10 =	smax.u32 s12, $0x1;
	s12 =	simm.s32 $0xC800;
	s6 =	sadd.s32 $0xD400, s8  }
0x13: {  	s7 =	sadd.s32 $0x3400, s8;
	s8 =	sadd.s32 $0x3FA00, s11;
	s11 =	simm.s32 $0x5  }
.LBB2_1:
0x14: {  	[tilespmem:s5], [sflag:$0x5] =	stream.linear.gather [hbm4b:s6+s5], $0x2800, $0x38;
	[tilespmem:$0x1D000] =	vst v63  }
0x15: {  	_ =	swait.ge [sflag:s11], $0x2800  }
0x16: {  	[sflag:s11] =	ssyncset.done $0x0  }
0x17: {  	[sflag:s11] =	ssyncadd.s32 $0xFFFFD800  }
0x18: {  	[tilespmem:s12], [sflag:$0x5] =	stream.linear.gather [hbm4b:s7+s5], $0x2800, $0x38;
	[tilespmem:$0x1D000] =	vst v63  }
0x19: {  	_ =	swait.ge [sflag:s11], $0x2800  }
0x1a: {  	[sflag:s11] =	ssyncset.done $0x0  }
0x1b: {  	[sflag:s11] =	ssyncadd.s32 $0xFFFFD800  }
0x1c: {  	[spmem:s14], [sflag:s13] =	dma.local [hbm:s8], $0x1400  }
0x1d: {  	_ =	swait.ge [sflag:s11], $0x1400  }
0x1e: {  	[sflag:s11] =	ssyncset.done $0x0  }
0x1f: {  	[sflag:s11] =	ssyncadd.s32 $0xFFFFEC00  }
0x20: {  	[spmem:s15], [sflag:s13] =	dma.local [hbm:s1], $0x1400  }
0x21: {  	_ =	swait.ge [sflag:s11], $0x1400  }
0x22: {  	[sflag:s11] =	ssyncset.done $0x0  }
0x23: {  	[sflag:s11] =	ssyncadd.s32 $0xFFFFEC00  }
0x24: {  	[bflag:$0x0] =	sbarrier.arrive $0xFFFF  }
0x25: {  	[tilespmem:s17], [sflag:$0x1] =	stream.indirect.gather [spmem:s3], $0x40, s12, s16, $0xb8;
	[tilespmem:$0x1D000] =	vst v63  }
0x26: {  	_ = 	snop  }
0x27: {  	[tilespmem:s19], [sflag:$0x2] =	stream.indirect.gather [spmem:s3], $0x40, s18, s16, $0xb8;
	[tilespmem:$0x1D000] =	vst v63  }
0x28: {  	_ =	swait.ge [sflag:s20], $0x2000  }
0x29: {  	[sflag:s20] =	ssyncset.done $0x0  }
0x2a: {  	s28 =	simm.s32 $0x0;
	[sflag:s20] =	ssyncadd.s32 $0xFFFFE000  }
0x2b: {  	[spmem:s4] =	stream.indirect.scatter.add.f32 [tilespmem:s17], [sflag:$0x3], $0x40, s28, s16, $0xb8;
	[tilespmem:$0x1D000] =	vst v63  }
0x2c: {  	_ =	swait.ge [sflag:s21], $0x2000  }
0x2d: {  	[sflag:s21] =	ssyncset.done $0x0  }
0x2e: {  	s28 =	simm.s32 $0x80;
	[sflag:s21] =	ssyncadd.s32 $0xFFFFE000  }
0x2f: {  	[spmem:s4] =	stream.indirect.scatter.add.f32 [tilespmem:s19], [sflag:$0x4], $0x40, s28, s16, $0xb8;
	[tilespmem:$0x1D000] =	vst v63  }
0x30: {  	_ =	swait.ge [sflag:s22], $0x2000  }
0x31: {  	[sflag:s22] =	ssyncset.done $0x0  }
0x32: {  	s28 =	simm.s32 $0xC900;
	[sflag:s22] =	ssyncadd.s32 $0xFFFFE000  }
0x33: {  	[tilespmem:s17], [sflag:$0x1] =	stream.indirect.gather [spmem:s3], $0x40, s28, s16, $0xb8;
	[tilespmem:$0x1D000] =	vst v63  }
0x34: {  	_ =	swait.ge [sflag:s23], $0x2000  }
0x35: {  	[sflag:s23] =	ssyncset.done $0x0  }
0x36: {  	s29 =	simm.s32 $0xC980;
	s28 =	simm.s32 $0x400;
	[sflag:s23] =	ssyncadd.s32 $0xFFFFE000  }
.LBB2_2:
0x37: {  	[tilespmem:s19], [sflag:$0x2] =	stream.indirect.gather [spmem:s3], $0x40, s29, s16, $0xb8;
	[tilespmem:$0x1D000] =	vst v63  }
0x38: {  	s29 =	smov.u32 s28  }
0x39: {  	p0 =	sne.s32 s28, $0x9800;
	s28 =	sadd.s32 $0x400, s28;
	_ =	swait.ge [sflag:s20], $0x2000  }
0x3a: {  	[sflag:s20] =	ssyncset.done $0x0  }
0x3b: {  	s29 =	sshra.s32 s29, $0x2;
	[sflag:s20] =	ssyncadd.s32 $0xFFFFE000  }
0x3c: {  	[spmem:s4] =	stream.indirect.scatter.add.f32 [tilespmem:s17], [sflag:$0x3], $0x40, s29, s16, $0xb8;
	[tilespmem:$0x1D000] =	vst v63  }
0x3d: {  	_ =	swait.ge [sflag:s21], $0x2000  }
0x3e: {  	[sflag:s21] =	ssyncset.done $0x0  }
0x3f: {  	s30 =	sadd.s32 $0x80, s29;
	[sflag:s21] =	ssyncadd.s32 $0xFFFFE000  }
0x40: {  	[spmem:s4] =	stream.indirect.scatter.add.f32 [tilespmem:s19], [sflag:$0x4], $0x40, s30, s16, $0xb8;
	[tilespmem:$0x1D000] =	vst v63  }
0x41: {  	_ =	swait.ge [sflag:s22], $0x2000  }
0x42: {  	[sflag:s22] =	ssyncset.done $0x0  }
.Ltmp0:
0x43: {  	s30 =	sadd.s32 $0xC900, s29;
	[sflag:s22] =	ssyncadd.s32 $0xFFFFE000;
	(pc) =	sbr.rel @p0 .LBB2_2-.Ltmp0, $4  }
0x44: {  	[tilespmem:s17], [sflag:$0x1] =	stream.indirect.gather [spmem:s3], $0x40, s30, s16, $0xb8;
	[tilespmem:$0x1D000] =	vst v63  }
0x45: {  	_ =	swait.ge [sflag:s23], $0x2000  }
0x46: {  	[sflag:s23] =	ssyncset.done $0x0  }
0x47: {  	s29 =	sadd.s32 $0xC980, s29;
	[sflag:s23] =	ssyncadd.s32 $0xFFFFE000  }
0x48: {  	[tilespmem:s19], [sflag:$0x2] =	stream.indirect.gather [spmem:s3], $0x40, s29, s16, $0xb8;
	[tilespmem:$0x1D000] =	vst v63  }
0x49: {  	_ =	swait.ge [sflag:s20], $0x2000  }
0x4a: {  	[sflag:s20] =	ssyncset.done $0x0  }
0x4b: {  	[sflag:s20] =	ssyncadd.s32 $0xFFFFE000  }
0x4c: {  	[spmem:s4] =	stream.indirect.scatter.add.f32 [tilespmem:s17], [sflag:$0x3], $0x40, s24, s16, $0xb8;
	[tilespmem:$0x1D000] =	vst v63  }
0x4d: {  	_ =	swait.ge [sflag:s21], $0x2000  }
0x4e: {  	[sflag:s21] =	ssyncset.done $0x0  }
0x4f: {  	[sflag:s21] =	ssyncadd.s32 $0xFFFFE000  }
0x50: {  	[spmem:s4] =	stream.indirect.scatter.add.f32 [tilespmem:s19], [sflag:$0x4], $0x40, s25, s16, $0xb8;
	[tilespmem:$0x1D000] =	vst v63  }
0x51: {  	_ =	swait.ge [sflag:s22], $0x2000  }
0x52: {  	[sflag:s22] =	ssyncset.done $0x0  }
0x53: {  	[sflag:s22] =	ssyncadd.s32 $0xFFFFE000  }
0x54: {  	_ =	swait.ge [sflag:s23], $0x2000  }
0x55: {  	s26 =	sadd.s32 $0x1, s26;
	[sflag:s23] =	ssyncset.done $0x0  }
0x56: {  	p0 =	sne.s32 s26, s10;
	[sflag:s23] =	ssyncadd.s32 $0xFFFFE000  }
.Ltmp1:
0x57: {  	[bflag:$0x0] =	sbarrier.arrive $0xFFFF;
	(pc) =	sbr.rel @p0 .LBB2_1-.Ltmp1, $4  }
0x58: {  	[hbm:s9], [sflag:s13] =	dma.local [spmem:s15], $0x1400  }
0x59: {  	_ =	swait.ge [sflag:s11], $0x1400  }
0x5a: {  	[sflag:s11] =	ssyncset.done $0x0  }
0x5b: {  	[sflag:s11] =	ssyncadd.s32 $0xFFFFEC00  }
0x5c: {  	_ =	sfence.sel $0x180000  }
0x5d: {  	[bflag:$0x0] =	sbarrier.arrive $0xFFFF  }
0x5e: {  	p0 =	sne.s32 s2, $0x0;
	_ =	strace $0x9000004D  }
0x5f: {  	s0 =	sadd.s32 @!p0 $0x100000, s0;
	[bflag:$0x2] =	sbarrier.arrive $0xFFFF  }
0x60: {  	[sflag:s0] =	ssyncadd.tile.s32 @!p0 $0x1;
	_ =	shalt  }
.Lfunc_end2:
_tile_overlayer_lowered:
.L_overlay_start_2:
0x61: {  	(tag) =	ssettag $0x2  }
0x62: {  	s0 =	rddreg [dreg:$0x0];
	s2 =	stileid.u32  }
0x63: {  	s1 =	rddreg [dreg:$0x1];
	p0 =	sne.s32 s2, $0x0  }
0x64: {  	s3 =	rddreg [dreg:$0x2];
	[bflag:$0x3] =	sbarrier.arrive $0xFFFF;
	s2 =	simm.s32 @!p0 $0x1C05  }
0x65: {  	[timem:s3], [sflag:s2] =	dma.local @!p0 [hbm:s0], s1  }
0x66: {  	s0 =	simm.s32 @!p0 $0x5  }
0x67: {  	_ =	swait.ge @!p0 [sflag:s0], s1  }
0x68: {  	s1 =	ssub.s32 @!p0 $0x0, s1;
	[sflag:s0] =	ssyncset.done @!p0 $0x0  }
0x69: {  	[sflag:s0] =	ssyncadd.s32 @!p0 s1  }
0x6a: {  	[bflag:$0x3] =	sbarrier.arrive $0xFFFF  }
0x6b: {  	_ =	shalt  }

// kernel: kernel.19.cloned.1.call-start
scs
__scs_entry_jumppad:
0x0: {  	(pc) =	sbr.rel $0x88, $3  }
0x1: {  	(tag) =	ssettag $0x0;
	lr =	simm.s32 $0x1  }
0x2: {  	[smem:$0x3F99] =	sst lr;
	_ =	strace $0xD0000000  }
0x3: {  	_ = 	snop  }
0x4: {  	_ = 	snop  }
0x5: {  	_ = 	snop  }
0x6: {  	_ = 	snop  }
0x7: {  	_ = 	snop  }
__scs_overlays_trampoline_lowered:
0x8: {  	[smem:$0x3FA8] =	sst s0  }
0x9: {  	[smem:$0x3FA9] =	sst s1  }
0xa: {  	[smem:$0x3FAA] =	sst s2  }
0xb: {  	[smem:$0x3FAB] =	sst s3  }
0xc: {  	[smem:$0x3FAC] =	sst s4  }
0xd: {  	[smem:$0x3FAD] =	sst s5  }
0xe: {  	[smem:$0x3FAE] =	sst s6  }
0xf: {  	[smem:$0x3FAF] =	sst s7  }
0x10: {  	[smem:$0x3FB0] =	sst s8  }
0x11: {  	[smem:$0x3FB1] =	sst s9;
	s0 =	simm.s32 @!p0 $0x0  }
0x12: {  	s1 =	sld [smem:$0x3F97];
	s0 =	simm.s32 @p0 $0x1  }
0x13: {  	[smem:$0x3FB2] =	sst s0;
	s0 =	simm.s32 @!p1 $0x0  }
0x14: {  	s2 =	sld [smem:$0x3F96];
	s0 =	simm.s32 @p1 $0x1  }
0x15: {  	[smem:$0x3FB3] =	sst s0;
	s0 =	simm.s32 @!p2 $0x0  }
0x16: {  	s3 =	sld [smem:$0x3FDB];
	s0 =	simm.s32 @p2 $0x1  }
0x17: {  	s4 =	simm.s32 $0x1BF5;
	[smem:$0x3FB5] =	sst s0  }
0x18: {  	s0 =	sld [smem:$0x3F98];
	_ =	swait.ge [sflag:s4], $0x0  }
0x19: {  	s7 =	sld [smem:$0x3F99]  }
0x1a: {  	s8 =	sadd.s32 $0xFFFFE003, lr  }
0x1b: {  	s9 =	sadd.s32 $0xFFFFFEF7, lr;
	s5 =	simm.s32 $0xFFFFFFFF;
	p2 =	slt.u32 s8, $0xFFFFF086  }
0x1c: {  	p1 =	slt.u32 s9, $0xF7A;
	s5 =	simm.s32 @!p2 $0x0  }
0x1d: {  	s5 =	simm.s32 @p1 $0x1;
	p0 =	seq.s32 s7, s2  }
0x1e: {  	s7 =	smul.u32 @!p0 $0xF7A, s2;
	p2 =	seq.s32 @!p0 s5, $0x0  }
0x1f: {  	s9 =	smul.u32 $0xF7A, s1;
	s8 =	simm.s32 @!p0 $0x1BF5;
	p2 =	por !p2, p0  }
0x20: {  	[sflag:s8] =	ssyncset.s32 @!p0 $0xFFFFF086;
	s6 =	sadd.s32 @!p0 s3, s7;
	s7 =	simm.s32 @!p0 $0x108  }
0x21: {  	s3 =	sadd.s32 s3, s9;
	s6 =	sadd.s32 @!p0 $0x88, s6;
	s7 =	simm.s32 @p2 $0x1082  }
0x22: {  	[simem:s7], [sflag:s8] =	dma.local @!p0 [hbm:s6], $0xF7A  }
0x23: {  	s9 =	sor.u32 $0xD0000000, s2;
	s6 =	simm.s32 $0x108;
	_ =	swait.ge @!p0 [sflag:s8], $0x0  }
0x24: {  	s3 =	sadd.s32 $0x88, s3;
	s6 =	simm.s32 @!p1 $0x1082;
	[sflag:s4] =	ssyncset.s32 $0xFFFFF086  }
0x25: {  	[simem:s6], [sflag:s4] =	dma.local [hbm:s3], $0xF7A  }
0x26: {  	[smem:$0x3F99] =	sst s1;
	(tag) =	ssettag s2;
	_ =	strace s9  }
0x27: {  	s1 =	sld [smem:$0x3FA9]  }
0x28: {  	s2 =	sld [smem:$0x3FAA]  }
0x29: {  	s4 =	sld [smem:$0x3FAC]  }
0x2a: {  	p0 =	seq.s32 s5, $0x0;
	s5 =	sld [smem:$0x3FAD]  }
0x2b: {  	s6 =	sld [smem:$0x3FAE]  }
0x2c: {  	s7 =	sld [smem:$0x3FAF]  }
0x2d: {  	s3 =	simm.s32 $0x108;
	s8 =	sld [smem:$0x3FB0]  }
0x2e: {  	s3 =	simm.s32 @!p0 $0x1082;
	s9 =	sld [smem:$0x3FB1]  }
0x2f: {  	lr =	sadd.s32 s0, s3;
	s0 =	sld [smem:$0x3FA8]  }
0x30: {  	s3 =	sld [smem:$0x3FAB]  }
0x31: {  	[smem:$0x3FB4] =	sst s10  }
0x32: {  	s10 =	sld [smem:$0x3FB2];
	_ =	sdelay $0x3  }
0x33: {  	p0 =	seq.s32 s10, $0x1;
	s10 =	sld [smem:$0x3FB4];
	_ =	sdelay $0x3  }
0x34: {  	[smem:$0x3FB4] =	sst s10  }
0x35: {  	s10 =	sld [smem:$0x3FB3];
	_ =	sdelay $0x3  }
0x36: {  	p1 =	seq.s32 s10, $0x1;
	s10 =	sld [smem:$0x3FB4];
	_ =	sdelay $0x3  }
0x37: {  	[smem:$0x3FB4] =	sst s10  }
0x38: {  	s10 =	sld [smem:$0x3FB5]  }
0x39: {  	_ = 	snop;
	(pc) =	sbr.ind lr, $3  }
0x3a: {  	_ = 	snop  }
0x3b: {  	_ = 	snop  }
0x3c: {  	p2 =	seq.s32 s10, $0x1;
	s10 =	sld [smem:$0x3FB4]  }
0x3d: {  	_ =	shalt  }
0x3e: {  	_ =	shalt  }
0x3f: {  	_ =	shalt  }
0x40: {  	_ =	shalt  }
0x41: {  	_ =	shalt  }
0x42: {  	_ =	shalt  }
0x43: {  	_ =	shalt  }
0x44: {  	_ =	shalt  }
0x45: {  	_ =	shalt  }
0x46: {  	_ =	shalt  }
0x47: {  	_ =	shalt  }
0x48: {  	_ =	shalt  }
0x49: {  	_ =	shalt  }
0x4a: {  	_ =	shalt  }
0x4b: {  	_ =	shalt  }
0x4c: {  	_ =	shalt  }
0x4d: {  	_ =	shalt  }
0x4e: {  	_ =	shalt  }
0x4f: {  	_ =	shalt  }
0x50: {  	_ =	shalt  }
0x51: {  	_ =	shalt  }
0x52: {  	_ =	shalt  }
0x53: {  	_ =	shalt  }
0x54: {  	_ =	shalt  }
0x55: {  	_ =	shalt  }
0x56: {  	_ =	shalt  }
0x57: {  	_ =	shalt  }
0x58: {  	_ =	shalt  }
0x59: {  	_ =	shalt  }
0x5a: {  	_ =	shalt  }
0x5b: {  	_ =	shalt  }
0x5c: {  	_ =	shalt  }
0x5d: {  	_ =	shalt  }
0x5e: {  	_ =	shalt  }
0x5f: {  	_ =	shalt  }
0x60: {  	_ =	shalt  }
0x61: {  	_ =	shalt  }
0x62: {  	_ =	shalt  }
0x63: {  	_ =	shalt  }
0x64: {  	_ =	shalt  }
0x65: {  	_ =	shalt  }
0x66: {  	_ =	shalt  }
0x67: {  	_ =	shalt  }
0x68: {  	_ =	shalt  }
0x69: {  	_ =	shalt  }
0x6a: {  	_ =	shalt  }
0x6b: {  	_ =	shalt  }
0x6c: {  	_ =	shalt  }
0x6d: {  	_ =	shalt  }
0x6e: {  	_ =	shalt  }
0x6f: {  	_ =	shalt  }
0x70: {  	_ =	shalt  }
0x71: {  	_ =	shalt  }
0x72: {  	_ =	shalt  }
0x73: {  	_ =	shalt  }
0x74: {  	_ =	shalt  }
0x75: {  	_ =	shalt  }
0x76: {  	_ =	shalt  }
0x77: {  	_ =	shalt  }
0x78: {  	_ =	shalt  }
0x79: {  	_ =	shalt  }
0x7a: {  	_ =	shalt  }
0x7b: {  	_ =	shalt  }
0x7c: {  	_ =	shalt  }
0x7d: {  	_ =	shalt  }
0x7e: {  	_ =	shalt  }
0x7f: {  	_ =	shalt  }
0x80: {  	_ =	shalt  }
0x81: {  	_ =	shalt  }
0x82: {  	_ =	shalt  }
0x83: {  	_ =	shalt  }
0x84: {  	_ =	shalt  }
0x85: {  	_ =	shalt  }
0x86: {  	_ =	shalt  }
0x87: {  	_ =	shalt  }
.Lfunc_end0:
.L_simem_size_0:
called_computation.3_lowered:
.L_overlay_start_0:
0x88: {  	s2 =	sld [smem:$0x3FD9]  }
0x89: {  	s3 =	sld [smem:$0x3FFE];
	_ =	sdelay $0x1  }
0x8a: {  	s1 =	srdreg.scid  }
0x8b: {  	s0 =	sand.u32 $0x1, s1  }
0x8c: {  	s16 =	sshll.u32 s0, $0xA;
	s2 =	sadd.s32 s3, s2  }
0x8d: {  	s2 =	sadd.s32 s2, s16  }
0x8e: {  	[smem:$0x3FC0] =	sst s2  }
0x8f: {  	_ = 	snop  }
0x90: {  	(tm) =	ssettm $0x1  }
0x91: {  	s17 =	sld [smem:$0x3FFB];
	_ =	sdelay $0x3  }
0x92: {  	_ =	strace s17  }
0x93: {  	s2 =	sld [smem:$0x3FFC];
	_ =	sdelay $0x3  }
0x94: {  	_ =	strace s2  }
0x95: {  	s2 =	sld [smem:$0x3FFD];
	_ =	sdelay $0x3  }
0x96: {  	_ =	strace s2  }
0x97: {  	_ =	strace $0x8FFFFFFF  }
0x98: {  	s18 =	sld [smem:$0x3FDB];
	_ =	sdelay $0x1  }
0x99: {  	s19 =	simm.s32 $_scs_section_size  }
0x9a: {  	s4 =	simm.s32 $_size__tile_overlayer_lowered;
	s5 =	simm.s32 $_tile_overlayer_lowered  }
0x9b: {  	s22 =	simm.s32 $0x1BFF;
	s21 =	sshll.u32 s5, $0x1;
	s2 =	sadd.s32 s19, s18  }
0x9c: {  	s6 =	simm.s32 $0x0;
	s20 =	sshll.u32 s4, $0x1;
	s4 =	sadd.s32 s21, s2  }
0x9d: {  	[timem:s6], [sflag:s22] =	dma.local [hbm:s4], s20  }
0x9e: {  	_ =	swait.ge [sflag:s22], s20  }
0x9f: {  	s3 =	ssub.s32 $0x0, s20;
	[sflag:s22] =	ssyncset.done $0x0  }
0xa0: {  	[sflag:s22] =	ssyncadd.s32 s3;
	_ =	sdelay $0x1  }
0xa1: {  	s23 =	simm.s32 $0x1B8B  }
0xa2: {  	_ =	swait.ge [sflag:s23], $0x1  }
0xa3: {  	[sflag:s23] =	ssyncset.done $0x0  }
0xa4: {  	s25 =	simm.s32 $0x1B8E;
	s24 =	sld [smem:$0x3FFE];
	[sflag:s23] =	ssyncadd.s32 $0xFFFFFFFF  }
0xa5: {  	s26 =	simm.s32 $execute0_lowered;
	[smem:$0x3FD2] =	sst s25  }
0xa6: {  	s4 =	sshll.u32 s26, $0x1;
	_ =	strace $0x8000004F;
	[dreg:$0x1] =	wrdreg $0xFFFFFFFF  }
0xa7: {  	s28 =	simm.s32 $_size_execute0_lowered;
	s2 =	sadd.s32 s2, s4;
	[dreg:$0x0] =	wrdreg $0x0  }
0xa8: {  	s4 =	sshll.u32 s28, $0x1;
	[dreg:$0x2] =	wrdreg s2  }
0xa9: {  	[dreg:$0x3] =	wrdreg s4  }
0xaa: {  	[dreg:$0x4] =	wrdreg $0xC0  }
0xab: {  	_ =	task [dreg:s6], $0x5FFFF  }
0xac: {  	[dreg:$0x1] =	wrdreg $0xFFFFFFFF  }
0xad: {  	[dreg:$0x0] =	wrdreg $0x60  }
0xae: {  	[dreg:$0x2] =	wrdreg s24  }
0xaf: {  	[dreg:$0x3] =	wrdreg $0x78000  }
0xb0: {  	[dreg:$0x4] =	wrdreg $0x28000  }
0xb1: {  	[dreg:$0x5] =	wrdreg $0x9  }
0xb2: {  	_ =	task.clear_ibuf [dreg:s6], $0x6FFFF;
	_ =	strace $0x9000004F  }
0xb3: {  	s29 =	simm.s32 $0x9;
	_ =	strace $0x80000051  }
0xb4: {  	_ =	swait.ge [sflag:s29], $0x1  }
0xb5: {  	[sflag:s29] =	ssyncadd.s32 $0xFFFFFFFF  }
0xb6: {  	_ =	strace $0x90000051  }
0xb7: {  	_ =	sfence  }
0xb8: {  	s30 =	sld [smem:$0x0];
	_ =	sdelay $0x2  }
0xb9: {  	s31 =	sshll.u32 s1, $0xD;
	s1 =	sshrl.u32 s1, $0x2  }
0xba: {  	s3 =	sand.u32 $0x4000, s31;
	s1 =	sadd.s32 s1, s30  }
0xbb: {  	s0 =	sor.u32 s3, s0;
	s1 =	sshll.u32 s1, $0x11  }
0xbc: {  	s0 =	sor.u32 s1, s0  }
0xbd: {  	s0 =	sadd.s32 $0x8F2B, s0  }
0xbe: {  	[sflag:s0] =	ssyncadd.remote.s32 $0x1  }
0xbf: {  	_ =	sfence.sel $0xFFFF  }
0xc0: {  	[dreg:$0x0] =	wrdreg $0xFFFFFFFF;
	(pc) =	sbr.abs _section_cstart, $3  }
0xc1: {  	[dreg:$0x1] =	wrdreg $0xFFFFFFFF  }
0xc2: {  	_ =	task.clear_ibuf [dreg:s6], $0x2FFFF;
	_ =	strace $0x9FFFFFFF  }
0xc3: {  	(tm) =	ssettm $0x7FFFFFFF  }
tec
execute0_lowered:
.L_overlay_start_1:
0x0: {  	(tag) =	ssettag $0x1  }
0x1: {  	s6 =	rddreg [dreg:$0x0]  }
0x2: {  	s2 =	rddreg [dreg:$0x1]  }
0x3: {  	s0 =	srdreg.scid;
	s3 =	rddreg [dreg:$0x2];
	s4 =	simm.s32 $0x0  }
0x4: {  	s16 =	simm.s32 $0x80;
	s17 =	simm.s32 $0xA000;
	s18 =	simm.s32 $0x5080  }
0x5: {  	s19 =	simm.s32 $0xA800;
	s20 =	simm.s32 $0x1;
	s21 =	simm.s32 $0x2  }
0x6: {  	s22 =	simm.s32 $0x3;
	s23 =	simm.s32 $0x4;
	s24 =	simm.s32 $0x2700  }
0x7: {  	s25 =	simm.s32 $0x2780;
	s5 =	sand.u32 $0x1, s0;
	s0 =	stileid.u32  }
0x8: {  	s26 =	simm.s32 $0x0;
	[smem:$0x7FF] =	sst s4;
	s9 =	smul.u32 $0x2800, s0  }
0x9: {  	s1 =	sshll.u32 s5, $0x4;
	s10 =	smul.u32 $0x28000, s5;
	s11 =	ssub.s32 $0x2, s5  }
0xa: {  	s5 =	sadd.s32 $0x17400, s6;
	s13 =	sshll.u32 s0, $0x6;
	s7 =	sor.u32 s0, s1  }
0xb: {  	s1 =	rddreg [dreg:$0x3];
	_ =	strace $0x80000050;
	s12 =	sshrl.u32 s11, $0x1  }
0xc: {  	s13 =	sor.u32 $0x1C05, s13;
	s7 =	smul.u32 $0x2800, s7;
	s8 =	sshrl.u32 s9, $0x3  }
0xd: {  	s10 =	sadd.s32 s9, s10;
	s11 =	ssub.s32 s11, s12;
	s14 =	sadd.s32 s9, s2  }
0xe: {  	s15 =	sadd.s32 s9, s3;
	s12 =	simm.s32 $0x5000;
	s8 =	sadd.s32 s8, s6  }
0xf: {  	s10 =	sshrl.u32 s10, $0x3;
	s14 =	sshrl.u32 s14, $0x3;
	s15 =	sshrl.u32 s15, $0x3  }
0x10: {  	s7 =	sshrl.u32 s7, $0x3;
	s10 =	sadd.s32 s10, s6;
	s8 =	sadd.s32 $0x67A00, s8  }
0x11: {  	s7 =	sadd.s32 s7, s6;
	s9 =	sadd.s32 $0x6CA00, s10;
	s10 =	smax.u32 s11, $0x1  }
0x12: {  	s11 =	simm.s32 $0x5;
	s6 =	sadd.s32 $0xD400, s7;
	s7 =	sadd.s32 $0x3400, s7  }
.LBB2_1:
0x13: {  	[tilespmem:s4], [sflag:$0x5] =	stream.linear.gather [hbm4b:s6+s4], $0x2800, $0x38;
	[tilespmem:$0xB000] =	vst v63  }
0x14: {  	_ =	swait.ge [sflag:s11], $0x2800  }
0x15: {  	[sflag:s11] =	ssyncset.done $0x0  }
0x16: {  	[sflag:s11] =	ssyncadd.s32 $0xFFFFD800  }
0x17: {  	[tilespmem:s12], [sflag:$0x5] =	stream.linear.gather [hbm4b:s7+s4], $0x2800, $0x38;
	[tilespmem:$0xB000] =	vst v63  }
0x18: {  	_ =	swait.ge [sflag:s11], $0x2800  }
0x19: {  	[sflag:s11] =	ssyncset.done $0x0  }
0x1a: {  	[sflag:s11] =	ssyncadd.s32 $0xFFFFD800  }
0x1b: {  	[spmem:s14], [sflag:s13] =	dma.local [hbm:s8], $0x500  }
0x1c: {  	_ =	swait.ge [sflag:s11], $0x500  }
0x1d: {  	[sflag:s11] =	ssyncset.done $0x0  }
0x1e: {  	[sflag:s11] =	ssyncadd.s32 $0xFFFFFB00  }
0x1f: {  	[spmem:s15], [sflag:s13] =	dma.local [hbm:s5], $0x500  }
0x20: {  	_ =	swait.ge [sflag:s11], $0x500  }
0x21: {  	[sflag:s11] =	ssyncset.done $0x0  }
0x22: {  	[sflag:s11] =	ssyncadd.s32 $0xFFFFFB00  }
0x23: {  	[bflag:$0x0] =	sbarrier.arrive $0xFFFF  }
0x24: {  	[tilespmem:s17], [sflag:$0x1] =	stream.indirect.gather [spmem:s2], $0x10, s12, s16, $0xb8;
	[tilespmem:$0xB000] =	vst v63  }
0x25: {  	_ = 	snop  }
0x26: {  	[tilespmem:s19], [sflag:$0x2] =	stream.indirect.gather [spmem:s2], $0x10, s18, s16, $0xb8;
	[tilespmem:$0xB000] =	vst v63  }
0x27: {  	_ =	swait.ge [sflag:s20], $0x800  }
0x28: {  	[sflag:s20] =	ssyncset.done $0x0  }
0x29: {  	s28 =	simm.s32 $0x0;
	[sflag:s20] =	ssyncadd.s32 $0xFFFFF800  }
0x2a: {  	[spmem:s3] =	stream.indirect.scatter.add.f32 [tilespmem:s17], [sflag:$0x3], $0x10, s28, s16, $0xb8;
	[tilespmem:$0xB000] =	vst v63  }
0x2b: {  	_ =	swait.ge [sflag:s21], $0x800  }
0x2c: {  	[sflag:s21] =	ssyncset.done $0x0  }
0x2d: {  	s28 =	simm.s32 $0x80;
	[sflag:s21] =	ssyncadd.s32 $0xFFFFF800  }
0x2e: {  	[spmem:s3] =	stream.indirect.scatter.add.f32 [tilespmem:s19], [sflag:$0x4], $0x10, s28, s16, $0xb8;
	[tilespmem:$0xB000] =	vst v63  }
0x2f: {  	_ =	swait.ge [sflag:s22], $0x800  }
0x30: {  	[sflag:s22] =	ssyncset.done $0x0  }
0x31: {  	s28 =	simm.s32 $0x5100;
	[sflag:s22] =	ssyncadd.s32 $0xFFFFF800  }
0x32: {  	[tilespmem:s17], [sflag:$0x1] =	stream.indirect.gather [spmem:s2], $0x10, s28, s16, $0xb8;
	[tilespmem:$0xB000] =	vst v63  }
0x33: {  	_ =	swait.ge [sflag:s23], $0x800  }
0x34: {  	[sflag:s23] =	ssyncset.done $0x0  }
0x35: {  	s29 =	simm.s32 $0x5180;
	s28 =	simm.s32 $0x400;
	[sflag:s23] =	ssyncadd.s32 $0xFFFFF800  }
.LBB2_2:
0x36: {  	[tilespmem:s19], [sflag:$0x2] =	stream.indirect.gather [spmem:s2], $0x10, s29, s16, $0xb8;
	[tilespmem:$0xB000] =	vst v63  }
0x37: {  	s29 =	smov.u32 s28  }
0x38: {  	p0 =	sne.s32 s28, $0x9800;
	s28 =	sadd.s32 $0x400, s28;
	_ =	swait.ge [sflag:s20], $0x800  }
0x39: {  	[sflag:s20] =	ssyncset.done $0x0  }
0x3a: {  	s29 =	sshra.s32 s29, $0x2;
	[sflag:s20] =	ssyncadd.s32 $0xFFFFF800  }
0x3b: {  	[spmem:s3] =	stream.indirect.scatter.add.f32 [tilespmem:s17], [sflag:$0x3], $0x10, s29, s16, $0xb8;
	[tilespmem:$0xB000] =	vst v63  }
0x3c: {  	_ =	swait.ge [sflag:s21], $0x800  }
0x3d: {  	[sflag:s21] =	ssyncset.done $0x0  }
0x3e: {  	s30 =	sadd.s32 $0x80, s29;
	[sflag:s21] =	ssyncadd.s32 $0xFFFFF800  }
0x3f: {  	[spmem:s3] =	stream.indirect.scatter.add.f32 [tilespmem:s19], [sflag:$0x4], $0x10, s30, s16, $0xb8;
	[tilespmem:$0xB000] =	vst v63  }
0x40: {  	_ =	swait.ge [sflag:s22], $0x800  }
0x41: {  	[sflag:s22] =	ssyncset.done $0x0  }
.Ltmp0:
0x42: {  	s30 =	sadd.s32 $0x5100, s29;
	[sflag:s22] =	ssyncadd.s32 $0xFFFFF800;
	(pc) =	sbr.rel @p0 .LBB2_2-.Ltmp0, $4  }
0x43: {  	[tilespmem:s17], [sflag:$0x1] =	stream.indirect.gather [spmem:s2], $0x10, s30, s16, $0xb8;
	[tilespmem:$0xB000] =	vst v63  }
0x44: {  	_ =	swait.ge [sflag:s23], $0x800  }
0x45: {  	[sflag:s23] =	ssyncset.done $0x0  }
0x46: {  	s29 =	sadd.s32 $0x5180, s29;
	[sflag:s23] =	ssyncadd.s32 $0xFFFFF800  }
0x47: {  	[tilespmem:s19], [sflag:$0x2] =	stream.indirect.gather [spmem:s2], $0x10, s29, s16, $0xb8;
	[tilespmem:$0xB000] =	vst v63  }
0x48: {  	_ =	swait.ge [sflag:s20], $0x800  }
0x49: {  	[sflag:s20] =	ssyncset.done $0x0  }
0x4a: {  	[sflag:s20] =	ssyncadd.s32 $0xFFFFF800  }
0x4b: {  	[spmem:s3] =	stream.indirect.scatter.add.f32 [tilespmem:s17], [sflag:$0x3], $0x10, s24, s16, $0xb8;
	[tilespmem:$0xB000] =	vst v63  }
0x4c: {  	_ =	swait.ge [sflag:s21], $0x800  }
0x4d: {  	[sflag:s21] =	ssyncset.done $0x0  }
0x4e: {  	[sflag:s21] =	ssyncadd.s32 $0xFFFFF800  }
0x4f: {  	[spmem:s3] =	stream.indirect.scatter.add.f32 [tilespmem:s19], [sflag:$0x4], $0x10, s25, s16, $0xb8;
	[tilespmem:$0xB000] =	vst v63  }
0x50: {  	_ =	swait.ge [sflag:s22], $0x800  }
0x51: {  	[sflag:s22] =	ssyncset.done $0x0  }
0x52: {  	[sflag:s22] =	ssyncadd.s32 $0xFFFFF800  }
0x53: {  	_ =	swait.ge [sflag:s23], $0x800  }
0x54: {  	s26 =	sadd.s32 $0x1, s26;
	[sflag:s23] =	ssyncset.done $0x0  }
0x55: {  	p0 =	sne.s32 s26, s10;
	[sflag:s23] =	ssyncadd.s32 $0xFFFFF800  }
.Ltmp1:
0x56: {  	[bflag:$0x0] =	sbarrier.arrive $0xFFFF;
	(pc) =	sbr.rel @p0 .LBB2_1-.Ltmp1, $4  }
0x57: {  	[hbm:s9], [sflag:s13] =	dma.local [spmem:s15], $0x500  }
0x58: {  	_ =	swait.ge [sflag:s11], $0x500  }
0x59: {  	[sflag:s11] =	ssyncset.done $0x0  }
0x5a: {  	[sflag:s11] =	ssyncadd.s32 $0xFFFFFB00  }
0x5b: {  	_ =	sfence.sel $0x180000  }
0x5c: {  	[bflag:$0x0] =	sbarrier.arrive $0xFFFF  }
0x5d: {  	p0 =	sne.s32 s0, $0x0;
	_ =	strace $0x90000050  }
0x5e: {  	s0 =	sadd.s32 @!p0 $0x100000, s1;
	[bflag:$0x2] =	sbarrier.arrive $0xFFFF  }
0x5f: {  	[sflag:s0] =	ssyncadd.tile.s32 @!p0 $0x1;
	_ =	shalt  }
.Lfunc_end2:
_tile_overlayer_lowered:
.L_overlay_start_2:
0x60: {  	(tag) =	ssettag $0x2  }
0x61: {  	s0 =	rddreg [dreg:$0x0];
	s2 =	stileid.u32  }
0x62: {  	s1 =	rddreg [dreg:$0x1];
	p0 =	sne.s32 s2, $0x0  }
0x63: {  	s3 =	rddreg [dreg:$0x2];
	[bflag:$0x3] =	sbarrier.arrive $0xFFFF;
	s2 =	simm.s32 @!p0 $0x1C05  }
0x64: {  	[timem:s3], [sflag:s2] =	dma.local @!p0 [hbm:s0], s1  }
0x65: {  	s0 =	simm.s32 @!p0 $0x5  }
0x66: {  	_ =	swait.ge @!p0 [sflag:s0], s1  }
0x67: {  	s1 =	ssub.s32 @!p0 $0x0, s1;
	[sflag:s0] =	ssyncset.done @!p0 $0x0  }
0x68: {  	[sflag:s0] =	ssyncadd.s32 @!p0 s1  }
0x69: {  	[bflag:$0x3] =	sbarrier.arrive $0xFFFF  }
0x6a: {  	_ =	shalt  }

</sc_bundles>
